<compile_context>
chip_gen: v7x
topology: tpu7x:2x2x1
jax: 0.10.2.dev20260603
libtpu: 0.0.44.dev20260713+nightly
codegen_flags: <defaults>
</compile_context>

<pallas_src>
import functools

import jax
import jax.numpy as jnp
import numpy as np
from jax import lax
from jax.experimental import pallas as pl
from jax.experimental.pallas import tpu as pltpu
from jax.experimental.pallas import tpu_sc as plsc

_N = 10000
_D = 128
_E = 320000
_BN_EPS = 1e-5
_BN_SCALE = float(1.0 / np.sqrt(1.0 + _BN_EPS))

_NC = 2
_NS = 16
_NW = _NC * _NS
_CH = 120
_CPT = 84
_EPAD = _NW * _CPT * _CH
_NPAD = 10112
_RPS = _NPAD // _NS
_RLAST = _N - (_NS - 1) * _RPS


def _sc_segment_sum(h, src1, dst1, zrows):
    mesh = plsc.VectorSubcoreMesh(
        core_axis_name="c", subcore_axis_name="s",
        num_cores=_NC, num_subcores=_NS)

    @functools.partial(
        pl.kernel,
        out_type=jax.ShapeDtypeStruct((_NC, _N, _D), jnp.float32),
        mesh=mesh,
        scratch_types=[
            pltpu.VMEM_SHARED((_NPAD, _D), jnp.float32),
        ] + [pltpu.VMEM((_CH,), jnp.int32) for _ in range(12)]
          + [pltpu.VMEM((_CH, _D), jnp.float32) for _ in range(3)]
          + [pltpu.SemaphoreType.DMA for _ in range(9)],
    )
    def k(h_hbm, src_hbm, dst_hbm, z_hbm, out_hbm, agg_sh,
          si0, si1, si2, si3, si4, si5, di0, di1, di2, di3, di4, di5,
          r0, r1, r2, mi0, mi1, mi2, mi3, mi4, mi5, mg0, mg1, mg2):
        sbuf = (si0, si1, si2, si3, si4, si5)
        dbuf = (di0, di1, di2, di3, di4, di5)
        rows = (r0, r1, r2)
        mi = (mi0, mi1, mi2, mi3, mi4, mi5)
        mg = (mg0, mg1, mg2)
        c = lax.axis_index("c")
        s = lax.axis_index("s")
        wid = s * _NC + c
        rbase = s * _RPS
        ebase = wid * (_CPT * _CH)

        pltpu.sync_copy(z_hbm, agg_sh.at[pl.ds(rbase, _RPS)])
        plsc.subcore_barrier()

        @pl.loop(0, _CPT // 6)
        def _(t):
            base = ebase + t * (6 * _CH)
            ia = []
            ib = []
            for kk in range(6):
                off = base + kk * _CH
                ia.append(pltpu.async_copy(src_hbm.at[pl.ds(off, _CH)],
                                           sbuf[kk], mi[kk]))
                ib.append(pltpu.async_copy(dst_hbm.at[pl.ds(off, _CH)],
                                           dbuf[kk], mi[kk]))
            g = [None] * 6
            sc = [None] * 6
            for kk in range(3):
                ia[kk].wait()
                ib[kk].wait()
                g[kk] = pltpu.async_copy(h_hbm.at[sbuf[kk]], rows[kk], mg[kk])
            for kk in range(3):
                g[kk].wait()
                sc[kk] = pltpu.async_copy(rows[kk], agg_sh.at[dbuf[kk]],
                                          mg[kk], add=True)
            for kk in range(3, 6):
                b = kk - 3
                sc[b].wait()
                ia[kk].wait()
                ib[kk].wait()
                g[kk] = pltpu.async_copy(h_hbm.at[sbuf[kk]], rows[b], mg[b])
            for kk in range(3, 6):
                b = kk - 3
                g[kk].wait()
                sc[kk] = pltpu.async_copy(rows[b], agg_sh.at[dbuf[kk]],
                                          mg[b], add=True)
            for kk in range(3, 6):
                sc[kk].wait()

        plsc.subcore_barrier()

        @pl.when(s < _NS - 1)
        def _():
            pltpu.sync_copy(agg_sh.at[pl.ds(rbase, _RPS)],
                            out_hbm.at[c, pl.ds(rbase, _RPS)])

        @pl.when(s == _NS - 1)
        def _():
            pltpu.sync_copy(agg_sh.at[pl.ds(rbase, _RLAST)],
                            out_hbm.at[c, pl.ds(rbase, _RLAST)])

    return k(h, src1, dst1, zrows)


def _mlp(h, agg, W1, b1r, W2f, b2f, epsv, relu_out):
    BR = 1000

    def body(eps_ref, h_ref, agg_ref, w1_ref, b1_ref, w2_ref, b2_ref, out_ref):
        z = eps_ref[...] * h_ref[...] + agg_ref[0] + agg_ref[1]
        z = jnp.dot(z, w1_ref[...], preferred_element_type=jnp.float32) + b1_ref[...]
        z = jnp.maximum(z, 0.0)
        z = jnp.dot(z, w2_ref[...], preferred_element_type=jnp.float32) + b2_ref[...]
        if relu_out:
            z = jnp.maximum(z, 0.0)
        out_ref[...] = z

    return pl.pallas_call(
        body,
        grid=(_N // BR,),
        in_specs=[
            pl.BlockSpec((1, _D), lambda i: (0, 0)),
            pl.BlockSpec((BR, _D), lambda i: (i, 0)),
            pl.BlockSpec((_NC, BR, _D), lambda i: (0, i, 0)),
            pl.BlockSpec((_D, _D), lambda i: (0, 0)),
            pl.BlockSpec((1, _D), lambda i: (0, 0)),
            pl.BlockSpec((_D, _D), lambda i: (0, 0)),
            pl.BlockSpec((1, _D), lambda i: (0, 0)),
        ],
        out_specs=pl.BlockSpec((BR, _D), lambda i: (i, 0)),
        out_shape=jax.ShapeDtypeStruct((_N, _D), jnp.float32),
    )(epsv, h, agg, W1, b1r, W2f, b2f)


def kernel(x, edge_index,
           W1_0, b1_0, W2_0, b2_0, eps_0, gamma_0, beta_0,
           W1_1, b1_1, W2_1, b2_1, eps_1, gamma_1, beta_1,
           W1_2, b1_2, W2_2, b2_2, eps_2, gamma_2, beta_2):
    npad_e = _EPAD - _E
    src_pad = jnp.arange(npad_e, dtype=jnp.int32) % _N
    dst_pad = (_N + (jnp.arange(npad_e, dtype=jnp.int32) % (_NPAD - _N)))
    src1 = jnp.concatenate([edge_index[0], src_pad])
    dst1 = jnp.concatenate([edge_index[1], dst_pad])
    zrows = jnp.zeros((_RPS, _D), jnp.float32)

    layers = [
        (W1_0, b1_0, W2_0, b2_0, eps_0, gamma_0, beta_0),
        (W1_1, b1_1, W2_1, b2_1, eps_1, gamma_1, beta_1),
        (W1_2, b1_2, W2_2, b2_2, eps_2, gamma_2, beta_2),
    ]
    h = x
    for i, (W1, b1, W2, b2, eps, gamma, beta) in enumerate(layers):
        agg = _sc_segment_sum(h, src1, dst1, zrows)
        gs = gamma * _BN_SCALE
        W2f = W2 * gs[None, :]
        b2f = (b2 * gs + beta).reshape(1, _D)
        epsv = jnp.broadcast_to(1.0 + eps, (1, _D)).astype(jnp.float32)
        h = _mlp(h, agg, W1, b1.reshape(1, _D), W2f, b2f, epsv, i < 2)
    return h

# --- scband reference (transcript-rebuilt; emitter-appended) ---
"""Pipeline reference for scband-ginmodel-67095979099186 (READ-ONLY COPY).

The authoritative reference and input builder live on the scoring server;
editing this copy changes nothing except your own understanding.
"""

import jax, jax.numpy as jnp
import numpy as np

N = 10000
E = 320000
D = 128
H = 128
O = 128
L = 3
BN_EPS = 1e-5


def setup_inputs(seed: int = 0) -> dict:
    key = jax.random.key(seed)
    ks = jax.random.split(key, 2 + 2 * L)
    inp = {}
    inp["x"] = jax.random.normal(ks[0], (N, D), dtype=jnp.float32)
    inp["edge_index"] = jax.random.randint(ks[1], (2, E), 0, N, dtype=jnp.int32)
    dims = [D] + [H] * (L - 1) + [O]
    for i in range(L):
        k1, k2 = jax.random.split(ks[2 + i])
        inp[f"W1_{i}"] = jax.random.normal(k1, (dims[i], H), dtype=jnp.float32) * (1.0 / np.sqrt(dims[i]))
        inp[f"b1_{i}"] = jnp.zeros((H,), dtype=jnp.float32)
        inp[f"W2_{i}"] = jax.random.normal(k2, (H, dims[i + 1]), dtype=jnp.float32) * (1.0 / np.sqrt(H))
        inp[f"b2_{i}"] = jnp.zeros((dims[i + 1],), dtype=jnp.float32)
        inp[f"eps_{i}"] = jnp.zeros((), dtype=jnp.float32)
        inp[f"gamma_{i}"] = jnp.ones((dims[i + 1],), dtype=jnp.float32)
        inp[f"beta_{i}"] = jnp.zeros((dims[i + 1],), dtype=jnp.float32)
    return inp


def reference(x, edge_index,
              W1_0, b1_0, W2_0, b2_0, eps_0, gamma_0, beta_0,
              W1_1, b1_1, W2_1, b2_1, eps_1, gamma_1, beta_1,
              W1_2, b1_2, W2_2, b2_2, eps_2, gamma_2, beta_2):
    # GINModel forward in eval mode: dropout is identity, BatchNorm1d uses
    # running stats (mean=0, var=1 at init) -> (h / sqrt(1+eps_bn)) * gamma + beta.
    src = edge_index[0]
    dst = edge_index[1]
    layers = [
        (W1_0, b1_0, W2_0, b2_0, eps_0, gamma_0, beta_0),
        (W1_1, b1_1, W2_1, b2_1, eps_1, gamma_1, beta_1),
        (W1_2, b1_2, W2_2, b2_2, eps_2, gamma_2, beta_2),
    ]
    h = x
    for i, (W1, b1, W2, b2, eps, gamma, beta) in enumerate(layers):
        # GINConv: (1 + eps) * x_i + sum_{j in N(i)} x_j, then MLP
        msg = jnp.take(h, src, axis=0)
        agg = jax.ops.segment_sum(msg, dst, num_segments=N)
        z = (1.0 + eps) * h + agg
        z = jnp.maximum(z @ W1 + b1, 0.0)
        z = z @ W2 + b2
        # BatchNorm1d (eval, running_mean=0, running_var=1)
        z = (z / jnp.sqrt(1.0 + BN_EPS)) * gamma + beta
        if i < L - 1:
            z = jax.nn.relu(z)
        h = z
    return h

if __name__ == "__main__":
    import jax
    _d = setup_inputs()
    print(jax.jit(kernel)(*tuple(_d.values())))

</pallas_src>

<mosaic_0001>
#map = affine_map<(d0, d1) -> (0, 0)>
#map1 = affine_map<(d0, d1) -> (0)>
#map2 = affine_map<(d0, d1) -> (0, 0, 0)>
module attributes {stable_mosaic.version = 14 : i64} {
  func.func @k(%arg0: i32, %arg1: i32, %arg2: memref<10000x128xf32, #tpu.memory_space<hbm>>, %arg3: memref<322560xi32, #tpu.memory_space<hbm>>, %arg4: memref<322560xi32, #tpu.memory_space<hbm>>, %arg5: memref<632x128xf32, #tpu.memory_space<hbm>>, %arg6: memref<2x10000x128xf32, #tpu.memory_space<hbm>>, %arg7: memref<10112x128xf32, #tpu.memory_space<vmem_shared>>, %arg8: memref<120xi32, #tpu.memory_space<vmem>>, %arg9: memref<120xi32, #tpu.memory_space<vmem>>, %arg10: memref<120xi32, #tpu.memory_space<vmem>>, %arg11: memref<120xi32, #tpu.memory_space<vmem>>, %arg12: memref<120xi32, #tpu.memory_space<vmem>>, %arg13: memref<120xi32, #tpu.memory_space<vmem>>, %arg14: memref<120xi32, #tpu.memory_space<vmem>>, %arg15: memref<120xi32, #tpu.memory_space<vmem>>, %arg16: memref<120xi32, #tpu.memory_space<vmem>>, %arg17: memref<120xi32, #tpu.memory_space<vmem>>, %arg18: memref<120xi32, #tpu.memory_space<vmem>>, %arg19: memref<120xi32, #tpu.memory_space<vmem>>, %arg20: memref<120x128xf32, #tpu.memory_space<vmem>>, %arg21: memref<120x128xf32, #tpu.memory_space<vmem>>, %arg22: memref<120x128xf32, #tpu.memory_space<vmem>>, %arg23: memref<!tpu.dma_semaphore, #tpu.memory_space<semaphore_mem>>, %arg24: memref<!tpu.dma_semaphore, #tpu.memory_space<semaphore_mem>>, %arg25: memref<!tpu.dma_semaphore, #tpu.memory_space<semaphore_mem>>, %arg26: memref<!tpu.dma_semaphore, #tpu.memory_space<semaphore_mem>>, %arg27: memref<!tpu.dma_semaphore, #tpu.memory_space<semaphore_mem>>, %arg28: memref<!tpu.dma_semaphore, #tpu.memory_space<semaphore_mem>>, %arg29: memref<!tpu.dma_semaphore, #tpu.memory_space<semaphore_mem>>, %arg30: memref<!tpu.dma_semaphore, #tpu.memory_space<semaphore_mem>>, %arg31: memref<!tpu.dma_semaphore, #tpu.memory_space<semaphore_mem>>) attributes {dimension_semantics = [#tpu.dimension_semantics<core_parallel>, #tpu.dimension_semantics<subcore_parallel>], iteration_bounds = array<i64: 2, 16>, scalar_prefetch = 0 : i64, scratch_operands = 25 : i64, tpu.core_type = #tpu.core_type<sc_vector_subcore>, window_params = [{transform_indices = #map}, {transform_indices = #map1}, {transform_indices = #map1}, {transform_indices = #map}, {transform_indices = #map2}]} {
    %mul3A = arith.constant 2 : i32
    %mul3A_0 = arith.muli %arg1, %mul3A : i32
    %add3A = arith.addi %mul3A_0, %arg0 : i32
    %mul3A_1 = arith.constant 632 : i32
    %mul3A_2 = arith.muli %arg1, %mul3A_1 : i32
    %mul3A_3 = arith.constant 10080 : i32
    %mul3A_4 = arith.muli %add3A, %mul3A_3 : i32
    "tpu.region"() ({
      %run_scoped3A = tpu.sem_alloc : memref<!tpu.dma_semaphore, #tpu.memory_space<semaphore_mem>>
      %dma_start3A = arith.constant 0 : i32
      %dma_start3A_16 = tpu.memref_slice %arg7[%mul3A_2, %dma_start3A] : memref<10112x128xf32, #tpu.memory_space<vmem_shared>> -> memref<632x128xf32, #tpu.memory_space<vmem_shared>>
      tpu.enqueue_dma source(%arg5 : memref<632x128xf32, #tpu.memory_space<hbm>>) target(%dma_start3A_16 : memref<632x128xf32, #tpu.memory_space<vmem_shared>>) target_semaphore(%run_scoped3A : memref<!tpu.dma_semaphore, #tpu.memory_space<semaphore_mem>>)
      %dma_wait3A = arith.constant 0 : i32
      %dma_wait3A_17 = tpu.memref_slice %arg7[%mul3A_2, %dma_wait3A] : memref<10112x128xf32, #tpu.memory_space<vmem_shared>> -> memref<632x128xf32, #tpu.memory_space<vmem_shared>>
      tpu.wait_dma2 semaphore(%run_scoped3A : memref<!tpu.dma_semaphore, #tpu.memory_space<semaphore_mem>>) src(%arg5 : memref<632x128xf32, #tpu.memory_space<hbm>>) dst(%dma_wait3A_17 : memref<632x128xf32, #tpu.memory_space<vmem_shared>>)
      tpu.yield
    }) : () -> ()
    %barrier3A = arith.constant 0 : index
    tpu.barrier barrier_id(%barrier3A)
    %scan3A = arith.constant 0 : i32
    %scan3A_5 = arith.constant 14 : i32
    %scan3A_6 = arith.addi %scan3A, %scan3A_5 : i32
    %scan3A_7 = arith.constant 1 : i32
    scf.for %scan3A_16 = %scan3A to %scan3A_6 step %scan3A_7  : i32 {
      %mul3A_17 = arith.constant 1 : i32
      %mul3A_18 = arith.muli %scan3A_16, %mul3A_17 : i32
      %add3A_19 = arith.constant 0 : i32
      %add3A_20 = arith.addi %add3A_19, %mul3A_18 : i32
      %mul3A_21 = arith.constant 720 : i32
      %mul3A_22 = arith.muli %add3A_20, %mul3A_21 : i32
      %add3A_23 = arith.addi %mul3A_4, %mul3A_22 : i32
      %add3A_24 = arith.constant 0 : i32
      %add3A_25 = arith.addi %add3A_23, %add3A_24 : i32
      %dma_start3A = tpu.memref_slice %arg3[%add3A_25] : memref<322560xi32, #tpu.memory_space<hbm>> -> memref<120xi32, #tpu.memory_space<hbm>>
      %dma_start3A_26 = tpu.memref_slice %arg3[%add3A_25] : memref<322560xi32, #tpu.memory_space<hbm>> -> memref<120xi32, #tpu.memory_space<hbm>>
      tpu.enqueue_dma source(%dma_start3A_26 : memref<120xi32, #tpu.memory_space<hbm>>) target(%arg8 : memref<120xi32, #tpu.memory_space<vmem>>) target_semaphore(%arg23 : memref<!tpu.dma_semaphore, #tpu.memory_space<semaphore_mem>>)
      %dma_start3A_27 = tpu.memref_slice %arg4[%add3A_25] : memref<322560xi32, #tpu.memory_space<hbm>> -> memref<120xi32, #tpu.memory_space<hbm>>
      %dma_start3A_28 = tpu.memref_slice %arg4[%add3A_25] : memref<322560xi32, #tpu.memory_space<hbm>> -> memref<120xi32, #tpu.memory_space<hbm>>
      tpu.enqueue_dma source(%dma_start3A_28 : memref<120xi32, #tpu.memory_space<hbm>>) target(%arg14 : memref<120xi32, #tpu.memory_space<vmem>>) target_semaphore(%arg23 : memref<!tpu.dma_semaphore, #tpu.memory_space<semaphore_mem>>)
      %add3A_29 = arith.constant 120 : i32
      %add3A_30 = arith.addi %add3A_23, %add3A_29 : i32
      %dma_start3A_31 = tpu.memref_slice %arg3[%add3A_30] : memref<322560xi32, #tpu.memory_space<hbm>> -> memref<120xi32, #tpu.memory_space<hbm>>
      %dma_start3A_32 = tpu.memref_slice %arg3[%add3A_30] : memref<322560xi32, #tpu.memory_space<hbm>> -> memref<120xi32, #tpu.memory_space<hbm>>
      tpu.enqueue_dma source(%dma_start3A_32 : memref<120xi32, #tpu.memory_space<hbm>>) target(%arg9 : memref<120xi32, #tpu.memory_space<vmem>>) target_semaphore(%arg24 : memref<!tpu.dma_semaphore, #tpu.memory_space<semaphore_mem>>)
      %dma_start3A_33 = tpu.memref_slice %arg4[%add3A_30] : memref<322560xi32, #tpu.memory_space<hbm>> -> memref<120xi32, #tpu.memory_space<hbm>>
      %dma_start3A_34 = tpu.memref_slice %arg4[%add3A_30] : memref<322560xi32, #tpu.memory_space<hbm>> -> memref<120xi32, #tpu.memory_space<hbm>>
      tpu.enqueue_dma source(%dma_start3A_34 : memref<120xi32, #tpu.memory_space<hbm>>) target(%arg15 : memref<120xi32, #tpu.memory_space<vmem>>) target_semaphore(%arg24 : memref<!tpu.dma_semaphore, #tpu.memory_space<semaphore_mem>>)
      %add3A_35 = arith.constant 240 : i32
      %add3A_36 = arith.addi %add3A_23, %add3A_35 : i32
      %dma_start3A_37 = tpu.memref_slice %arg3[%add3A_36] : memref<322560xi32, #tpu.memory_space<hbm>> -> memref<120xi32, #tpu.memory_space<hbm>>
      %dma_start3A_38 = tpu.memref_slice %arg3[%add3A_36] : memref<322560xi32, #tpu.memory_space<hbm>> -> memref<120xi32, #tpu.memory_space<hbm>>
      tpu.enqueue_dma source(%dma_start3A_38 : memref<120xi32, #tpu.memory_space<hbm>>) target(%arg10 : memref<120xi32, #tpu.memory_space<vmem>>) target_semaphore(%arg25 : memref<!tpu.dma_semaphore, #tpu.memory_space<semaphore_mem>>)
      %dma_start3A_39 = tpu.memref_slice %arg4[%add3A_36] : memref<322560xi32, #tpu.memory_space<hbm>> -> memref<120xi32, #tpu.memory_space<hbm>>
      %dma_start3A_40 = tpu.memref_slice %arg4[%add3A_36] : memref<322560xi32, #tpu.memory_space<hbm>> -> memref<120xi32, #tpu.memory_space<hbm>>
      tpu.enqueue_dma source(%dma_start3A_40 : memref<120xi32, #tpu.memory_space<hbm>>) target(%arg16 : memref<120xi32, #tpu.memory_space<vmem>>) target_semaphore(%arg25 : memref<!tpu.dma_semaphore, #tpu.memory_space<semaphore_mem>>)
      %add3A_41 = arith.constant 360 : i32
      %add3A_42 = arith.addi %add3A_23, %add3A_41 : i32
      %dma_start3A_43 = tpu.memref_slice %arg3[%add3A_42] : memref<322560xi32, #tpu.memory_space<hbm>> -> memref<120xi32, #tpu.memory_space<hbm>>
      %dma_start3A_44 = tpu.memref_slice %arg3[%add3A_42] : memref<322560xi32, #tpu.memory_space<hbm>> -> memref<120xi32, #tpu.memory_space<hbm>>
      tpu.enqueue_dma source(%dma_start3A_44 : memref<120xi32, #tpu.memory_space<hbm>>) target(%arg11 : memref<120xi32, #tpu.memory_space<vmem>>) target_semaphore(%arg26 : memref<!tpu.dma_semaphore, #tpu.memory_space<semaphore_mem>>)
      %dma_start3A_45 = tpu.memref_slice %arg4[%add3A_42] : memref<322560xi32, #tpu.memory_space<hbm>> -> memref<120xi32, #tpu.memory_space<hbm>>
      %dma_start3A_46 = tpu.memref_slice %arg4[%add3A_42] : memref<322560xi32, #tpu.memory_space<hbm>> -> memref<120xi32, #tpu.memory_space<hbm>>
      tpu.enqueue_dma source(%dma_start3A_46 : memref<120xi32, #tpu.memory_space<hbm>>) target(%arg17 : memref<120xi32, #tpu.memory_space<vmem>>) target_semaphore(%arg26 : memref<!tpu.dma_semaphore, #tpu.memory_space<semaphore_mem>>)
      %add3A_47 = arith.constant 480 : i32
      %add3A_48 = arith.addi %add3A_23, %add3A_47 : i32
      %dma_start3A_49 = tpu.memref_slice %arg3[%add3A_48] : memref<322560xi32, #tpu.memory_space<hbm>> -> memref<120xi32, #tpu.memory_space<hbm>>
      %dma_start3A_50 = tpu.memref_slice %arg3[%add3A_48] : memref<322560xi32, #tpu.memory_space<hbm>> -> memref<120xi32, #tpu.memory_space<hbm>>
      tpu.enqueue_dma source(%dma_start3A_50 : memref<120xi32, #tpu.memory_space<hbm>>) target(%arg12 : memref<120xi32, #tpu.memory_space<vmem>>) target_semaphore(%arg27 : memref<!tpu.dma_semaphore, #tpu.memory_space<semaphore_mem>>)
      %dma_start3A_51 = tpu.memref_slice %arg4[%add3A_48] : memref<322560xi32, #tpu.memory_space<hbm>> -> memref<120xi32, #tpu.memory_space<hbm>>
      %dma_start3A_52 = tpu.memref_slice %arg4[%add3A_48] : memref<322560xi32, #tpu.memory_space<hbm>> -> memref<120xi32, #tpu.memory_space<hbm>>
      tpu.enqueue_dma source(%dma_start3A_52 : memref<120xi32, #tpu.memory_space<hbm>>) target(%arg18 : memref<120xi32, #tpu.memory_space<vmem>>) target_semaphore(%arg27 : memref<!tpu.dma_semaphore, #tpu.memory_space<semaphore_mem>>)
      %add3A_53 = arith.constant 600 : i32
      %add3A_54 = arith.addi %add3A_23, %add3A_53 : i32
      %dma_start3A_55 = tpu.memref_slice %arg3[%add3A_54] : memref<322560xi32, #tpu.memory_space<hbm>> -> memref<120xi32, #tpu.memory_space<hbm>>
      %dma_start3A_56 = tpu.memref_slice %arg3[%add3A_54] : memref<322560xi32, #tpu.memory_space<hbm>> -> memref<120xi32, #tpu.memory_space<hbm>>
      tpu.enqueue_dma source(%dma_start3A_56 : memref<120xi32, #tpu.memory_space<hbm>>) target(%arg13 : memref<120xi32, #tpu.memory_space<vmem>>) target_semaphore(%arg28 : memref<!tpu.dma_semaphore, #tpu.memory_space<semaphore_mem>>)
      %dma_start3A_57 = tpu.memref_slice %arg4[%add3A_54] : memref<322560xi32, #tpu.memory_space<hbm>> -> memref<120xi32, #tpu.memory_space<hbm>>
      %dma_start3A_58 = tpu.memref_slice %arg4[%add3A_54] : memref<322560xi32, #tpu.memory_space<hbm>> -> memref<120xi32, #tpu.memory_space<hbm>>
      tpu.enqueue_dma source(%dma_start3A_58 : memref<120xi32, #tpu.memory_space<hbm>>) target(%arg19 : memref<120xi32, #tpu.memory_space<vmem>>) target_semaphore(%arg28 : memref<!tpu.dma_semaphore, #tpu.memory_space<semaphore_mem>>)
      %dma_wait3A = tpu.memref_slice %arg3[%add3A_25] : memref<322560xi32, #tpu.memory_space<hbm>> -> memref<120xi32, #tpu.memory_space<hbm>>
      %dma_wait3A_59 = tpu.memref_slice %arg3[%add3A_25] : memref<322560xi32, #tpu.memory_space<hbm>> -> memref<120xi32, #tpu.memory_space<hbm>>
      tpu.wait_dma2 semaphore(%arg23 : memref<!tpu.dma_semaphore, #tpu.memory_space<semaphore_mem>>) src(%dma_wait3A_59 : memref<120xi32, #tpu.memory_space<hbm>>) dst(%arg8 : memref<120xi32, #tpu.memory_space<vmem>>)
      %dma_wait3A_60 = tpu.memref_slice %arg4[%add3A_25] : memref<322560xi32, #tpu.memory_space<hbm>> -> memref<120xi32, #tpu.memory_space<hbm>>
      %dma_wait3A_61 = tpu.memref_slice %arg4[%add3A_25] : memref<322560xi32, #tpu.memory_space<hbm>> -> memref<120xi32, #tpu.memory_space<hbm>>
      tpu.wait_dma2 semaphore(%arg23 : memref<!tpu.dma_semaphore, #tpu.memory_space<semaphore_mem>>) src(%dma_wait3A_61 : memref<120xi32, #tpu.memory_space<hbm>>) dst(%arg14 : memref<120xi32, #tpu.memory_space<vmem>>)
      %dma_start3A_62 = arith.constant 0 : i32
      %dma_start3A_63 = arith.constant 0 : i32
      %dma_start3A_64 = tpu.memref_slice %arg2[%dma_start3A_62, %dma_start3A_63] : memref<10000x128xf32, #tpu.memory_space<hbm>> -> memref<10000x128xf32, #tpu.memory_space<hbm>>
      tpu.enqueue_indirect_dma source(%dma_start3A_64 : memref<10000x128xf32, #tpu.memory_space<hbm>>) target(%arg20 : memref<120x128xf32, #tpu.memory_space<vmem>>) offsets(%arg8 : memref<120xi32, #tpu.memory_space<vmem>>) semaphore(%arg29 : memref<!tpu.dma_semaphore, #tpu.memory_space<semaphore_mem>>)
      %dma_wait3A_65 = tpu.memref_slice %arg3[%add3A_30] : memref<322560xi32, #tpu.memory_space<hbm>> -> memref<120xi32, #tpu.memory_space<hbm>>
      %dma_wait3A_66 = tpu.memref_slice %arg3[%add3A_30] : memref<322560xi32, #tpu.memory_space<hbm>> -> memref<120xi32, #tpu.memory_space<hbm>>
      tpu.wait_dma2 semaphore(%arg24 : memref<!tpu.dma_semaphore, #tpu.memory_space<semaphore_mem>>) src(%dma_wait3A_66 : memref<120xi32, #tpu.memory_space<hbm>>) dst(%arg9 : memref<120xi32, #tpu.memory_space<vmem>>)
      %dma_wait3A_67 = tpu.memref_slice %arg4[%add3A_30] : memref<322560xi32, #tpu.memory_space<hbm>> -> memref<120xi32, #tpu.memory_space<hbm>>
      %dma_wait3A_68 = tpu.memref_slice %arg4[%add3A_30] : memref<322560xi32, #tpu.memory_space<hbm>> -> memref<120xi32, #tpu.memory_space<hbm>>
      tpu.wait_dma2 semaphore(%arg24 : memref<!tpu.dma_semaphore, #tpu.memory_space<semaphore_mem>>) src(%dma_wait3A_68 : memref<120xi32, #tpu.memory_space<hbm>>) dst(%arg15 : memref<120xi32, #tpu.memory_space<vmem>>)
      %dma_start3A_69 = arith.constant 0 : i32
      %dma_start3A_70 = arith.constant 0 : i32
      %dma_start3A_71 = tpu.memref_slice %arg2[%dma_start3A_69, %dma_start3A_70] : memref<10000x128xf32, #tpu.memory_space<hbm>> -> memref<10000x128xf32, #tpu.memory_space<hbm>>
      tpu.enqueue_indirect_dma source(%dma_start3A_71 : memref<10000x128xf32, #tpu.memory_space<hbm>>) target(%arg21 : memref<120x128xf32, #tpu.memory_space<vmem>>) offsets(%arg9 : memref<120xi32, #tpu.memory_space<vmem>>) semaphore(%arg30 : memref<!tpu.dma_semaphore, #tpu.memory_space<semaphore_mem>>)
      %dma_wait3A_72 = tpu.memref_slice %arg3[%add3A_36] : memref<322560xi32, #tpu.memory_space<hbm>> -> memref<120xi32, #tpu.memory_space<hbm>>
      %dma_wait3A_73 = tpu.memref_slice %arg3[%add3A_36] : memref<322560xi32, #tpu.memory_space<hbm>> -> memref<120xi32, #tpu.memory_space<hbm>>
      tpu.wait_dma2 semaphore(%arg25 : memref<!tpu.dma_semaphore, #tpu.memory_space<semaphore_mem>>) src(%dma_wait3A_73 : memref<120xi32, #tpu.memory_space<hbm>>) dst(%arg10 : memref<120xi32, #tpu.memory_space<vmem>>)
      %dma_wait3A_74 = tpu.memref_slice %arg4[%add3A_36] : memref<322560xi32, #tpu.memory_space<hbm>> -> memref<120xi32, #tpu.memory_space<hbm>>
      %dma_wait3A_75 = tpu.memref_slice %arg4[%add3A_36] : memref<322560xi32, #tpu.memory_space<hbm>> -> memref<120xi32, #tpu.memory_space<hbm>>
      tpu.wait_dma2 semaphore(%arg25 : memref<!tpu.dma_semaphore, #tpu.memory_space<semaphore_mem>>) src(%dma_wait3A_75 : memref<120xi32, #tpu.memory_space<hbm>>) dst(%arg16 : memref<120xi32, #tpu.memory_space<vmem>>)
      %dma_start3A_76 = arith.constant 0 : i32
      %dma_start3A_77 = arith.constant 0 : i32
      %dma_start3A_78 = tpu.memref_slice %arg2[%dma_start3A_76, %dma_start3A_77] : memref<10000x128xf32, #tpu.memory_space<hbm>> -> memref<10000x128xf32, #tpu.memory_space<hbm>>
      tpu.enqueue_indirect_dma source(%dma_start3A_78 : memref<10000x128xf32, #tpu.memory_space<hbm>>) target(%arg22 : memref<120x128xf32, #tpu.memory_space<vmem>>) offsets(%arg10 : memref<120xi32, #tpu.memory_space<vmem>>) semaphore(%arg31 : memref<!tpu.dma_semaphore, #tpu.memory_space<semaphore_mem>>)
      %dma_wait3A_79 = arith.constant 0 : i32
      %dma_wait3A_80 = arith.constant 0 : i32
      %dma_wait3A_81 = tpu.memref_slice %arg2[%dma_wait3A_79, %dma_wait3A_80] : memref<10000x128xf32, #tpu.memory_space<hbm>> -> memref<10000x128xf32, #tpu.memory_space<hbm>>
      tpu.wait_indirect_dma semaphore(%arg29 : memref<!tpu.dma_semaphore, #tpu.memory_space<semaphore_mem>>) src(%dma_wait3A_81 : memref<10000x128xf32, #tpu.memory_space<hbm>>) dst(%arg20 : memref<120x128xf32, #tpu.memory_space<vmem>>)
      %dma_start3A_82 = arith.constant 0 : i32
      %dma_start3A_83 = arith.constant 0 : i32
      %dma_start3A_84 = tpu.memref_slice %arg7[%dma_start3A_82, %dma_start3A_83] : memref<10112x128xf32, #tpu.memory_space<vmem_shared>> -> memref<10112x128xf32, #tpu.memory_space<vmem_shared>>
      tpu.enqueue_indirect_dma source(%arg20 : memref<120x128xf32, #tpu.memory_space<vmem>>) target(%dma_start3A_84 : memref<10112x128xf32, #tpu.memory_space<vmem_shared>>) offsets(%arg14 : memref<120xi32, #tpu.memory_space<vmem>>) semaphore(%arg29 : memref<!tpu.dma_semaphore, #tpu.memory_space<semaphore_mem>>) {add = true}
      %dma_wait3A_85 = arith.constant 0 : i32
      %dma_wait3A_86 = arith.constant 0 : i32
      %dma_wait3A_87 = tpu.memref_slice %arg2[%dma_wait3A_85, %dma_wait3A_86] : memref<10000x128xf32, #tpu.memory_space<hbm>> -> memref<10000x128xf32, #tpu.memory_space<hbm>>
      tpu.wait_indirect_dma semaphore(%arg30 : memref<!tpu.dma_semaphore, #tpu.memory_space<semaphore_mem>>) src(%dma_wait3A_87 : memref<10000x128xf32, #tpu.memory_space<hbm>>) dst(%arg21 : memref<120x128xf32, #tpu.memory_space<vmem>>)
      %dma_start3A_88 = arith.constant 0 : i32
      %dma_start3A_89 = arith.constant 0 : i32
      %dma_start3A_90 = tpu.memref_slice %arg7[%dma_start3A_88, %dma_start3A_89] : memref<10112x128xf32, #tpu.memory_space<vmem_shared>> -> memref<10112x128xf32, #tpu.memory_space<vmem_shared>>
      tpu.enqueue_indirect_dma source(%arg21 : memref<120x128xf32, #tpu.memory_space<vmem>>) target(%dma_start3A_90 : memref<10112x128xf32, #tpu.memory_space<vmem_shared>>) offsets(%arg15 : memref<120xi32, #tpu.memory_space<vmem>>) semaphore(%arg30 : memref<!tpu.dma_semaphore, #tpu.memory_space<semaphore_mem>>) {add = true}
      %dma_wait3A_91 = arith.constant 0 : i32
      %dma_wait3A_92 = arith.constant 0 : i32
      %dma_wait3A_93 = tpu.memref_slice %arg2[%dma_wait3A_91, %dma_wait3A_92] : memref<10000x128xf32, #tpu.memory_space<hbm>> -> memref<10000x128xf32, #tpu.memory_space<hbm>>
      tpu.wait_indirect_dma semaphore(%arg31 : memref<!tpu.dma_semaphore, #tpu.memory_space<semaphore_mem>>) src(%dma_wait3A_93 : memref<10000x128xf32, #tpu.memory_space<hbm>>) dst(%arg22 : memref<120x128xf32, #tpu.memory_space<vmem>>)
      %dma_start3A_94 = arith.constant 0 : i32
      %dma_start3A_95 = arith.constant 0 : i32
      %dma_start3A_96 = tpu.memref_slice %arg7[%dma_start3A_94, %dma_start3A_95] : memref<10112x128xf32, #tpu.memory_space<vmem_shared>> -> memref<10112x128xf32, #tpu.memory_space<vmem_shared>>
      tpu.enqueue_indirect_dma source(%arg22 : memref<120x128xf32, #tpu.memory_space<vmem>>) target(%dma_start3A_96 : memref<10112x128xf32, #tpu.memory_space<vmem_shared>>) offsets(%arg16 : memref<120xi32, #tpu.memory_space<vmem>>) semaphore(%arg31 : memref<!tpu.dma_semaphore, #tpu.memory_space<semaphore_mem>>) {add = true}
      %dma_wait3A_97 = arith.constant 0 : i32
      %dma_wait3A_98 = arith.constant 0 : i32
      %dma_wait3A_99 = tpu.memref_slice %arg7[%dma_wait3A_97, %dma_wait3A_98] : memref<10112x128xf32, #tpu.memory_space<vmem_shared>> -> memref<10112x128xf32, #tpu.memory_space<vmem_shared>>
      tpu.wait_indirect_dma semaphore(%arg29 : memref<!tpu.dma_semaphore, #tpu.memory_space<semaphore_mem>>) src(%arg20 : memref<120x128xf32, #tpu.memory_space<vmem>>) dst(%dma_wait3A_99 : memref<10112x128xf32, #tpu.memory_space<vmem_shared>>)
      %dma_wait3A_100 = tpu.memref_slice %arg3[%add3A_42] : memref<322560xi32, #tpu.memory_space<hbm>> -> memref<120xi32, #tpu.memory_space<hbm>>
      %dma_wait3A_101 = tpu.memref_slice %arg3[%add3A_42] : memref<322560xi32, #tpu.memory_space<hbm>> -> memref<120xi32, #tpu.memory_space<hbm>>
      tpu.wait_dma2 semaphore(%arg26 : memref<!tpu.dma_semaphore, #tpu.memory_space<semaphore_mem>>) src(%dma_wait3A_101 : memref<120xi32, #tpu.memory_space<hbm>>) dst(%arg11 : memref<120xi32, #tpu.memory_space<vmem>>)
      %dma_wait3A_102 = tpu.memref_slice %arg4[%add3A_42] : memref<322560xi32, #tpu.memory_space<hbm>> -> memref<120xi32, #tpu.memory_space<hbm>>
      %dma_wait3A_103 = tpu.memref_slice %arg4[%add3A_42] : memref<322560xi32, #tpu.memory_space<hbm>> -> memref<120xi32, #tpu.memory_space<hbm>>
      tpu.wait_dma2 semaphore(%arg26 : memref<!tpu.dma_semaphore, #tpu.memory_space<semaphore_mem>>) src(%dma_wait3A_103 : memref<120xi32, #tpu.memory_space<hbm>>) dst(%arg17 : memref<120xi32, #tpu.memory_space<vmem>>)
      %dma_start3A_104 = arith.constant 0 : i32
      %dma_start3A_105 = arith.constant 0 : i32
      %dma_start3A_106 = tpu.memref_slice %arg2[%dma_start3A_104, %dma_start3A_105] : memref<10000x128xf32, #tpu.memory_space<hbm>> -> memref<10000x128xf32, #tpu.memory_space<hbm>>
      tpu.enqueue_indirect_dma source(%dma_start3A_106 : memref<10000x128xf32, #tpu.memory_space<hbm>>) target(%arg20 : memref<120x128xf32, #tpu.memory_space<vmem>>) offsets(%arg11 : memref<120xi32, #tpu.memory_space<vmem>>) semaphore(%arg29 : memref<!tpu.dma_semaphore, #tpu.memory_space<semaphore_mem>>)
      %dma_wait3A_107 = arith.constant 0 : i32
      %dma_wait3A_108 = arith.constant 0 : i32
      %dma_wait3A_109 = tpu.memref_slice %arg7[%dma_wait3A_107, %dma_wait3A_108] : memref<10112x128xf32, #tpu.memory_space<vmem_shared>> -> memref<10112x128xf32, #tpu.memory_space<vmem_shared>>
      tpu.wait_indirect_dma semaphore(%arg30 : memref<!tpu.dma_semaphore, #tpu.memory_space<semaphore_mem>>) src(%arg21 : memref<120x128xf32, #tpu.memory_space<vmem>>) dst(%dma_wait3A_109 : memref<10112x128xf32, #tpu.memory_space<vmem_shared>>)
      %dma_wait3A_110 = tpu.memref_slice %arg3[%add3A_48] : memref<322560xi32, #tpu.memory_space<hbm>> -> memref<120xi32, #tpu.memory_space<hbm>>
      %dma_wait3A_111 = tpu.memref_slice %arg3[%add3A_48] : memref<322560xi32, #tpu.memory_space<hbm>> -> memref<120xi32, #tpu.memory_space<hbm>>
      tpu.wait_dma2 semaphore(%arg27 : memref<!tpu.dma_semaphore, #tpu.memory_space<semaphore_mem>>) src(%dma_wait3A_111 : memref<120xi32, #tpu.memory_space<hbm>>) dst(%arg12 : memref<120xi32, #tpu.memory_space<vmem>>)
      %dma_wait3A_112 = tpu.memref_slice %arg4[%add3A_48] : memref<322560xi32, #tpu.memory_space<hbm>> -> memref<120xi32, #tpu.memory_space<hbm>>
      %dma_wait3A_113 = tpu.memref_slice %arg4[%add3A_48] : memref<322560xi32, #tpu.memory_space<hbm>> -> memref<120xi32, #tpu.memory_space<hbm>>
      tpu.wait_dma2 semaphore(%arg27 : memref<!tpu.dma_semaphore, #tpu.memory_space<semaphore_mem>>) src(%dma_wait3A_113 : memref<120xi32, #tpu.memory_space<hbm>>) dst(%arg18 : memref<120xi32, #tpu.memory_space<vmem>>)
      %dma_start3A_114 = arith.constant 0 : i32
      %dma_start3A_115 = arith.constant 0 : i32
      %dma_start3A_116 = tpu.memref_slice %arg2[%dma_start3A_114, %dma_start3A_115] : memref<10000x128xf32, #tpu.memory_space<hbm>> -> memref<10000x128xf32, #tpu.memory_space<hbm>>
      tpu.enqueue_indirect_dma source(%dma_start3A_116 : memref<10000x128xf32, #tpu.memory_space<hbm>>) target(%arg21 : memref<120x128xf32, #tpu.memory_space<vmem>>) offsets(%arg12 : memref<120xi32, #tpu.memory_space<vmem>>) semaphore(%arg30 : memref<!tpu.dma_semaphore, #tpu.memory_space<semaphore_mem>>)
      %dma_wait3A_117 = arith.constant 0 : i32
      %dma_wait3A_118 = arith.constant 0 : i32
      %dma_wait3A_119 = tpu.memref_slice %arg7[%dma_wait3A_117, %dma_wait3A_118] : memref<10112x128xf32, #tpu.memory_space<vmem_shared>> -> memref<10112x128xf32, #tpu.memory_space<vmem_shared>>
      tpu.wait_indirect_dma semaphore(%arg31 : memref<!tpu.dma_semaphore, #tpu.memory_space<semaphore_mem>>) src(%arg22 : memref<120x128xf32, #tpu.memory_space<vmem>>) dst(%dma_wait3A_119 : memref<10112x128xf32, #tpu.memory_space<vmem_shared>>)
      %dma_wait3A_120 = tpu.memref_slice %arg3[%add3A_54] : memref<322560xi32, #tpu.memory_space<hbm>> -> memref<120xi32, #tpu.memory_space<hbm>>
      %dma_wait3A_121 = tpu.memref_slice %arg3[%add3A_54] : memref<322560xi32, #tpu.memory_space<hbm>> -> memref<120xi32, #tpu.memory_space<hbm>>
      tpu.wait_dma2 semaphore(%arg28 : memref<!tpu.dma_semaphore, #tpu.memory_space<semaphore_mem>>) src(%dma_wait3A_121 : memref<120xi32, #tpu.memory_space<hbm>>) dst(%arg13 : memref<120xi32, #tpu.memory_space<vmem>>)
      %dma_wait3A_122 = tpu.memref_slice %arg4[%add3A_54] : memref<322560xi32, #tpu.memory_space<hbm>> -> memref<120xi32, #tpu.memory_space<hbm>>
      %dma_wait3A_123 = tpu.memref_slice %arg4[%add3A_54] : memref<322560xi32, #tpu.memory_space<hbm>> -> memref<120xi32, #tpu.memory_space<hbm>>
      tpu.wait_dma2 semaphore(%arg28 : memref<!tpu.dma_semaphore, #tpu.memory_space<semaphore_mem>>) src(%dma_wait3A_123 : memref<120xi32, #tpu.memory_space<hbm>>) dst(%arg19 : memref<120xi32, #tpu.memory_space<vmem>>)
      %dma_start3A_124 = arith.constant 0 : i32
      %dma_start3A_125 = arith.constant 0 : i32
      %dma_start3A_126 = tpu.memref_slice %arg2[%dma_start3A_124, %dma_start3A_125] : memref<10000x128xf32, #tpu.memory_space<hbm>> -> memref<10000x128xf32, #tpu.memory_space<hbm>>
      tpu.enqueue_indirect_dma source(%dma_start3A_126 : memref<10000x128xf32, #tpu.memory_space<hbm>>) target(%arg22 : memref<120x128xf32, #tpu.memory_space<vmem>>) offsets(%arg13 : memref<120xi32, #tpu.memory_space<vmem>>) semaphore(%arg31 : memref<!tpu.dma_semaphore, #tpu.memory_space<semaphore_mem>>)
      %dma_wait3A_127 = arith.constant 0 : i32
      %dma_wait3A_128 = arith.constant 0 : i32
      %dma_wait3A_129 = tpu.memref_slice %arg2[%dma_wait3A_127, %dma_wait3A_128] : memref<10000x128xf32, #tpu.memory_space<hbm>> -> memref<10000x128xf32, #tpu.memory_space<hbm>>
      tpu.wait_indirect_dma semaphore(%arg29 : memref<!tpu.dma_semaphore, #tpu.memory_space<semaphore_mem>>) src(%dma_wait3A_129 : memref<10000x128xf32, #tpu.memory_space<hbm>>) dst(%arg20 : memref<120x128xf32, #tpu.memory_space<vmem>>)
      %dma_start3A_130 = arith.constant 0 : i32
      %dma_start3A_131 = arith.constant 0 : i32
      %dma_start3A_132 = tpu.memref_slice %arg7[%dma_start3A_130, %dma_start3A_131] : memref<10112x128xf32, #tpu.memory_space<vmem_shared>> -> memref<10112x128xf32, #tpu.memory_space<vmem_shared>>
      tpu.enqueue_indirect_dma source(%arg20 : memref<120x128xf32, #tpu.memory_space<vmem>>) target(%dma_start3A_132 : memref<10112x128xf32, #tpu.memory_space<vmem_shared>>) offsets(%arg17 : memref<120xi32, #tpu.memory_space<vmem>>) semaphore(%arg29 : memref<!tpu.dma_semaphore, #tpu.memory_space<semaphore_mem>>) {add = true}
      %dma_wait3A_133 = arith.constant 0 : i32
      %dma_wait3A_134 = arith.constant 0 : i32
      %dma_wait3A_135 = tpu.memref_slice %arg2[%dma_wait3A_133, %dma_wait3A_134] : memref<10000x128xf32, #tpu.memory_space<hbm>> -> memref<10000x128xf32, #tpu.memory_space<hbm>>
      tpu.wait_indirect_dma semaphore(%arg30 : memref<!tpu.dma_semaphore, #tpu.memory_space<semaphore_mem>>) src(%dma_wait3A_135 : memref<10000x128xf32, #tpu.memory_space<hbm>>) dst(%arg21 : memref<120x128xf32, #tpu.memory_space<vmem>>)
      %dma_start3A_136 = arith.constant 0 : i32
      %dma_start3A_137 = arith.constant 0 : i32
      %dma_start3A_138 = tpu.memref_slice %arg7[%dma_start3A_136, %dma_start3A_137] : memref<10112x128xf32, #tpu.memory_space<vmem_shared>> -> memref<10112x128xf32, #tpu.memory_space<vmem_shared>>
      tpu.enqueue_indirect_dma source(%arg21 : memref<120x128xf32, #tpu.memory_space<vmem>>) target(%dma_start3A_138 : memref<10112x128xf32, #tpu.memory_space<vmem_shared>>) offsets(%arg18 : memref<120xi32, #tpu.memory_space<vmem>>) semaphore(%arg30 : memref<!tpu.dma_semaphore, #tpu.memory_space<semaphore_mem>>) {add = true}
      %dma_wait3A_139 = arith.constant 0 : i32
      %dma_wait3A_140 = arith.constant 0 : i32
      %dma_wait3A_141 = tpu.memref_slice %arg2[%dma_wait3A_139, %dma_wait3A_140] : memref<10000x128xf32, #tpu.memory_space<hbm>> -> memref<10000x128xf32, #tpu.memory_space<hbm>>
      tpu.wait_indirect_dma semaphore(%arg31 : memref<!tpu.dma_semaphore, #tpu.memory_space<semaphore_mem>>) src(%dma_wait3A_141 : memref<10000x128xf32, #tpu.memory_space<hbm>>) dst(%arg22 : memref<120x128xf32, #tpu.memory_space<vmem>>)
      %dma_start3A_142 = arith.constant 0 : i32
      %dma_start3A_143 = arith.constant 0 : i32
      %dma_start3A_144 = tpu.memref_slice %arg7[%dma_start3A_142, %dma_start3A_143] : memref<10112x128xf32, #tpu.memory_space<vmem_shared>> -> memref<10112x128xf32, #tpu.memory_space<vmem_shared>>
      tpu.enqueue_indirect_dma source(%arg22 : memref<120x128xf32, #tpu.memory_space<vmem>>) target(%dma_start3A_144 : memref<10112x128xf32, #tpu.memory_space<vmem_shared>>) offsets(%arg19 : memref<120xi32, #tpu.memory_space<vmem>>) semaphore(%arg31 : memref<!tpu.dma_semaphore, #tpu.memory_space<semaphore_mem>>) {add = true}
      %dma_wait3A_145 = arith.constant 0 : i32
      %dma_wait3A_146 = arith.constant 0 : i32
      %dma_wait3A_147 = tpu.memref_slice %arg7[%dma_wait3A_145, %dma_wait3A_146] : memref<10112x128xf32, #tpu.memory_space<vmem_shared>> -> memref<10112x128xf32, #tpu.memory_space<vmem_shared>>
      tpu.wait_indirect_dma semaphore(%arg29 : memref<!tpu.dma_semaphore, #tpu.memory_space<semaphore_mem>>) src(%arg20 : memref<120x128xf32, #tpu.memory_space<vmem>>) dst(%dma_wait3A_147 : memref<10112x128xf32, #tpu.memory_space<vmem_shared>>)
      %dma_wait3A_148 = arith.constant 0 : i32
      %dma_wait3A_149 = arith.constant 0 : i32
      %dma_wait3A_150 = tpu.memref_slice %arg7[%dma_wait3A_148, %dma_wait3A_149] : memref<10112x128xf32, #tpu.memory_space<vmem_shared>> -> memref<10112x128xf32, #tpu.memory_space<vmem_shared>>
      tpu.wait_indirect_dma semaphore(%arg30 : memref<!tpu.dma_semaphore, #tpu.memory_space<semaphore_mem>>) src(%arg21 : memref<120x128xf32, #tpu.memory_space<vmem>>) dst(%dma_wait3A_150 : memref<10112x128xf32, #tpu.memory_space<vmem_shared>>)
      %dma_wait3A_151 = arith.constant 0 : i32
      %dma_wait3A_152 = arith.constant 0 : i32
      %dma_wait3A_153 = tpu.memref_slice %arg7[%dma_wait3A_151, %dma_wait3A_152] : memref<10112x128xf32, #tpu.memory_space<vmem_shared>> -> memref<10112x128xf32, #tpu.memory_space<vmem_shared>>
      tpu.wait_indirect_dma semaphore(%arg31 : memref<!tpu.dma_semaphore, #tpu.memory_space<semaphore_mem>>) src(%arg22 : memref<120x128xf32, #tpu.memory_space<vmem>>) dst(%dma_wait3A_153 : memref<10112x128xf32, #tpu.memory_space<vmem_shared>>)
    }
    %scan3A_8 = arith.constant 14 : i32
    %barrier3A_9 = arith.constant 0 : index
    tpu.barrier barrier_id(%barrier3A_9)
    %lt3A = arith.constant 15 : i32
    %lt3A_10 = arith.cmpi slt, %arg1, %lt3A : i32
    %convert_element_type3A = arith.extui %lt3A_10 : i1 to i32
    %cond3A = arith.constant 0 : i32
    %cond3A_11 = arith.cmpi ne, %convert_element_type3A, %cond3A : i32
    scf.if %cond3A_11 {
      "tpu.region"() ({
        %run_scoped3A = tpu.sem_alloc : memref<!tpu.dma_semaphore, #tpu.memory_space<semaphore_mem>>
        %dma_start3A = arith.constant 0 : i32
        %dma_start3A_16 = tpu.memref_slice %arg6[%arg0, %mul3A_2, %dma_start3A] : memref<2x10000x128xf32, #tpu.memory_space<hbm>> -> memref<1x632x128xf32, #tpu.memory_space<hbm>>
        %dma_start3A_17 = tpu.memref_squeeze %dma_start3A_16 : memref<1x632x128xf32, #tpu.memory_space<hbm>> -> memref<632x128xf32, #tpu.memory_space<hbm>>
        %dma_start3A_18 = arith.constant 0 : i32
        %dma_start3A_19 = tpu.memref_slice %arg7[%mul3A_2, %dma_start3A_18] : memref<10112x128xf32, #tpu.memory_space<vmem_shared>> -> memref<632x128xf32, #tpu.memory_space<vmem_shared>>
        tpu.enqueue_dma source(%dma_start3A_19 : memref<632x128xf32, #tpu.memory_space<vmem_shared>>) target(%dma_start3A_17 : memref<632x128xf32, #tpu.memory_space<hbm>>) target_semaphore(%run_scoped3A : memref<!tpu.dma_semaphore, #tpu.memory_space<semaphore_mem>>)
        %dma_wait3A = arith.constant 0 : i32
        %dma_wait3A_20 = tpu.memref_slice %arg6[%arg0, %mul3A_2, %dma_wait3A] : memref<2x10000x128xf32, #tpu.memory_space<hbm>> -> memref<1x632x128xf32, #tpu.memory_space<hbm>>
        %dma_wait3A_21 = tpu.memref_squeeze %dma_wait3A_20 : memref<1x632x128xf32, #tpu.memory_space<hbm>> -> memref<632x128xf32, #tpu.memory_space<hbm>>
        %dma_wait3A_22 = arith.constant 0 : i32
        %dma_wait3A_23 = tpu.memref_slice %arg7[%mul3A_2, %dma_wait3A_22] : memref<10112x128xf32, #tpu.memory_space<vmem_shared>> -> memref<632x128xf32, #tpu.memory_space<vmem_shared>>
        tpu.wait_dma2 semaphore(%run_scoped3A : memref<!tpu.dma_semaphore, #tpu.memory_space<semaphore_mem>>) src(%dma_wait3A_23 : memref<632x128xf32, #tpu.memory_space<vmem_shared>>) dst(%dma_wait3A_21 : memref<632x128xf32, #tpu.memory_space<hbm>>)
        tpu.yield
      }) : () -> ()
    } else {
    }
    %eq3A = arith.constant 15 : i32
    %eq3A_12 = arith.cmpi eq, %arg1, %eq3A : i32
    %convert_element_type3A_13 = arith.extui %eq3A_12 : i1 to i32
    %cond3A_14 = arith.constant 0 : i32
    %cond3A_15 = arith.cmpi ne, %convert_element_type3A_13, %cond3A_14 : i32
    scf.if %cond3A_15 {
      "tpu.region"() ({
        %run_scoped3A = tpu.sem_alloc : memref<!tpu.dma_semaphore, #tpu.memory_space<semaphore_mem>>
        %dma_start3A = arith.constant 0 : i32
        %dma_start3A_16 = tpu.memref_slice %arg6[%arg0, %mul3A_2, %dma_start3A] : memref<2x10000x128xf32, #tpu.memory_space<hbm>> -> memref<1x520x128xf32, #tpu.memory_space<hbm>>
        %dma_start3A_17 = tpu.memref_squeeze %dma_start3A_16 : memref<1x520x128xf32, #tpu.memory_space<hbm>> -> memref<520x128xf32, #tpu.memory_space<hbm>>
        %dma_start3A_18 = arith.constant 0 : i32
        %dma_start3A_19 = tpu.memref_slice %arg7[%mul3A_2, %dma_start3A_18] : memref<10112x128xf32, #tpu.memory_space<vmem_shared>> -> memref<520x128xf32, #tpu.memory_space<vmem_shared>>
        tpu.enqueue_dma source(%dma_start3A_19 : memref<520x128xf32, #tpu.memory_space<vmem_shared>>) target(%dma_start3A_17 : memref<520x128xf32, #tpu.memory_space<hbm>>) target_semaphore(%run_scoped3A : memref<!tpu.dma_semaphore, #tpu.memory_space<semaphore_mem>>)
        %dma_wait3A = arith.constant 0 : i32
        %dma_wait3A_20 = tpu.memref_slice %arg6[%arg0, %mul3A_2, %dma_wait3A] : memref<2x10000x128xf32, #tpu.memory_space<hbm>> -> memref<1x520x128xf32, #tpu.memory_space<hbm>>
        %dma_wait3A_21 = tpu.memref_squeeze %dma_wait3A_20 : memref<1x520x128xf32, #tpu.memory_space<hbm>> -> memref<520x128xf32, #tpu.memory_space<hbm>>
        %dma_wait3A_22 = arith.constant 0 : i32
        %dma_wait3A_23 = tpu.memref_slice %arg7[%mul3A_2, %dma_wait3A_22] : memref<10112x128xf32, #tpu.memory_space<vmem_shared>> -> memref<520x128xf32, #tpu.memory_space<vmem_shared>>
        tpu.wait_dma2 semaphore(%run_scoped3A : memref<!tpu.dma_semaphore, #tpu.memory_space<semaphore_mem>>) src(%dma_wait3A_23 : memref<520x128xf32, #tpu.memory_space<vmem_shared>>) dst(%dma_wait3A_21 : memref<520x128xf32, #tpu.memory_space<hbm>>)
        tpu.yield
      }) : () -> ()
    } else {
    }
    return
  }
}

#map = affine_map<(d0, d1) -> (0, 0)>
#map1 = affine_map<(d0, d1) -> (0)>
#map2 = affine_map<(d0, d1) -> (0, 0, 0)>
module attributes {stable_mosaic.version = 14 : i64} {
  func.func @k(%arg0: i32, %arg1: i32, %arg2: memref<10000x128xf32, #tpu.memory_space<hbm>>, %arg3: memref<322560xi32, #tpu.memory_space<hbm>>, %arg4: memref<322560xi32, #tpu.memory_space<hbm>>, %arg5: memref<632x128xf32, #tpu.memory_space<hbm>>, %arg6: memref<2x10000x128xf32, #tpu.memory_space<hbm>>, %arg7: memref<10112x128xf32, #tpu.memory_space<vmem_shared>>, %arg8: memref<120xi32, #tpu.memory_space<vmem>>, %arg9: memref<120xi32, #tpu.memory_space<vmem>>, %arg10: memref<120xi32, #tpu.memory_space<vmem>>, %arg11: memref<120xi32, #tpu.memory_space<vmem>>, %arg12: memref<120xi32, #tpu.memory_space<vmem>>, %arg13: memref<120xi32, #tpu.memory_space<vmem>>, %arg14: memref<120xi32, #tpu.memory_space<vmem>>, %arg15: memref<120xi32, #tpu.memory_space<vmem>>, %arg16: memref<120xi32, #tpu.memory_space<vmem>>, %arg17: memref<120xi32, #tpu.memory_space<vmem>>, %arg18: memref<120xi32, #tpu.memory_space<vmem>>, %arg19: memref<120xi32, #tpu.memory_space<vmem>>, %arg20: memref<120x128xf32, #tpu.memory_space<vmem>>, %arg21: memref<120x128xf32, #tpu.memory_space<vmem>>, %arg22: memref<120x128xf32, #tpu.memory_space<vmem>>, %arg23: memref<!tpu.dma_semaphore, #tpu.memory_space<semaphore_mem>>, %arg24: memref<!tpu.dma_semaphore, #tpu.memory_space<semaphore_mem>>, %arg25: memref<!tpu.dma_semaphore, #tpu.memory_space<semaphore_mem>>, %arg26: memref<!tpu.dma_semaphore, #tpu.memory_space<semaphore_mem>>, %arg27: memref<!tpu.dma_semaphore, #tpu.memory_space<semaphore_mem>>, %arg28: memref<!tpu.dma_semaphore, #tpu.memory_space<semaphore_mem>>, %arg29: memref<!tpu.dma_semaphore, #tpu.memory_space<semaphore_mem>>, %arg30: memref<!tpu.dma_semaphore, #tpu.memory_space<semaphore_mem>>, %arg31: memref<!tpu.dma_semaphore, #tpu.memory_space<semaphore_mem>>) attributes {dimension_semantics = [#tpu.dimension_semantics<core_parallel>, #tpu.dimension_semantics<subcore_parallel>], iteration_bounds = array<i64: 2, 16>, scalar_prefetch = 0 : i64, scratch_operands = 25 : i64, tpu.core_type = #tpu.core_type<sc_vector_subcore>, window_params = [{transform_indices = #map}, {transform_indices = #map1}, {transform_indices = #map1}, {transform_indices = #map}, {transform_indices = #map2}]} {
    %mul3A = arith.constant 2 : i32
    %mul3A_0 = arith.muli %arg1, %mul3A : i32
    %add3A = arith.addi %mul3A_0, %arg0 : i32
    %mul3A_1 = arith.constant 632 : i32
    %mul3A_2 = arith.muli %arg1, %mul3A_1 : i32
    %mul3A_3 = arith.constant 10080 : i32
    %mul3A_4 = arith.muli %add3A, %mul3A_3 : i32
    "tpu.region"() ({
      %run_scoped3A = tpu.sem_alloc : memref<!tpu.dma_semaphore, #tpu.memory_space<semaphore_mem>>
      %dma_start3A = arith.constant 0 : i32
      %dma_start3A_16 = tpu.memref_slice %arg7[%mul3A_2, %dma_start3A] : memref<10112x128xf32, #tpu.memory_space<vmem_shared>> -> memref<632x128xf32, #tpu.memory_space<vmem_shared>>
      tpu.enqueue_dma source(%arg5 : memref<632x128xf32, #tpu.memory_space<hbm>>) target(%dma_start3A_16 : memref<632x128xf32, #tpu.memory_space<vmem_shared>>) target_semaphore(%run_scoped3A : memref<!tpu.dma_semaphore, #tpu.memory_space<semaphore_mem>>)
      %dma_wait3A = arith.constant 0 : i32
      %dma_wait3A_17 = tpu.memref_slice %arg7[%mul3A_2, %dma_wait3A] : memref<10112x128xf32, #tpu.memory_space<vmem_shared>> -> memref<632x128xf32, #tpu.memory_space<vmem_shared>>
      tpu.wait_dma2 semaphore(%run_scoped3A : memref<!tpu.dma_semaphore, #tpu.memory_space<semaphore_mem>>) src(%arg5 : memref<632x128xf32, #tpu.memory_space<hbm>>) dst(%dma_wait3A_17 : memref<632x128xf32, #tpu.memory_space<vmem_shared>>)
      tpu.yield
    }) : () -> ()
    %barrier3A = arith.constant 0 : index
    tpu.barrier barrier_id(%barrier3A)
    %scan3A = arith.constant 0 : i32
    %scan3A_5 = arith.constant 14 : i32
    %scan3A_6 = arith.addi %scan3A, %scan3A_5 : i32
    %scan3A_7 = arith.constant 1 : i32
    scf.for %scan3A_16 = %scan3A to %scan3A_6 step %scan3A_7  : i32 {
      %mul3A_17 = arith.constant 1 : i32
      %mul3A_18 = arith.muli %scan3A_16, %mul3A_17 : i32
      %add3A_19 = arith.constant 0 : i32
      %add3A_20 = arith.addi %add3A_19, %mul3A_18 : i32
      %mul3A_21 = arith.constant 720 : i32
      %mul3A_22 = arith.muli %add3A_20, %mul3A_21 : i32
      %add3A_23 = arith.addi %mul3A_4, %mul3A_22 : i32
      %add3A_24 = arith.constant 0 : i32
      %add3A_25 = arith.addi %add3A_23, %add3A_24 : i32
      %dma_start3A = tpu.memref_slice %arg3[%add3A_25] : memref<322560xi32, #tpu.memory_space<hbm>> -> memref<120xi32, #tpu.memory_space<hbm>>
      %dma_start3A_26 = tpu.memref_slice %arg3[%add3A_25] : memref<322560xi32, #tpu.memory_space<hbm>> -> memref<120xi32, #tpu.memory_space<hbm>>
      tpu.enqueue_dma source(%dma_start3A_26 : memref<120xi32, #tpu.memory_space<hbm>>) target(%arg8 : memref<120xi32, #tpu.memory_space<vmem>>) target_semaphore(%arg23 : memref<!tpu.dma_semaphore, #tpu.memory_space<semaphore_mem>>)
      %dma_start3A_27 = tpu.memref_slice %arg4[%add3A_25] : memref<322560xi32, #tpu.memory_space<hbm>> -> memref<120xi32, #tpu.memory_space<hbm>>
      %dma_start3A_28 = tpu.memref_slice %arg4[%add3A_25] : memref<322560xi32, #tpu.memory_space<hbm>> -> memref<120xi32, #tpu.memory_space<hbm>>
      tpu.enqueue_dma source(%dma_start3A_28 : memref<120xi32, #tpu.memory_space<hbm>>) target(%arg14 : memref<120xi32, #tpu.memory_space<vmem>>) target_semaphore(%arg23 : memref<!tpu.dma_semaphore, #tpu.memory_space<semaphore_mem>>)
      %add3A_29 = arith.constant 120 : i32
      %add3A_30 = arith.addi %add3A_23, %add3A_29 : i32
      %dma_start3A_31 = tpu.memref_slice %arg3[%add3A_30] : memref<322560xi32, #tpu.memory_space<hbm>> -> memref<120xi32, #tpu.memory_space<hbm>>
      %dma_start3A_32 = tpu.memref_slice %arg3[%add3A_30] : memref<322560xi32, #tpu.memory_space<hbm>> -> memref<120xi32, #tpu.memory_space<hbm>>
      tpu.enqueue_dma source(%dma_start3A_32 : memref<120xi32, #tpu.memory_space<hbm>>) target(%arg9 : memref<120xi32, #tpu.memory_space<vmem>>) target_semaphore(%arg24 : memref<!tpu.dma_semaphore, #tpu.memory_space<semaphore_mem>>)
      %dma_start3A_33 = tpu.memref_slice %arg4[%add3A_30] : memref<322560xi32, #tpu.memory_space<hbm>> -> memref<120xi32, #tpu.memory_space<hbm>>
      %dma_start3A_34 = tpu.memref_slice %arg4[%add3A_30] : memref<322560xi32, #tpu.memory_space<hbm>> -> memref<120xi32, #tpu.memory_space<hbm>>
      tpu.enqueue_dma source(%dma_start3A_34 : memref<120xi32, #tpu.memory_space<hbm>>) target(%arg15 : memref<120xi32, #tpu.memory_space<vmem>>) target_semaphore(%arg24 : memref<!tpu.dma_semaphore, #tpu.memory_space<semaphore_mem>>)
      %add3A_35 = arith.constant 240 : i32
      %add3A_36 = arith.addi %add3A_23, %add3A_35 : i32
      %dma_start3A_37 = tpu.memref_slice %arg3[%add3A_36] : memref<322560xi32, #tpu.memory_space<hbm>> -> memref<120xi32, #tpu.memory_space<hbm>>
      %dma_start3A_38 = tpu.memref_slice %arg3[%add3A_36] : memref<322560xi32, #tpu.memory_space<hbm>> -> memref<120xi32, #tpu.memory_space<hbm>>
      tpu.enqueue_dma source(%dma_start3A_38 : memref<120xi32, #tpu.memory_space<hbm>>) target(%arg10 : memref<120xi32, #tpu.memory_space<vmem>>) target_semaphore(%arg25 : memref<!tpu.dma_semaphore, #tpu.memory_space<semaphore_mem>>)
      %dma_start3A_39 = tpu.memref_slice %arg4[%add3A_36] : memref<322560xi32, #tpu.memory_space<hbm>> -> memref<120xi32, #tpu.memory_space<hbm>>
      %dma_start3A_40 = tpu.memref_slice %arg4[%add3A_36] : memref<322560xi32, #tpu.memory_space<hbm>> -> memref<120xi32, #tpu.memory_space<hbm>>
      tpu.enqueue_dma source(%dma_start3A_40 : memref<120xi32, #tpu.memory_space<hbm>>) target(%arg16 : memref<120xi32, #tpu.memory_space<vmem>>) target_semaphore(%arg25 : memref<!tpu.dma_semaphore, #tpu.memory_space<semaphore_mem>>)
      %add3A_41 = arith.constant 360 : i32
      %add3A_42 = arith.addi %add3A_23, %add3A_41 : i32
      %dma_start3A_43 = tpu.memref_slice %arg3[%add3A_42] : memref<322560xi32, #tpu.memory_space<hbm>> -> memref<120xi32, #tpu.memory_space<hbm>>
      %dma_start3A_44 = tpu.memref_slice %arg3[%add3A_42] : memref<322560xi32, #tpu.memory_space<hbm>> -> memref<120xi32, #tpu.memory_space<hbm>>
      tpu.enqueue_dma source(%dma_start3A_44 : memref<120xi32, #tpu.memory_space<hbm>>) target(%arg11 : memref<120xi32, #tpu.memory_space<vmem>>) target_semaphore(%arg26 : memref<!tpu.dma_semaphore, #tpu.memory_space<semaphore_mem>>)
      %dma_start3A_45 = tpu.memref_slice %arg4[%add3A_42] : memref<322560xi32, #tpu.memory_space<hbm>> -> memref<120xi32, #tpu.memory_space<hbm>>
      %dma_start3A_46 = tpu.memref_slice %arg4[%add3A_42] : memref<322560xi32, #tpu.memory_space<hbm>> -> memref<120xi32, #tpu.memory_space<hbm>>
      tpu.enqueue_dma source(%dma_start3A_46 : memref<120xi32, #tpu.memory_space<hbm>>) target(%arg17 : memref<120xi32, #tpu.memory_space<vmem>>) target_semaphore(%arg26 : memref<!tpu.dma_semaphore, #tpu.memory_space<semaphore_mem>>)
      %add3A_47 = arith.constant 480 : i32
      %add3A_48 = arith.addi %add3A_23, %add3A_47 : i32
      %dma_start3A_49 = tpu.memref_slice %arg3[%add3A_48] : memref<322560xi32, #tpu.memory_space<hbm>> -> memref<120xi32, #tpu.memory_space<hbm>>
      %dma_start3A_50 = tpu.memref_slice %arg3[%add3A_48] : memref<322560xi32, #tpu.memory_space<hbm>> -> memref<120xi32, #tpu.memory_space<hbm>>
      tpu.enqueue_dma source(%dma_start3A_50 : memref<120xi32, #tpu.memory_space<hbm>>) target(%arg12 : memref<120xi32, #tpu.memory_space<vmem>>) target_semaphore(%arg27 : memref<!tpu.dma_semaphore, #tpu.memory_space<semaphore_mem>>)
      %dma_start3A_51 = tpu.memref_slice %arg4[%add3A_48] : memref<322560xi32, #tpu.memory_space<hbm>> -> memref<120xi32, #tpu.memory_space<hbm>>
      %dma_start3A_52 = tpu.memref_slice %arg4[%add3A_48] : memref<322560xi32, #tpu.memory_space<hbm>> -> memref<120xi32, #tpu.memory_space<hbm>>
      tpu.enqueue_dma source(%dma_start3A_52 : memref<120xi32, #tpu.memory_space<hbm>>) target(%arg18 : memref<120xi32, #tpu.memory_space<vmem>>) target_semaphore(%arg27 : memref<!tpu.dma_semaphore, #tpu.memory_space<semaphore_mem>>)
      %add3A_53 = arith.constant 600 : i32
      %add3A_54 = arith.addi %add3A_23, %add3A_53 : i32
      %dma_start3A_55 = tpu.memref_slice %arg3[%add3A_54] : memref<322560xi32, #tpu.memory_space<hbm>> -> memref<120xi32, #tpu.memory_space<hbm>>
      %dma_start3A_56 = tpu.memref_slice %arg3[%add3A_54] : memref<322560xi32, #tpu.memory_space<hbm>> -> memref<120xi32, #tpu.memory_space<hbm>>
      tpu.enqueue_dma source(%dma_start3A_56 : memref<120xi32, #tpu.memory_space<hbm>>) target(%arg13 : memref<120xi32, #tpu.memory_space<vmem>>) target_semaphore(%arg28 : memref<!tpu.dma_semaphore, #tpu.memory_space<semaphore_mem>>)
      %dma_start3A_57 = tpu.memref_slice %arg4[%add3A_54] : memref<322560xi32, #tpu.memory_space<hbm>> -> memref<120xi32, #tpu.memory_space<hbm>>
      %dma_start3A_58 = tpu.memref_slice %arg4[%add3A_54] : memref<322560xi32, #tpu.memory_space<hbm>> -> memref<120xi32, #tpu.memory_space<hbm>>
      tpu.enqueue_dma source(%dma_start3A_58 : memref<120xi32, #tpu.memory_space<hbm>>) target(%arg19 : memref<120xi32, #tpu.memory_space<vmem>>) target_semaphore(%arg28 : memref<!tpu.dma_semaphore, #tpu.memory_space<semaphore_mem>>)
      %dma_wait3A = tpu.memref_slice %arg3[%add3A_25] : memref<322560xi32, #tpu.memory_space<hbm>> -> memref<120xi32, #tpu.memory_space<hbm>>
      %dma_wait3A_59 = tpu.memref_slice %arg3[%add3A_25] : memref<322560xi32, #tpu.memory_space<hbm>> -> memref<120xi32, #tpu.memory_space<hbm>>
      tpu.wait_dma2 semaphore(%arg23 : memref<!tpu.dma_semaphore, #tpu.memory_space<semaphore_mem>>) src(%dma_wait3A_59 : memref<120xi32, #tpu.memory_space<hbm>>) dst(%arg8 : memref<120xi32, #tpu.memory_space<vmem>>)
      %dma_wait3A_60 = tpu.memref_slice %arg4[%add3A_25] : memref<322560xi32, #tpu.memory_space<hbm>> -> memref<120xi32, #tpu.memory_space<hbm>>
      %dma_wait3A_61 = tpu.memref_slice %arg4[%add3A_25] : memref<322560xi32, #tpu.memory_space<hbm>> -> memref<120xi32, #tpu.memory_space<hbm>>
      tpu.wait_dma2 semaphore(%arg23 : memref<!tpu.dma_semaphore, #tpu.memory_space<semaphore_mem>>) src(%dma_wait3A_61 : memref<120xi32, #tpu.memory_space<hbm>>) dst(%arg14 : memref<120xi32, #tpu.memory_space<vmem>>)
      %dma_start3A_62 = arith.constant 0 : i32
      %dma_start3A_63 = arith.constant 0 : i32
      %dma_start3A_64 = tpu.memref_slice %arg2[%dma_start3A_62, %dma_start3A_63] : memref<10000x128xf32, #tpu.memory_space<hbm>> -> memref<10000x128xf32, #tpu.memory_space<hbm>>
      tpu.enqueue_indirect_dma source(%dma_start3A_64 : memref<10000x128xf32, #tpu.memory_space<hbm>>) target(%arg20 : memref<120x128xf32, #tpu.memory_space<vmem>>) offsets(%arg8 : memref<120xi32, #tpu.memory_space<vmem>>) semaphore(%arg29 : memref<!tpu.dma_semaphore, #tpu.memory_space<semaphore_mem>>)
      %dma_wait3A_65 = tpu.memref_slice %arg3[%add3A_30] : memref<322560xi32, #tpu.memory_space<hbm>> -> memref<120xi32, #tpu.memory_space<hbm>>
      %dma_wait3A_66 = tpu.memref_slice %arg3[%add3A_30] : memref<322560xi32, #tpu.memory_space<hbm>> -> memref<120xi32, #tpu.memory_space<hbm>>
      tpu.wait_dma2 semaphore(%arg24 : memref<!tpu.dma_semaphore, #tpu.memory_space<semaphore_mem>>) src(%dma_wait3A_66 : memref<120xi32, #tpu.memory_space<hbm>>) dst(%arg9 : memref<120xi32, #tpu.memory_space<vmem>>)
      %dma_wait3A_67 = tpu.memref_slice %arg4[%add3A_30] : memref<322560xi32, #tpu.memory_space<hbm>> -> memref<120xi32, #tpu.memory_space<hbm>>
      %dma_wait3A_68 = tpu.memref_slice %arg4[%add3A_30] : memref<322560xi32, #tpu.memory_space<hbm>> -> memref<120xi32, #tpu.memory_space<hbm>>
      tpu.wait_dma2 semaphore(%arg24 : memref<!tpu.dma_semaphore, #tpu.memory_space<semaphore_mem>>) src(%dma_wait3A_68 : memref<120xi32, #tpu.memory_space<hbm>>) dst(%arg15 : memref<120xi32, #tpu.memory_space<vmem>>)
      %dma_start3A_69 = arith.constant 0 : i32
      %dma_start3A_70 = arith.constant 0 : i32
      %dma_start3A_71 = tpu.memref_slice %arg2[%dma_start3A_69, %dma_start3A_70] : memref<10000x128xf32, #tpu.memory_space<hbm>> -> memref<10000x128xf32, #tpu.memory_space<hbm>>
      tpu.enqueue_indirect_dma source(%dma_start3A_71 : memref<10000x128xf32, #tpu.memory_space<hbm>>) target(%arg21 : memref<120x128xf32, #tpu.memory_space<vmem>>) offsets(%arg9 : memref<120xi32, #tpu.memory_space<vmem>>) semaphore(%arg30 : memref<!tpu.dma_semaphore, #tpu.memory_space<semaphore_mem>>)
      %dma_wait3A_72 = tpu.memref_slice %arg3[%add3A_36] : memref<322560xi32, #tpu.memory_space<hbm>> -> memref<120xi32, #tpu.memory_space<hbm>>
      %dma_wait3A_73 = tpu.memref_slice %arg3[%add3A_36] : memref<322560xi32, #tpu.memory_space<hbm>> -> memref<120xi32, #tpu.memory_space<hbm>>
      tpu.wait_dma2 semaphore(%arg25 : memref<!tpu.dma_semaphore, #tpu.memory_space<semaphore_mem>>) src(%dma_wait3A_73 : memref<120xi32, #tpu.memory_space<hbm>>) dst(%arg10 : memref<120xi32, #tpu.memory_space<vmem>>)
      %dma_wait3A_74 = tpu.memref_slice %arg4[%add3A_36] : memref<322560xi32, #tpu.memory_space<hbm>> -> memref<120xi32, #tpu.memory_space<hbm>>
      %dma_wait3A_75 = tpu.memref_slice %arg4[%add3A_36] : memref<322560xi32, #tpu.memory_space<hbm>> -> memref<120xi32, #tpu.memory_space<hbm>>
      tpu.wait_dma2 semaphore(%arg25 : memref<!tpu.dma_semaphore, #tpu.memory_space<semaphore_mem>>) src(%dma_wait3A_75 : memref<120xi32, #tpu.memory_space<hbm>>) dst(%arg16 : memref<120xi32, #tpu.memory_space<vmem>>)
      %dma_start3A_76 = arith.constant 0 : i32
      %dma_start3A_77 = arith.constant 0 : i32
      %dma_start3A_78 = tpu.memref_slice %arg2[%dma_start3A_76, %dma_start3A_77] : memref<10000x128xf32, #tpu.memory_space<hbm>> -> memref<10000x128xf32, #tpu.memory_space<hbm>>
      tpu.enqueue_indirect_dma source(%dma_start3A_78 : memref<10000x128xf32, #tpu.memory_space<hbm>>) target(%arg22 : memref<120x128xf32, #tpu.memory_space<vmem>>) offsets(%arg10 : memref<120xi32, #tpu.memory_space<vmem>>) semaphore(%arg31 : memref<!tpu.dma_semaphore, #tpu.memory_space<semaphore_mem>>)
      %dma_wait3A_79 = arith.constant 0 : i32
      %dma_wait3A_80 = arith.constant 0 : i32
      %dma_wait3A_81 = tpu.memref_slice %arg2[%dma_wait3A_79, %dma_wait3A_80] : memref<10000x128xf32, #tpu.memory_space<hbm>> -> memref<10000x128xf32, #tpu.memory_space<hbm>>
      tpu.wait_indirect_dma semaphore(%arg29 : memref<!tpu.dma_semaphore, #tpu.memory_space<semaphore_mem>>) src(%dma_wait3A_81 : memref<10000x128xf32, #tpu.memory_space<hbm>>) dst(%arg20 : memref<120x128xf32, #tpu.memory_space<vmem>>)
      %dma_start3A_82 = arith.constant 0 : i32
      %dma_start3A_83 = arith.constant 0 : i32
      %dma_start3A_84 = tpu.memref_slice %arg7[%dma_start3A_82, %dma_start3A_83] : memref<10112x128xf32, #tpu.memory_space<vmem_shared>> -> memref<10112x128xf32, #tpu.memory_space<vmem_shared>>
      tpu.enqueue_indirect_dma source(%arg20 : memref<120x128xf32, #tpu.memory_space<vmem>>) target(%dma_start3A_84 : memref<10112x128xf32, #tpu.memory_space<vmem_shared>>) offsets(%arg14 : memref<120xi32, #tpu.memory_space<vmem>>) semaphore(%arg29 : memref<!tpu.dma_semaphore, #tpu.memory_space<semaphore_mem>>) {add = true}
      %dma_wait3A_85 = arith.constant 0 : i32
      %dma_wait3A_86 = arith.constant 0 : i32
      %dma_wait3A_87 = tpu.memref_slice %arg2[%dma_wait3A_85, %dma_wait3A_86] : memref<10000x128xf32, #tpu.memory_space<hbm>> -> memref<10000x128xf32, #tpu.memory_space<hbm>>
      tpu.wait_indirect_dma semaphore(%arg30 : memref<!tpu.dma_semaphore, #tpu.memory_space<semaphore_mem>>) src(%dma_wait3A_87 : memref<10000x128xf32, #tpu.memory_space<hbm>>) dst(%arg21 : memref<120x128xf32, #tpu.memory_space<vmem>>)
      %dma_start3A_88 = arith.constant 0 : i32
      %dma_start3A_89 = arith.constant 0 : i32
      %dma_start3A_90 = tpu.memref_slice %arg7[%dma_start3A_88, %dma_start3A_89] : memref<10112x128xf32, #tpu.memory_space<vmem_shared>> -> memref<10112x128xf32, #tpu.memory_space<vmem_shared>>
      tpu.enqueue_indirect_dma source(%arg21 : memref<120x128xf32, #tpu.memory_space<vmem>>) target(%dma_start3A_90 : memref<10112x128xf32, #tpu.memory_space<vmem_shared>>) offsets(%arg15 : memref<120xi32, #tpu.memory_space<vmem>>) semaphore(%arg30 : memref<!tpu.dma_semaphore, #tpu.memory_space<semaphore_mem>>) {add = true}
      %dma_wait3A_91 = arith.constant 0 : i32
      %dma_wait3A_92 = arith.constant 0 : i32
      %dma_wait3A_93 = tpu.memref_slice %arg2[%dma_wait3A_91, %dma_wait3A_92] : memref<10000x128xf32, #tpu.memory_space<hbm>> -> memref<10000x128xf32, #tpu.memory_space<hbm>>
      tpu.wait_indirect_dma semaphore(%arg31 : memref<!tpu.dma_semaphore, #tpu.memory_space<semaphore_mem>>) src(%dma_wait3A_93 : memref<10000x128xf32, #tpu.memory_space<hbm>>) dst(%arg22 : memref<120x128xf32, #tpu.memory_space<vmem>>)
      %dma_start3A_94 = arith.constant 0 : i32
      %dma_start3A_95 = arith.constant 0 : i32
      %dma_start3A_96 = tpu.memref_slice %arg7[%dma_start3A_94, %dma_start3A_95] : memref<10112x128xf32, #tpu.memory_space<vmem_shared>> -> memref<10112x128xf32, #tpu.memory_space<vmem_shared>>
      tpu.enqueue_indirect_dma source(%arg22 : memref<120x128xf32, #tpu.memory_space<vmem>>) target(%dma_start3A_96 : memref<10112x128xf32, #tpu.memory_space<vmem_shared>>) offsets(%arg16 : memref<120xi32, #tpu.memory_space<vmem>>) semaphore(%arg31 : memref<!tpu.dma_semaphore, #tpu.memory_space<semaphore_mem>>) {add = true}
      %dma_wait3A_97 = arith.constant 0 : i32
      %dma_wait3A_98 = arith.constant 0 : i32
      %dma_wait3A_99 = tpu.memref_slice %arg7[%dma_wait3A_97, %dma_wait3A_98] : memref<10112x128xf32, #tpu.memory_space<vmem_shared>> -> memref<10112x128xf32, #tpu.memory_space<vmem_shared>>
      tpu.wait_indirect_dma semaphore(%arg29 : memref<!tpu.dma_semaphore, #tpu.memory_space<semaphore_mem>>) src(%arg20 : memref<120x128xf32, #tpu.memory_space<vmem>>) dst(%dma_wait3A_99 : memref<10112x128xf32, #tpu.memory_space<vmem_shared>>)
      %dma_wait3A_100 = tpu.memref_slice %arg3[%add3A_42] : memref<322560xi32, #tpu.memory_space<hbm>> -> memref<120xi32, #tpu.memory_space<hbm>>
      %dma_wait3A_101 = tpu.memref_slice %arg3[%add3A_42] : memref<322560xi32, #tpu.memory_space<hbm>> -> memref<120xi32, #tpu.memory_space<hbm>>
      tpu.wait_dma2 semaphore(%arg26 : memref<!tpu.dma_semaphore, #tpu.memory_space<semaphore_mem>>) src(%dma_wait3A_101 : memref<120xi32, #tpu.memory_space<hbm>>) dst(%arg11 : memref<120xi32, #tpu.memory_space<vmem>>)
      %dma_wait3A_102 = tpu.memref_slice %arg4[%add3A_42] : memref<322560xi32, #tpu.memory_space<hbm>> -> memref<120xi32, #tpu.memory_space<hbm>>
      %dma_wait3A_103 = tpu.memref_slice %arg4[%add3A_42] : memref<322560xi32, #tpu.memory_space<hbm>> -> memref<120xi32, #tpu.memory_space<hbm>>
      tpu.wait_dma2 semaphore(%arg26 : memref<!tpu.dma_semaphore, #tpu.memory_space<semaphore_mem>>) src(%dma_wait3A_103 : memref<120xi32, #tpu.memory_space<hbm>>) dst(%arg17 : memref<120xi32, #tpu.memory_space<vmem>>)
      %dma_start3A_104 = arith.constant 0 : i32
      %dma_start3A_105 = arith.constant 0 : i32
      %dma_start3A_106 = tpu.memref_slice %arg2[%dma_start3A_104, %dma_start3A_105] : memref<10000x128xf32, #tpu.memory_space<hbm>> -> memref<10000x128xf32, #tpu.memory_space<hbm>>
      tpu.enqueue_indirect_dma source(%dma_start3A_106 : memref<10000x128xf32, #tpu.memory_space<hbm>>) target(%arg20 : memref<120x128xf32, #tpu.memory_space<vmem>>) offsets(%arg11 : memref<120xi32, #tpu.memory_space<vmem>>) semaphore(%arg29 : memref<!tpu.dma_semaphore, #tpu.memory_space<semaphore_mem>>)
      %dma_wait3A_107 = arith.constant 0 : i32
      %dma_wait3A_108 = arith.constant 0 : i32
      %dma_wait3A_109 = tpu.memref_slice %arg7[%dma_wait3A_107, %dma_wait3A_108] : memref<10112x128xf32, #tpu.memory_space<vmem_shared>> -> memref<10112x128xf32, #tpu.memory_space<vmem_shared>>
      tpu.wait_indirect_dma semaphore(%arg30 : memref<!tpu.dma_semaphore, #tpu.memory_space<semaphore_mem>>) src(%arg21 : memref<120x128xf32, #tpu.memory_space<vmem>>) dst(%dma_wait3A_109 : memref<10112x128xf32, #tpu.memory_space<vmem_shared>>)
      %dma_wait3A_110 = tpu.memref_slice %arg3[%add3A_48] : memref<322560xi32, #tpu.memory_space<hbm>> -> memref<120xi32, #tpu.memory_space<hbm>>
      %dma_wait3A_111 = tpu.memref_slice %arg3[%add3A_48] : memref<322560xi32, #tpu.memory_space<hbm>> -> memref<120xi32, #tpu.memory_space<hbm>>
      tpu.wait_dma2 semaphore(%arg27 : memref<!tpu.dma_semaphore, #tpu.memory_space<semaphore_mem>>) src(%dma_wait3A_111 : memref<120xi32, #tpu.memory_space<hbm>>) dst(%arg12 : memref<120xi32, #tpu.memory_space<vmem>>)
      %dma_wait3A_112 = tpu.memref_slice %arg4[%add3A_48] : memref<322560xi32, #tpu.memory_space<hbm>> -> memref<120xi32, #tpu.memory_space<hbm>>
      %dma_wait3A_113 = tpu.memref_slice %arg4[%add3A_48] : memref<322560xi32, #tpu.memory_space<hbm>> -> memref<120xi32, #tpu.memory_space<hbm>>
      tpu.wait_dma2 semaphore(%arg27 : memref<!tpu.dma_semaphore, #tpu.memory_space<semaphore_mem>>) src(%dma_wait3A_113 : memref<120xi32, #tpu.memory_space<hbm>>) dst(%arg18 : memref<120xi32, #tpu.memory_space<vmem>>)
      %dma_start3A_114 = arith.constant 0 : i32
      %dma_start3A_115 = arith.constant 0 : i32
      %dma_start3A_116 = tpu.memref_slice %arg2[%dma_start3A_114, %dma_start3A_115] : memref<10000x128xf32, #tpu.memory_space<hbm>> -> memref<10000x128xf32, #tpu.memory_space<hbm>>
      tpu.enqueue_indirect_dma source(%dma_start3A_116 : memref<10000x128xf32, #tpu.memory_space<hbm>>) target(%arg21 : memref<120x128xf32, #tpu.memory_space<vmem>>) offsets(%arg12 : memref<120xi32, #tpu.memory_space<vmem>>) semaphore(%arg30 : memref<!tpu.dma_semaphore, #tpu.memory_space<semaphore_mem>>)
      %dma_wait3A_117 = arith.constant 0 : i32
      %dma_wait3A_118 = arith.constant 0 : i32
      %dma_wait3A_119 = tpu.memref_slice %arg7[%dma_wait3A_117, %dma_wait3A_118] : memref<10112x128xf32, #tpu.memory_space<vmem_shared>> -> memref<10112x128xf32, #tpu.memory_space<vmem_shared>>
      tpu.wait_indirect_dma semaphore(%arg31 : memref<!tpu.dma_semaphore, #tpu.memory_space<semaphore_mem>>) src(%arg22 : memref<120x128xf32, #tpu.memory_space<vmem>>) dst(%dma_wait3A_119 : memref<10112x128xf32, #tpu.memory_space<vmem_shared>>)
      %dma_wait3A_120 = tpu.memref_slice %arg3[%add3A_54] : memref<322560xi32, #tpu.memory_space<hbm>> -> memref<120xi32, #tpu.memory_space<hbm>>
      %dma_wait3A_121 = tpu.memref_slice %arg3[%add3A_54] : memref<322560xi32, #tpu.memory_space<hbm>> -> memref<120xi32, #tpu.memory_space<hbm>>
      tpu.wait_dma2 semaphore(%arg28 : memref<!tpu.dma_semaphore, #tpu.memory_space<semaphore_mem>>) src(%dma_wait3A_121 : memref<120xi32, #tpu.memory_space<hbm>>) dst(%arg13 : memref<120xi32, #tpu.memory_space<vmem>>)
      %dma_wait3A_122 = tpu.memref_slice %arg4[%add3A_54] : memref<322560xi32, #tpu.memory_space<hbm>> -> memref<120xi32, #tpu.memory_space<hbm>>
      %dma_wait3A_123 = tpu.memref_slice %arg4[%add3A_54] : memref<322560xi32, #tpu.memory_space<hbm>> -> memref<120xi32, #tpu.memory_space<hbm>>
      tpu.wait_dma2 semaphore(%arg28 : memref<!tpu.dma_semaphore, #tpu.memory_space<semaphore_mem>>) src(%dma_wait3A_123 : memref<120xi32, #tpu.memory_space<hbm>>) dst(%arg19 : memref<120xi32, #tpu.memory_space<vmem>>)
      %dma_start3A_124 = arith.constant 0 : i32
      %dma_start3A_125 = arith.constant 0 : i32
      %dma_start3A_126 = tpu.memref_slice %arg2[%dma_start3A_124, %dma_start3A_125] : memref<10000x128xf32, #tpu.memory_space<hbm>> -> memref<10000x128xf32, #tpu.memory_space<hbm>>
      tpu.enqueue_indirect_dma source(%dma_start3A_126 : memref<10000x128xf32, #tpu.memory_space<hbm>>) target(%arg22 : memref<120x128xf32, #tpu.memory_space<vmem>>) offsets(%arg13 : memref<120xi32, #tpu.memory_space<vmem>>) semaphore(%arg31 : memref<!tpu.dma_semaphore, #tpu.memory_space<semaphore_mem>>)
      %dma_wait3A_127 = arith.constant 0 : i32
      %dma_wait3A_128 = arith.constant 0 : i32
      %dma_wait3A_129 = tpu.memref_slice %arg2[%dma_wait3A_127, %dma_wait3A_128] : memref<10000x128xf32, #tpu.memory_space<hbm>> -> memref<10000x128xf32, #tpu.memory_space<hbm>>
      tpu.wait_indirect_dma semaphore(%arg29 : memref<!tpu.dma_semaphore, #tpu.memory_space<semaphore_mem>>) src(%dma_wait3A_129 : memref<10000x128xf32, #tpu.memory_space<hbm>>) dst(%arg20 : memref<120x128xf32, #tpu.memory_space<vmem>>)
      %dma_start3A_130 = arith.constant 0 : i32
      %dma_start3A_131 = arith.constant 0 : i32
      %dma_start3A_132 = tpu.memref_slice %arg7[%dma_start3A_130, %dma_start3A_131] : memref<10112x128xf32, #tpu.memory_space<vmem_shared>> -> memref<10112x128xf32, #tpu.memory_space<vmem_shared>>
      tpu.enqueue_indirect_dma source(%arg20 : memref<120x128xf32, #tpu.memory_space<vmem>>) target(%dma_start3A_132 : memref<10112x128xf32, #tpu.memory_space<vmem_shared>>) offsets(%arg17 : memref<120xi32, #tpu.memory_space<vmem>>) semaphore(%arg29 : memref<!tpu.dma_semaphore, #tpu.memory_space<semaphore_mem>>) {add = true}
      %dma_wait3A_133 = arith.constant 0 : i32
      %dma_wait3A_134 = arith.constant 0 : i32
      %dma_wait3A_135 = tpu.memref_slice %arg2[%dma_wait3A_133, %dma_wait3A_134] : memref<10000x128xf32, #tpu.memory_space<hbm>> -> memref<10000x128xf32, #tpu.memory_space<hbm>>
      tpu.wait_indirect_dma semaphore(%arg30 : memref<!tpu.dma_semaphore, #tpu.memory_space<semaphore_mem>>) src(%dma_wait3A_135 : memref<10000x128xf32, #tpu.memory_space<hbm>>) dst(%arg21 : memref<120x128xf32, #tpu.memory_space<vmem>>)
      %dma_start3A_136 = arith.constant 0 : i32
      %dma_start3A_137 = arith.constant 0 : i32
      %dma_start3A_138 = tpu.memref_slice %arg7[%dma_start3A_136, %dma_start3A_137] : memref<10112x128xf32, #tpu.memory_space<vmem_shared>> -> memref<10112x128xf32, #tpu.memory_space<vmem_shared>>
      tpu.enqueue_indirect_dma source(%arg21 : memref<120x128xf32, #tpu.memory_space<vmem>>) target(%dma_start3A_138 : memref<10112x128xf32, #tpu.memory_space<vmem_shared>>) offsets(%arg18 : memref<120xi32, #tpu.memory_space<vmem>>) semaphore(%arg30 : memref<!tpu.dma_semaphore, #tpu.memory_space<semaphore_mem>>) {add = true}
      %dma_wait3A_139 = arith.constant 0 : i32
      %dma_wait3A_140 = arith.constant 0 : i32
      %dma_wait3A_141 = tpu.memref_slice %arg2[%dma_wait3A_139, %dma_wait3A_140] : memref<10000x128xf32, #tpu.memory_space<hbm>> -> memref<10000x128xf32, #tpu.memory_space<hbm>>
      tpu.wait_indirect_dma semaphore(%arg31 : memref<!tpu.dma_semaphore, #tpu.memory_space<semaphore_mem>>) src(%dma_wait3A_141 : memref<10000x128xf32, #tpu.memory_space<hbm>>) dst(%arg22 : memref<120x128xf32, #tpu.memory_space<vmem>>)
      %dma_start3A_142 = arith.constant 0 : i32
      %dma_start3A_143 = arith.constant 0 : i32
      %dma_start3A_144 = tpu.memref_slice %arg7[%dma_start3A_142, %dma_start3A_143] : memref<10112x128xf32, #tpu.memory_space<vmem_shared>> -> memref<10112x128xf32, #tpu.memory_space<vmem_shared>>
      tpu.enqueue_indirect_dma source(%arg22 : memref<120x128xf32, #tpu.memory_space<vmem>>) target(%dma_start3A_144 : memref<10112x128xf32, #tpu.memory_space<vmem_shared>>) offsets(%arg19 : memref<120xi32, #tpu.memory_space<vmem>>) semaphore(%arg31 : memref<!tpu.dma_semaphore, #tpu.memory_space<semaphore_mem>>) {add = true}
      %dma_wait3A_145 = arith.constant 0 : i32
      %dma_wait3A_146 = arith.constant 0 : i32
      %dma_wait3A_147 = tpu.memref_slice %arg7[%dma_wait3A_145, %dma_wait3A_146] : memref<10112x128xf32, #tpu.memory_space<vmem_shared>> -> memref<10112x128xf32, #tpu.memory_space<vmem_shared>>
      tpu.wait_indirect_dma semaphore(%arg29 : memref<!tpu.dma_semaphore, #tpu.memory_space<semaphore_mem>>) src(%arg20 : memref<120x128xf32, #tpu.memory_space<vmem>>) dst(%dma_wait3A_147 : memref<10112x128xf32, #tpu.memory_space<vmem_shared>>)
      %dma_wait3A_148 = arith.constant 0 : i32
      %dma_wait3A_149 = arith.constant 0 : i32
      %dma_wait3A_150 = tpu.memref_slice %arg7[%dma_wait3A_148, %dma_wait3A_149] : memref<10112x128xf32, #tpu.memory_space<vmem_shared>> -> memref<10112x128xf32, #tpu.memory_space<vmem_shared>>
      tpu.wait_indirect_dma semaphore(%arg30 : memref<!tpu.dma_semaphore, #tpu.memory_space<semaphore_mem>>) src(%arg21 : memref<120x128xf32, #tpu.memory_space<vmem>>) dst(%dma_wait3A_150 : memref<10112x128xf32, #tpu.memory_space<vmem_shared>>)
      %dma_wait3A_151 = arith.constant 0 : i32
      %dma_wait3A_152 = arith.constant 0 : i32
      %dma_wait3A_153 = tpu.memref_slice %arg7[%dma_wait3A_151, %dma_wait3A_152] : memref<10112x128xf32, #tpu.memory_space<vmem_shared>> -> memref<10112x128xf32, #tpu.memory_space<vmem_shared>>
      tpu.wait_indirect_dma semaphore(%arg31 : memref<!tpu.dma_semaphore, #tpu.memory_space<semaphore_mem>>) src(%arg22 : memref<120x128xf32, #tpu.memory_space<vmem>>) dst(%dma_wait3A_153 : memref<10112x128xf32, #tpu.memory_space<vmem_shared>>)
    }
    %scan3A_8 = arith.constant 14 : i32
    %barrier3A_9 = arith.constant 0 : index
    tpu.barrier barrier_id(%barrier3A_9)
    %lt3A = arith.constant 15 : i32
    %lt3A_10 = arith.cmpi slt, %arg1, %lt3A : i32
    %convert_element_type3A = arith.extui %lt3A_10 : i1 to i32
    %cond3A = arith.constant 0 : i32
    %cond3A_11 = arith.cmpi ne, %convert_element_type3A, %cond3A : i32
    scf.if %cond3A_11 {
      "tpu.region"() ({
        %run_scoped3A = tpu.sem_alloc : memref<!tpu.dma_semaphore, #tpu.memory_space<semaphore_mem>>
        %dma_start3A = arith.constant 0 : i32
        %dma_start3A_16 = tpu.memref_slice %arg6[%arg0, %mul3A_2, %dma_start3A] : memref<2x10000x128xf32, #tpu.memory_space<hbm>> -> memref<1x632x128xf32, #tpu.memory_space<hbm>>
        %dma_start3A_17 = tpu.memref_squeeze %dma_start3A_16 : memref<1x632x128xf32, #tpu.memory_space<hbm>> -> memref<632x128xf32, #tpu.memory_space<hbm>>
        %dma_start3A_18 = arith.constant 0 : i32
        %dma_start3A_19 = tpu.memref_slice %arg7[%mul3A_2, %dma_start3A_18] : memref<10112x128xf32, #tpu.memory_space<vmem_shared>> -> memref<632x128xf32, #tpu.memory_space<vmem_shared>>
        tpu.enqueue_dma source(%dma_start3A_19 : memref<632x128xf32, #tpu.memory_space<vmem_shared>>) target(%dma_start3A_17 : memref<632x128xf32, #tpu.memory_space<hbm>>) target_semaphore(%run_scoped3A : memref<!tpu.dma_semaphore, #tpu.memory_space<semaphore_mem>>)
        %dma_wait3A = arith.constant 0 : i32
        %dma_wait3A_20 = tpu.memref_slice %arg6[%arg0, %mul3A_2, %dma_wait3A] : memref<2x10000x128xf32, #tpu.memory_space<hbm>> -> memref<1x632x128xf32, #tpu.memory_space<hbm>>
        %dma_wait3A_21 = tpu.memref_squeeze %dma_wait3A_20 : memref<1x632x128xf32, #tpu.memory_space<hbm>> -> memref<632x128xf32, #tpu.memory_space<hbm>>
        %dma_wait3A_22 = arith.constant 0 : i32
        %dma_wait3A_23 = tpu.memref_slice %arg7[%mul3A_2, %dma_wait3A_22] : memref<10112x128xf32, #tpu.memory_space<vmem_shared>> -> memref<632x128xf32, #tpu.memory_space<vmem_shared>>
        tpu.wait_dma2 semaphore(%run_scoped3A : memref<!tpu.dma_semaphore, #tpu.memory_space<semaphore_mem>>) src(%dma_wait3A_23 : memref<632x128xf32, #tpu.memory_space<vmem_shared>>) dst(%dma_wait3A_21 : memref<632x128xf32, #tpu.memory_space<hbm>>)
        tpu.yield
      }) : () -> ()
    } else {
    }
    %eq3A = arith.constant 15 : i32
    %eq3A_12 = arith.cmpi eq, %arg1, %eq3A : i32
    %convert_element_type3A_13 = arith.extui %eq3A_12 : i1 to i32
    %cond3A_14 = arith.constant 0 : i32
    %cond3A_15 = arith.cmpi ne, %convert_element_type3A_13, %cond3A_14 : i32
    scf.if %cond3A_15 {
      "tpu.region"() ({
        %run_scoped3A = tpu.sem_alloc : memref<!tpu.dma_semaphore, #tpu.memory_space<semaphore_mem>>
        %dma_start3A = arith.constant 0 : i32
        %dma_start3A_16 = tpu.memref_slice %arg6[%arg0, %mul3A_2, %dma_start3A] : memref<2x10000x128xf32, #tpu.memory_space<hbm>> -> memref<1x520x128xf32, #tpu.memory_space<hbm>>
        %dma_start3A_17 = tpu.memref_squeeze %dma_start3A_16 : memref<1x520x128xf32, #tpu.memory_space<hbm>> -> memref<520x128xf32, #tpu.memory_space<hbm>>
        %dma_start3A_18 = arith.constant 0 : i32
        %dma_start3A_19 = tpu.memref_slice %arg7[%mul3A_2, %dma_start3A_18] : memref<10112x128xf32, #tpu.memory_space<vmem_shared>> -> memref<520x128xf32, #tpu.memory_space<vmem_shared>>
        tpu.enqueue_dma source(%dma_start3A_19 : memref<520x128xf32, #tpu.memory_space<vmem_shared>>) target(%dma_start3A_17 : memref<520x128xf32, #tpu.memory_space<hbm>>) target_semaphore(%run_scoped3A : memref<!tpu.dma_semaphore, #tpu.memory_space<semaphore_mem>>)
        %dma_wait3A = arith.constant 0 : i32
        %dma_wait3A_20 = tpu.memref_slice %arg6[%arg0, %mul3A_2, %dma_wait3A] : memref<2x10000x128xf32, #tpu.memory_space<hbm>> -> memref<1x520x128xf32, #tpu.memory_space<hbm>>
        %dma_wait3A_21 = tpu.memref_squeeze %dma_wait3A_20 : memref<1x520x128xf32, #tpu.memory_space<hbm>> -> memref<520x128xf32, #tpu.memory_space<hbm>>
        %dma_wait3A_22 = arith.constant 0 : i32
        %dma_wait3A_23 = tpu.memref_slice %arg7[%mul3A_2, %dma_wait3A_22] : memref<10112x128xf32, #tpu.memory_space<vmem_shared>> -> memref<520x128xf32, #tpu.memory_space<vmem_shared>>
        tpu.wait_dma2 semaphore(%run_scoped3A : memref<!tpu.dma_semaphore, #tpu.memory_space<semaphore_mem>>) src(%dma_wait3A_23 : memref<520x128xf32, #tpu.memory_space<vmem_shared>>) dst(%dma_wait3A_21 : memref<520x128xf32, #tpu.memory_space<hbm>>)
        tpu.yield
      }) : () -> ()
    } else {
    }
    return
  }
}

#map = affine_map<(d0, d1) -> (0, 0)>
#map1 = affine_map<(d0, d1) -> (0)>
#map2 = affine_map<(d0, d1) -> (0, 0, 0)>
module attributes {stable_mosaic.version = 14 : i64} {
  func.func @k(%arg0: i32, %arg1: i32, %arg2: memref<10000x128xf32, #tpu.memory_space<hbm>>, %arg3: memref<322560xi32, #tpu.memory_space<hbm>>, %arg4: memref<322560xi32, #tpu.memory_space<hbm>>, %arg5: memref<632x128xf32, #tpu.memory_space<hbm>>, %arg6: memref<2x10000x128xf32, #tpu.memory_space<hbm>>, %arg7: memref<10112x128xf32, #tpu.memory_space<vmem_shared>>, %arg8: memref<120xi32, #tpu.memory_space<vmem>>, %arg9: memref<120xi32, #tpu.memory_space<vmem>>, %arg10: memref<120xi32, #tpu.memory_space<vmem>>, %arg11: memref<120xi32, #tpu.memory_space<vmem>>, %arg12: memref<120xi32, #tpu.memory_space<vmem>>, %arg13: memref<120xi32, #tpu.memory_space<vmem>>, %arg14: memref<120xi32, #tpu.memory_space<vmem>>, %arg15: memref<120xi32, #tpu.memory_space<vmem>>, %arg16: memref<120xi32, #tpu.memory_space<vmem>>, %arg17: memref<120xi32, #tpu.memory_space<vmem>>, %arg18: memref<120xi32, #tpu.memory_space<vmem>>, %arg19: memref<120xi32, #tpu.memory_space<vmem>>, %arg20: memref<120x128xf32, #tpu.memory_space<vmem>>, %arg21: memref<120x128xf32, #tpu.memory_space<vmem>>, %arg22: memref<120x128xf32, #tpu.memory_space<vmem>>, %arg23: memref<!tpu.dma_semaphore, #tpu.memory_space<semaphore_mem>>, %arg24: memref<!tpu.dma_semaphore, #tpu.memory_space<semaphore_mem>>, %arg25: memref<!tpu.dma_semaphore, #tpu.memory_space<semaphore_mem>>, %arg26: memref<!tpu.dma_semaphore, #tpu.memory_space<semaphore_mem>>, %arg27: memref<!tpu.dma_semaphore, #tpu.memory_space<semaphore_mem>>, %arg28: memref<!tpu.dma_semaphore, #tpu.memory_space<semaphore_mem>>, %arg29: memref<!tpu.dma_semaphore, #tpu.memory_space<semaphore_mem>>, %arg30: memref<!tpu.dma_semaphore, #tpu.memory_space<semaphore_mem>>, %arg31: memref<!tpu.dma_semaphore, #tpu.memory_space<semaphore_mem>>) attributes {dimension_semantics = [#tpu.dimension_semantics<core_parallel>, #tpu.dimension_semantics<subcore_parallel>], iteration_bounds = array<i64: 2, 16>, scalar_prefetch = 0 : i64, scratch_operands = 25 : i64, tpu.core_type = #tpu.core_type<sc_vector_subcore>, window_params = [{transform_indices = #map}, {transform_indices = #map1}, {transform_indices = #map1}, {transform_indices = #map}, {transform_indices = #map2}]} {
    %mul3A = arith.constant 2 : i32
    %mul3A_0 = arith.muli %arg1, %mul3A : i32
    %add3A = arith.addi %mul3A_0, %arg0 : i32
    %mul3A_1 = arith.constant 632 : i32
    %mul3A_2 = arith.muli %arg1, %mul3A_1 : i32
    %mul3A_3 = arith.constant 10080 : i32
    %mul3A_4 = arith.muli %add3A, %mul3A_3 : i32
    "tpu.region"() ({
      %run_scoped3A = tpu.sem_alloc : memref<!tpu.dma_semaphore, #tpu.memory_space<semaphore_mem>>
      %dma_start3A = arith.constant 0 : i32
      %dma_start3A_16 = tpu.memref_slice %arg7[%mul3A_2, %dma_start3A] : memref<10112x128xf32, #tpu.memory_space<vmem_shared>> -> memref<632x128xf32, #tpu.memory_space<vmem_shared>>
      tpu.enqueue_dma source(%arg5 : memref<632x128xf32, #tpu.memory_space<hbm>>) target(%dma_start3A_16 : memref<632x128xf32, #tpu.memory_space<vmem_shared>>) target_semaphore(%run_scoped3A : memref<!tpu.dma_semaphore, #tpu.memory_space<semaphore_mem>>)
      %dma_wait3A = arith.constant 0 : i32
      %dma_wait3A_17 = tpu.memref_slice %arg7[%mul3A_2, %dma_wait3A] : memref<10112x128xf32, #tpu.memory_space<vmem_shared>> -> memref<632x128xf32, #tpu.memory_space<vmem_shared>>
      tpu.wait_dma2 semaphore(%run_scoped3A : memref<!tpu.dma_semaphore, #tpu.memory_space<semaphore_mem>>) src(%arg5 : memref<632x128xf32, #tpu.memory_space<hbm>>) dst(%dma_wait3A_17 : memref<632x128xf32, #tpu.memory_space<vmem_shared>>)
      tpu.yield
    }) : () -> ()
    %barrier3A = arith.constant 0 : index
    tpu.barrier barrier_id(%barrier3A)
    %scan3A = arith.constant 0 : i32
    %scan3A_5 = arith.constant 14 : i32
    %scan3A_6 = arith.addi %scan3A, %scan3A_5 : i32
    %scan3A_7 = arith.constant 1 : i32
    scf.for %scan3A_16 = %scan3A to %scan3A_6 step %scan3A_7  : i32 {
      %mul3A_17 = arith.constant 1 : i32
      %mul3A_18 = arith.muli %scan3A_16, %mul3A_17 : i32
      %add3A_19 = arith.constant 0 : i32
      %add3A_20 = arith.addi %add3A_19, %mul3A_18 : i32
      %mul3A_21 = arith.constant 720 : i32
      %mul3A_22 = arith.muli %add3A_20, %mul3A_21 : i32
      %add3A_23 = arith.addi %mul3A_4, %mul3A_22 : i32
      %add3A_24 = arith.constant 0 : i32
      %add3A_25 = arith.addi %add3A_23, %add3A_24 : i32
      %dma_start3A = tpu.memref_slice %arg3[%add3A_25] : memref<322560xi32, #tpu.memory_space<hbm>> -> memref<120xi32, #tpu.memory_space<hbm>>
      %dma_start3A_26 = tpu.memref_slice %arg3[%add3A_25] : memref<322560xi32, #tpu.memory_space<hbm>> -> memref<120xi32, #tpu.memory_space<hbm>>
      tpu.enqueue_dma source(%dma_start3A_26 : memref<120xi32, #tpu.memory_space<hbm>>) target(%arg8 : memref<120xi32, #tpu.memory_space<vmem>>) target_semaphore(%arg23 : memref<!tpu.dma_semaphore, #tpu.memory_space<semaphore_mem>>)
      %dma_start3A_27 = tpu.memref_slice %arg4[%add3A_25] : memref<322560xi32, #tpu.memory_space<hbm>> -> memref<120xi32, #tpu.memory_space<hbm>>
      %dma_start3A_28 = tpu.memref_slice %arg4[%add3A_25] : memref<322560xi32, #tpu.memory_space<hbm>> -> memref<120xi32, #tpu.memory_space<hbm>>
      tpu.enqueue_dma source(%dma_start3A_28 : memref<120xi32, #tpu.memory_space<hbm>>) target(%arg14 : memref<120xi32, #tpu.memory_space<vmem>>) target_semaphore(%arg23 : memref<!tpu.dma_semaphore, #tpu.memory_space<semaphore_mem>>)
      %add3A_29 = arith.constant 120 : i32
      %add3A_30 = arith.addi %add3A_23, %add3A_29 : i32
      %dma_start3A_31 = tpu.memref_slice %arg3[%add3A_30] : memref<322560xi32, #tpu.memory_space<hbm>> -> memref<120xi32, #tpu.memory_space<hbm>>
      %dma_start3A_32 = tpu.memref_slice %arg3[%add3A_30] : memref<322560xi32, #tpu.memory_space<hbm>> -> memref<120xi32, #tpu.memory_space<hbm>>
      tpu.enqueue_dma source(%dma_start3A_32 : memref<120xi32, #tpu.memory_space<hbm>>) target(%arg9 : memref<120xi32, #tpu.memory_space<vmem>>) target_semaphore(%arg24 : memref<!tpu.dma_semaphore, #tpu.memory_space<semaphore_mem>>)
      %dma_start3A_33 = tpu.memref_slice %arg4[%add3A_30] : memref<322560xi32, #tpu.memory_space<hbm>> -> memref<120xi32, #tpu.memory_space<hbm>>
      %dma_start3A_34 = tpu.memref_slice %arg4[%add3A_30] : memref<322560xi32, #tpu.memory_space<hbm>> -> memref<120xi32, #tpu.memory_space<hbm>>
      tpu.enqueue_dma source(%dma_start3A_34 : memref<120xi32, #tpu.memory_space<hbm>>) target(%arg15 : memref<120xi32, #tpu.memory_space<vmem>>) target_semaphore(%arg24 : memref<!tpu.dma_semaphore, #tpu.memory_space<semaphore_mem>>)
      %add3A_35 = arith.constant 240 : i32
      %add3A_36 = arith.addi %add3A_23, %add3A_35 : i32
      %dma_start3A_37 = tpu.memref_slice %arg3[%add3A_36] : memref<322560xi32, #tpu.memory_space<hbm>> -> memref<120xi32, #tpu.memory_space<hbm>>
      %dma_start3A_38 = tpu.memref_slice %arg3[%add3A_36] : memref<322560xi32, #tpu.memory_space<hbm>> -> memref<120xi32, #tpu.memory_space<hbm>>
      tpu.enqueue_dma source(%dma_start3A_38 : memref<120xi32, #tpu.memory_space<hbm>>) target(%arg10 : memref<120xi32, #tpu.memory_space<vmem>>) target_semaphore(%arg25 : memref<!tpu.dma_semaphore, #tpu.memory_space<semaphore_mem>>)
      %dma_start3A_39 = tpu.memref_slice %arg4[%add3A_36] : memref<322560xi32, #tpu.memory_space<hbm>> -> memref<120xi32, #tpu.memory_space<hbm>>
      %dma_start3A_40 = tpu.memref_slice %arg4[%add3A_36] : memref<322560xi32, #tpu.memory_space<hbm>> -> memref<120xi32, #tpu.memory_space<hbm>>
      tpu.enqueue_dma source(%dma_start3A_40 : memref<120xi32, #tpu.memory_space<hbm>>) target(%arg16 : memref<120xi32, #tpu.memory_space<vmem>>) target_semaphore(%arg25 : memref<!tpu.dma_semaphore, #tpu.memory_space<semaphore_mem>>)
      %add3A_41 = arith.constant 360 : i32
      %add3A_42 = arith.addi %add3A_23, %add3A_41 : i32
      %dma_start3A_43 = tpu.memref_slice %arg3[%add3A_42] : memref<322560xi32, #tpu.memory_space<hbm>> -> memref<120xi32, #tpu.memory_space<hbm>>
      %dma_start3A_44 = tpu.memref_slice %arg3[%add3A_42] : memref<322560xi32, #tpu.memory_space<hbm>> -> memref<120xi32, #tpu.memory_space<hbm>>
      tpu.enqueue_dma source(%dma_start3A_44 : memref<120xi32, #tpu.memory_space<hbm>>) target(%arg11 : memref<120xi32, #tpu.memory_space<vmem>>) target_semaphore(%arg26 : memref<!tpu.dma_semaphore, #tpu.memory_space<semaphore_mem>>)
      %dma_start3A_45 = tpu.memref_slice %arg4[%add3A_42] : memref<322560xi32, #tpu.memory_space<hbm>> -> memref<120xi32, #tpu.memory_space<hbm>>
      %dma_start3A_46 = tpu.memref_slice %arg4[%add3A_42] : memref<322560xi32, #tpu.memory_space<hbm>> -> memref<120xi32, #tpu.memory_space<hbm>>
      tpu.enqueue_dma source(%dma_start3A_46 : memref<120xi32, #tpu.memory_space<hbm>>) target(%arg17 : memref<120xi32, #tpu.memory_space<vmem>>) target_semaphore(%arg26 : memref<!tpu.dma_semaphore, #tpu.memory_space<semaphore_mem>>)
      %add3A_47 = arith.constant 480 : i32
      %add3A_48 = arith.addi %add3A_23, %add3A_47 : i32
      %dma_start3A_49 = tpu.memref_slice %arg3[%add3A_48] : memref<322560xi32, #tpu.memory_space<hbm>> -> memref<120xi32, #tpu.memory_space<hbm>>
      %dma_start3A_50 = tpu.memref_slice %arg3[%add3A_48] : memref<322560xi32, #tpu.memory_space<hbm>> -> memref<120xi32, #tpu.memory_space<hbm>>
      tpu.enqueue_dma source(%dma_start3A_50 : memref<120xi32, #tpu.memory_space<hbm>>) target(%arg12 : memref<120xi32, #tpu.memory_space<vmem>>) target_semaphore(%arg27 : memref<!tpu.dma_semaphore, #tpu.memory_space<semaphore_mem>>)
      %dma_start3A_51 = tpu.memref_slice %arg4[%add3A_48] : memref<322560xi32, #tpu.memory_space<hbm>> -> memref<120xi32, #tpu.memory_space<hbm>>
      %dma_start3A_52 = tpu.memref_slice %arg4[%add3A_48] : memref<322560xi32, #tpu.memory_space<hbm>> -> memref<120xi32, #tpu.memory_space<hbm>>
      tpu.enqueue_dma source(%dma_start3A_52 : memref<120xi32, #tpu.memory_space<hbm>>) target(%arg18 : memref<120xi32, #tpu.memory_space<vmem>>) target_semaphore(%arg27 : memref<!tpu.dma_semaphore, #tpu.memory_space<semaphore_mem>>)
      %add3A_53 = arith.constant 600 : i32
      %add3A_54 = arith.addi %add3A_23, %add3A_53 : i32
      %dma_start3A_55 = tpu.memref_slice %arg3[%add3A_54] : memref<322560xi32, #tpu.memory_space<hbm>> -> memref<120xi32, #tpu.memory_space<hbm>>
      %dma_start3A_56 = tpu.memref_slice %arg3[%add3A_54] : memref<322560xi32, #tpu.memory_space<hbm>> -> memref<120xi32, #tpu.memory_space<hbm>>
      tpu.enqueue_dma source(%dma_start3A_56 : memref<120xi32, #tpu.memory_space<hbm>>) target(%arg13 : memref<120xi32, #tpu.memory_space<vmem>>) target_semaphore(%arg28 : memref<!tpu.dma_semaphore, #tpu.memory_space<semaphore_mem>>)
      %dma_start3A_57 = tpu.memref_slice %arg4[%add3A_54] : memref<322560xi32, #tpu.memory_space<hbm>> -> memref<120xi32, #tpu.memory_space<hbm>>
      %dma_start3A_58 = tpu.memref_slice %arg4[%add3A_54] : memref<322560xi32, #tpu.memory_space<hbm>> -> memref<120xi32, #tpu.memory_space<hbm>>
      tpu.enqueue_dma source(%dma_start3A_58 : memref<120xi32, #tpu.memory_space<hbm>>) target(%arg19 : memref<120xi32, #tpu.memory_space<vmem>>) target_semaphore(%arg28 : memref<!tpu.dma_semaphore, #tpu.memory_space<semaphore_mem>>)
      %dma_wait3A = tpu.memref_slice %arg3[%add3A_25] : memref<322560xi32, #tpu.memory_space<hbm>> -> memref<120xi32, #tpu.memory_space<hbm>>
      %dma_wait3A_59 = tpu.memref_slice %arg3[%add3A_25] : memref<322560xi32, #tpu.memory_space<hbm>> -> memref<120xi32, #tpu.memory_space<hbm>>
      tpu.wait_dma2 semaphore(%arg23 : memref<!tpu.dma_semaphore, #tpu.memory_space<semaphore_mem>>) src(%dma_wait3A_59 : memref<120xi32, #tpu.memory_space<hbm>>) dst(%arg8 : memref<120xi32, #tpu.memory_space<vmem>>)
      %dma_wait3A_60 = tpu.memref_slice %arg4[%add3A_25] : memref<322560xi32, #tpu.memory_space<hbm>> -> memref<120xi32, #tpu.memory_space<hbm>>
      %dma_wait3A_61 = tpu.memref_slice %arg4[%add3A_25] : memref<322560xi32, #tpu.memory_space<hbm>> -> memref<120xi32, #tpu.memory_space<hbm>>
      tpu.wait_dma2 semaphore(%arg23 : memref<!tpu.dma_semaphore, #tpu.memory_space<semaphore_mem>>) src(%dma_wait3A_61 : memref<120xi32, #tpu.memory_space<hbm>>) dst(%arg14 : memref<120xi32, #tpu.memory_space<vmem>>)
      %dma_start3A_62 = arith.constant 0 : i32
      %dma_start3A_63 = arith.constant 0 : i32
      %dma_start3A_64 = tpu.memref_slice %arg2[%dma_start3A_62, %dma_start3A_63] : memref<10000x128xf32, #tpu.memory_space<hbm>> -> memref<10000x128xf32, #tpu.memory_space<hbm>>
      tpu.enqueue_indirect_dma source(%dma_start3A_64 : memref<10000x128xf32, #tpu.memory_space<hbm>>) target(%arg20 : memref<120x128xf32, #tpu.memory_space<vmem>>) offsets(%arg8 : memref<120xi32, #tpu.memory_space<vmem>>) semaphore(%arg29 : memref<!tpu.dma_semaphore, #tpu.memory_space<semaphore_mem>>)
      %dma_wait3A_65 = tpu.memref_slice %arg3[%add3A_30] : memref<322560xi32, #tpu.memory_space<hbm>> -> memref<120xi32, #tpu.memory_space<hbm>>
      %dma_wait3A_66 = tpu.memref_slice %arg3[%add3A_30] : memref<322560xi32, #tpu.memory_space<hbm>> -> memref<120xi32, #tpu.memory_space<hbm>>
      tpu.wait_dma2 semaphore(%arg24 : memref<!tpu.dma_semaphore, #tpu.memory_space<semaphore_mem>>) src(%dma_wait3A_66 : memref<120xi32, #tpu.memory_space<hbm>>) dst(%arg9 : memref<120xi32, #tpu.memory_space<vmem>>)
      %dma_wait3A_67 = tpu.memref_slice %arg4[%add3A_30] : memref<322560xi32, #tpu.memory_space<hbm>> -> memref<120xi32, #tpu.memory_space<hbm>>
      %dma_wait3A_68 = tpu.memref_slice %arg4[%add3A_30] : memref<322560xi32, #tpu.memory_space<hbm>> -> memref<120xi32, #tpu.memory_space<hbm>>
      tpu.wait_dma2 semaphore(%arg24 : memref<!tpu.dma_semaphore, #tpu.memory_space<semaphore_mem>>) src(%dma_wait3A_68 : memref<120xi32, #tpu.memory_space<hbm>>) dst(%arg15 : memref<120xi32, #tpu.memory_space<vmem>>)
      %dma_start3A_69 = arith.constant 0 : i32
      %dma_start3A_70 = arith.constant 0 : i32
      %dma_start3A_71 = tpu.memref_slice %arg2[%dma_start3A_69, %dma_start3A_70] : memref<10000x128xf32, #tpu.memory_space<hbm>> -> memref<10000x128xf32, #tpu.memory_space<hbm>>
      tpu.enqueue_indirect_dma source(%dma_start3A_71 : memref<10000x128xf32, #tpu.memory_space<hbm>>) target(%arg21 : memref<120x128xf32, #tpu.memory_space<vmem>>) offsets(%arg9 : memref<120xi32, #tpu.memory_space<vmem>>) semaphore(%arg30 : memref<!tpu.dma_semaphore, #tpu.memory_space<semaphore_mem>>)
      %dma_wait3A_72 = tpu.memref_slice %arg3[%add3A_36] : memref<322560xi32, #tpu.memory_space<hbm>> -> memref<120xi32, #tpu.memory_space<hbm>>
      %dma_wait3A_73 = tpu.memref_slice %arg3[%add3A_36] : memref<322560xi32, #tpu.memory_space<hbm>> -> memref<120xi32, #tpu.memory_space<hbm>>
      tpu.wait_dma2 semaphore(%arg25 : memref<!tpu.dma_semaphore, #tpu.memory_space<semaphore_mem>>) src(%dma_wait3A_73 : memref<120xi32, #tpu.memory_space<hbm>>) dst(%arg10 : memref<120xi32, #tpu.memory_space<vmem>>)
      %dma_wait3A_74 = tpu.memref_slice %arg4[%add3A_36] : memref<322560xi32, #tpu.memory_space<hbm>> -> memref<120xi32, #tpu.memory_space<hbm>>
      %dma_wait3A_75 = tpu.memref_slice %arg4[%add3A_36] : memref<322560xi32, #tpu.memory_space<hbm>> -> memref<120xi32, #tpu.memory_space<hbm>>
      tpu.wait_dma2 semaphore(%arg25 : memref<!tpu.dma_semaphore, #tpu.memory_space<semaphore_mem>>) src(%dma_wait3A_75 : memref<120xi32, #tpu.memory_space<hbm>>) dst(%arg16 : memref<120xi32, #tpu.memory_space<vmem>>)
      %dma_start3A_76 = arith.constant 0 : i32
      %dma_start3A_77 = arith.constant 0 : i32
      %dma_start3A_78 = tpu.memref_slice %arg2[%dma_start3A_76, %dma_start3A_77] : memref<10000x128xf32, #tpu.memory_space<hbm>> -> memref<10000x128xf32, #tpu.memory_space<hbm>>
      tpu.enqueue_indirect_dma source(%dma_start3A_78 : memref<10000x128xf32, #tpu.memory_space<hbm>>) target(%arg22 : memref<120x128xf32, #tpu.memory_space<vmem>>) offsets(%arg10 : memref<120xi32, #tpu.memory_space<vmem>>) semaphore(%arg31 : memref<!tpu.dma_semaphore, #tpu.memory_space<semaphore_mem>>)
      %dma_wait3A_79 = arith.constant 0 : i32
      %dma_wait3A_80 = arith.constant 0 : i32
      %dma_wait3A_81 = tpu.memref_slice %arg2[%dma_wait3A_79, %dma_wait3A_80] : memref<10000x128xf32, #tpu.memory_space<hbm>> -> memref<10000x128xf32, #tpu.memory_space<hbm>>
      tpu.wait_indirect_dma semaphore(%arg29 : memref<!tpu.dma_semaphore, #tpu.memory_space<semaphore_mem>>) src(%dma_wait3A_81 : memref<10000x128xf32, #tpu.memory_space<hbm>>) dst(%arg20 : memref<120x128xf32, #tpu.memory_space<vmem>>)
      %dma_start3A_82 = arith.constant 0 : i32
      %dma_start3A_83 = arith.constant 0 : i32
      %dma_start3A_84 = tpu.memref_slice %arg7[%dma_start3A_82, %dma_start3A_83] : memref<10112x128xf32, #tpu.memory_space<vmem_shared>> -> memref<10112x128xf32, #tpu.memory_space<vmem_shared>>
      tpu.enqueue_indirect_dma source(%arg20 : memref<120x128xf32, #tpu.memory_space<vmem>>) target(%dma_start3A_84 : memref<10112x128xf32, #tpu.memory_space<vmem_shared>>) offsets(%arg14 : memref<120xi32, #tpu.memory_space<vmem>>) semaphore(%arg29 : memref<!tpu.dma_semaphore, #tpu.memory_space<semaphore_mem>>) {add = true}
      %dma_wait3A_85 = arith.constant 0 : i32
      %dma_wait3A_86 = arith.constant 0 : i32
      %dma_wait3A_87 = tpu.memref_slice %arg2[%dma_wait3A_85, %dma_wait3A_86] : memref<10000x128xf32, #tpu.memory_space<hbm>> -> memref<10000x128xf32, #tpu.memory_space<hbm>>
      tpu.wait_indirect_dma semaphore(%arg30 : memref<!tpu.dma_semaphore, #tpu.memory_space<semaphore_mem>>) src(%dma_wait3A_87 : memref<10000x128xf32, #tpu.memory_space<hbm>>) dst(%arg21 : memref<120x128xf32, #tpu.memory_space<vmem>>)
      %dma_start3A_88 = arith.constant 0 : i32
      %dma_start3A_89 = arith.constant 0 : i32
      %dma_start3A_90 = tpu.memref_slice %arg7[%dma_start3A_88, %dma_start3A_89] : memref<10112x128xf32, #tpu.memory_space<vmem_shared>> -> memref<10112x128xf32, #tpu.memory_space<vmem_shared>>
      tpu.enqueue_indirect_dma source(%arg21 : memref<120x128xf32, #tpu.memory_space<vmem>>) target(%dma_start3A_90 : memref<10112x128xf32, #tpu.memory_space<vmem_shared>>) offsets(%arg15 : memref<120xi32, #tpu.memory_space<vmem>>) semaphore(%arg30 : memref<!tpu.dma_semaphore, #tpu.memory_space<semaphore_mem>>) {add = true}
      %dma_wait3A_91 = arith.constant 0 : i32
      %dma_wait3A_92 = arith.constant 0 : i32
      %dma_wait3A_93 = tpu.memref_slice %arg2[%dma_wait3A_91, %dma_wait3A_92] : memref<10000x128xf32, #tpu.memory_space<hbm>> -> memref<10000x128xf32, #tpu.memory_space<hbm>>
      tpu.wait_indirect_dma semaphore(%arg31 : memref<!tpu.dma_semaphore, #tpu.memory_space<semaphore_mem>>) src(%dma_wait3A_93 : memref<10000x128xf32, #tpu.memory_space<hbm>>) dst(%arg22 : memref<120x128xf32, #tpu.memory_space<vmem>>)
      %dma_start3A_94 = arith.constant 0 : i32
      %dma_start3A_95 = arith.constant 0 : i32
      %dma_start3A_96 = tpu.memref_slice %arg7[%dma_start3A_94, %dma_start3A_95] : memref<10112x128xf32, #tpu.memory_space<vmem_shared>> -> memref<10112x128xf32, #tpu.memory_space<vmem_shared>>
      tpu.enqueue_indirect_dma source(%arg22 : memref<120x128xf32, #tpu.memory_space<vmem>>) target(%dma_start3A_96 : memref<10112x128xf32, #tpu.memory_space<vmem_shared>>) offsets(%arg16 : memref<120xi32, #tpu.memory_space<vmem>>) semaphore(%arg31 : memref<!tpu.dma_semaphore, #tpu.memory_space<semaphore_mem>>) {add = true}
      %dma_wait3A_97 = arith.constant 0 : i32
      %dma_wait3A_98 = arith.constant 0 : i32
      %dma_wait3A_99 = tpu.memref_slice %arg7[%dma_wait3A_97, %dma_wait3A_98] : memref<10112x128xf32, #tpu.memory_space<vmem_shared>> -> memref<10112x128xf32, #tpu.memory_space<vmem_shared>>
      tpu.wait_indirect_dma semaphore(%arg29 : memref<!tpu.dma_semaphore, #tpu.memory_space<semaphore_mem>>) src(%arg20 : memref<120x128xf32, #tpu.memory_space<vmem>>) dst(%dma_wait3A_99 : memref<10112x128xf32, #tpu.memory_space<vmem_shared>>)
      %dma_wait3A_100 = tpu.memref_slice %arg3[%add3A_42] : memref<322560xi32, #tpu.memory_space<hbm>> -> memref<120xi32, #tpu.memory_space<hbm>>
      %dma_wait3A_101 = tpu.memref_slice %arg3[%add3A_42] : memref<322560xi32, #tpu.memory_space<hbm>> -> memref<120xi32, #tpu.memory_space<hbm>>
      tpu.wait_dma2 semaphore(%arg26 : memref<!tpu.dma_semaphore, #tpu.memory_space<semaphore_mem>>) src(%dma_wait3A_101 : memref<120xi32, #tpu.memory_space<hbm>>) dst(%arg11 : memref<120xi32, #tpu.memory_space<vmem>>)
      %dma_wait3A_102 = tpu.memref_slice %arg4[%add3A_42] : memref<322560xi32, #tpu.memory_space<hbm>> -> memref<120xi32, #tpu.memory_space<hbm>>
      %dma_wait3A_103 = tpu.memref_slice %arg4[%add3A_42] : memref<322560xi32, #tpu.memory_space<hbm>> -> memref<120xi32, #tpu.memory_space<hbm>>
      tpu.wait_dma2 semaphore(%arg26 : memref<!tpu.dma_semaphore, #tpu.memory_space<semaphore_mem>>) src(%dma_wait3A_103 : memref<120xi32, #tpu.memory_space<hbm>>) dst(%arg17 : memref<120xi32, #tpu.memory_space<vmem>>)
      %dma_start3A_104 = arith.constant 0 : i32
      %dma_start3A_105 = arith.constant 0 : i32
      %dma_start3A_106 = tpu.memref_slice %arg2[%dma_start3A_104, %dma_start3A_105] : memref<10000x128xf32, #tpu.memory_space<hbm>> -> memref<10000x128xf32, #tpu.memory_space<hbm>>
      tpu.enqueue_indirect_dma source(%dma_start3A_106 : memref<10000x128xf32, #tpu.memory_space<hbm>>) target(%arg20 : memref<120x128xf32, #tpu.memory_space<vmem>>) offsets(%arg11 : memref<120xi32, #tpu.memory_space<vmem>>) semaphore(%arg29 : memref<!tpu.dma_semaphore, #tpu.memory_space<semaphore_mem>>)
      %dma_wait3A_107 = arith.constant 0 : i32
      %dma_wait3A_108 = arith.constant 0 : i32
      %dma_wait3A_109 = tpu.memref_slice %arg7[%dma_wait3A_107, %dma_wait3A_108] : memref<10112x128xf32, #tpu.memory_space<vmem_shared>> -> memref<10112x128xf32, #tpu.memory_space<vmem_shared>>
      tpu.wait_indirect_dma semaphore(%arg30 : memref<!tpu.dma_semaphore, #tpu.memory_space<semaphore_mem>>) src(%arg21 : memref<120x128xf32, #tpu.memory_space<vmem>>) dst(%dma_wait3A_109 : memref<10112x128xf32, #tpu.memory_space<vmem_shared>>)
      %dma_wait3A_110 = tpu.memref_slice %arg3[%add3A_48] : memref<322560xi32, #tpu.memory_space<hbm>> -> memref<120xi32, #tpu.memory_space<hbm>>
      %dma_wait3A_111 = tpu.memref_slice %arg3[%add3A_48] : memref<322560xi32, #tpu.memory_space<hbm>> -> memref<120xi32, #tpu.memory_space<hbm>>
      tpu.wait_dma2 semaphore(%arg27 : memref<!tpu.dma_semaphore, #tpu.memory_space<semaphore_mem>>) src(%dma_wait3A_111 : memref<120xi32, #tpu.memory_space<hbm>>) dst(%arg12 : memref<120xi32, #tpu.memory_space<vmem>>)
      %dma_wait3A_112 = tpu.memref_slice %arg4[%add3A_48] : memref<322560xi32, #tpu.memory_space<hbm>> -> memref<120xi32, #tpu.memory_space<hbm>>
      %dma_wait3A_113 = tpu.memref_slice %arg4[%add3A_48] : memref<322560xi32, #tpu.memory_space<hbm>> -> memref<120xi32, #tpu.memory_space<hbm>>
      tpu.wait_dma2 semaphore(%arg27 : memref<!tpu.dma_semaphore, #tpu.memory_space<semaphore_mem>>) src(%dma_wait3A_113 : memref<120xi32, #tpu.memory_space<hbm>>) dst(%arg18 : memref<120xi32, #tpu.memory_space<vmem>>)
      %dma_start3A_114 = arith.constant 0 : i32
      %dma_start3A_115 = arith.constant 0 : i32
      %dma_start3A_116 = tpu.memref_slice %arg2[%dma_start3A_114, %dma_start3A_115] : memref<10000x128xf32, #tpu.memory_space<hbm>> -> memref<10000x128xf32, #tpu.memory_space<hbm>>
      tpu.enqueue_indirect_dma source(%dma_start3A_116 : memref<10000x128xf32, #tpu.memory_space<hbm>>) target(%arg21 : memref<120x128xf32, #tpu.memory_space<vmem>>) offsets(%arg12 : memref<120xi32, #tpu.memory_space<vmem>>) semaphore(%arg30 : memref<!tpu.dma_semaphore, #tpu.memory_space<semaphore_mem>>)
      %dma_wait3A_117 = arith.constant 0 : i32
      %dma_wait3A_118 = arith.constant 0 : i32
      %dma_wait3A_119 = tpu.memref_slice %arg7[%dma_wait3A_117, %dma_wait3A_118] : memref<10112x128xf32, #tpu.memory_space<vmem_shared>> -> memref<10112x128xf32, #tpu.memory_space<vmem_shared>>
      tpu.wait_indirect_dma semaphore(%arg31 : memref<!tpu.dma_semaphore, #tpu.memory_space<semaphore_mem>>) src(%arg22 : memref<120x128xf32, #tpu.memory_space<vmem>>) dst(%dma_wait3A_119 : memref<10112x128xf32, #tpu.memory_space<vmem_shared>>)
      %dma_wait3A_120 = tpu.memref_slice %arg3[%add3A_54] : memref<322560xi32, #tpu.memory_space<hbm>> -> memref<120xi32, #tpu.memory_space<hbm>>
      %dma_wait3A_121 = tpu.memref_slice %arg3[%add3A_54] : memref<322560xi32, #tpu.memory_space<hbm>> -> memref<120xi32, #tpu.memory_space<hbm>>
      tpu.wait_dma2 semaphore(%arg28 : memref<!tpu.dma_semaphore, #tpu.memory_space<semaphore_mem>>) src(%dma_wait3A_121 : memref<120xi32, #tpu.memory_space<hbm>>) dst(%arg13 : memref<120xi32, #tpu.memory_space<vmem>>)
      %dma_wait3A_122 = tpu.memref_slice %arg4[%add3A_54] : memref<322560xi32, #tpu.memory_space<hbm>> -> memref<120xi32, #tpu.memory_space<hbm>>
      %dma_wait3A_123 = tpu.memref_slice %arg4[%add3A_54] : memref<322560xi32, #tpu.memory_space<hbm>> -> memref<120xi32, #tpu.memory_space<hbm>>
      tpu.wait_dma2 semaphore(%arg28 : memref<!tpu.dma_semaphore, #tpu.memory_space<semaphore_mem>>) src(%dma_wait3A_123 : memref<120xi32, #tpu.memory_space<hbm>>) dst(%arg19 : memref<120xi32, #tpu.memory_space<vmem>>)
      %dma_start3A_124 = arith.constant 0 : i32
      %dma_start3A_125 = arith.constant 0 : i32
      %dma_start3A_126 = tpu.memref_slice %arg2[%dma_start3A_124, %dma_start3A_125] : memref<10000x128xf32, #tpu.memory_space<hbm>> -> memref<10000x128xf32, #tpu.memory_space<hbm>>
      tpu.enqueue_indirect_dma source(%dma_start3A_126 : memref<10000x128xf32, #tpu.memory_space<hbm>>) target(%arg22 : memref<120x128xf32, #tpu.memory_space<vmem>>) offsets(%arg13 : memref<120xi32, #tpu.memory_space<vmem>>) semaphore(%arg31 : memref<!tpu.dma_semaphore, #tpu.memory_space<semaphore_mem>>)
      %dma_wait3A_127 = arith.constant 0 : i32
      %dma_wait3A_128 = arith.constant 0 : i32
      %dma_wait3A_129 = tpu.memref_slice %arg2[%dma_wait3A_127, %dma_wait3A_128] : memref<10000x128xf32, #tpu.memory_space<hbm>> -> memref<10000x128xf32, #tpu.memory_space<hbm>>
      tpu.wait_indirect_dma semaphore(%arg29 : memref<!tpu.dma_semaphore, #tpu.memory_space<semaphore_mem>>) src(%dma_wait3A_129 : memref<10000x128xf32, #tpu.memory_space<hbm>>) dst(%arg20 : memref<120x128xf32, #tpu.memory_space<vmem>>)
      %dma_start3A_130 = arith.constant 0 : i32
      %dma_start3A_131 = arith.constant 0 : i32
      %dma_start3A_132 = tpu.memref_slice %arg7[%dma_start3A_130, %dma_start3A_131] : memref<10112x128xf32, #tpu.memory_space<vmem_shared>> -> memref<10112x128xf32, #tpu.memory_space<vmem_shared>>
      tpu.enqueue_indirect_dma source(%arg20 : memref<120x128xf32, #tpu.memory_space<vmem>>) target(%dma_start3A_132 : memref<10112x128xf32, #tpu.memory_space<vmem_shared>>) offsets(%arg17 : memref<120xi32, #tpu.memory_space<vmem>>) semaphore(%arg29 : memref<!tpu.dma_semaphore, #tpu.memory_space<semaphore_mem>>) {add = true}
      %dma_wait3A_133 = arith.constant 0 : i32
      %dma_wait3A_134 = arith.constant 0 : i32
      %dma_wait3A_135 = tpu.memref_slice %arg2[%dma_wait3A_133, %dma_wait3A_134] : memref<10000x128xf32, #tpu.memory_space<hbm>> -> memref<10000x128xf32, #tpu.memory_space<hbm>>
      tpu.wait_indirect_dma semaphore(%arg30 : memref<!tpu.dma_semaphore, #tpu.memory_space<semaphore_mem>>) src(%dma_wait3A_135 : memref<10000x128xf32, #tpu.memory_space<hbm>>) dst(%arg21 : memref<120x128xf32, #tpu.memory_space<vmem>>)
      %dma_start3A_136 = arith.constant 0 : i32
      %dma_start3A_137 = arith.constant 0 : i32
      %dma_start3A_138 = tpu.memref_slice %arg7[%dma_start3A_136, %dma_start3A_137] : memref<10112x128xf32, #tpu.memory_space<vmem_shared>> -> memref<10112x128xf32, #tpu.memory_space<vmem_shared>>
      tpu.enqueue_indirect_dma source(%arg21 : memref<120x128xf32, #tpu.memory_space<vmem>>) target(%dma_start3A_138 : memref<10112x128xf32, #tpu.memory_space<vmem_shared>>) offsets(%arg18 : memref<120xi32, #tpu.memory_space<vmem>>) semaphore(%arg30 : memref<!tpu.dma_semaphore, #tpu.memory_space<semaphore_mem>>) {add = true}
      %dma_wait3A_139 = arith.constant 0 : i32
      %dma_wait3A_140 = arith.constant 0 : i32
      %dma_wait3A_141 = tpu.memref_slice %arg2[%dma_wait3A_139, %dma_wait3A_140] : memref<10000x128xf32, #tpu.memory_space<hbm>> -> memref<10000x128xf32, #tpu.memory_space<hbm>>
      tpu.wait_indirect_dma semaphore(%arg31 : memref<!tpu.dma_semaphore, #tpu.memory_space<semaphore_mem>>) src(%dma_wait3A_141 : memref<10000x128xf32, #tpu.memory_space<hbm>>) dst(%arg22 : memref<120x128xf32, #tpu.memory_space<vmem>>)
      %dma_start3A_142 = arith.constant 0 : i32
      %dma_start3A_143 = arith.constant 0 : i32
      %dma_start3A_144 = tpu.memref_slice %arg7[%dma_start3A_142, %dma_start3A_143] : memref<10112x128xf32, #tpu.memory_space<vmem_shared>> -> memref<10112x128xf32, #tpu.memory_space<vmem_shared>>
      tpu.enqueue_indirect_dma source(%arg22 : memref<120x128xf32, #tpu.memory_space<vmem>>) target(%dma_start3A_144 : memref<10112x128xf32, #tpu.memory_space<vmem_shared>>) offsets(%arg19 : memref<120xi32, #tpu.memory_space<vmem>>) semaphore(%arg31 : memref<!tpu.dma_semaphore, #tpu.memory_space<semaphore_mem>>) {add = true}
      %dma_wait3A_145 = arith.constant 0 : i32
      %dma_wait3A_146 = arith.constant 0 : i32
      %dma_wait3A_147 = tpu.memref_slice %arg7[%dma_wait3A_145, %dma_wait3A_146] : memref<10112x128xf32, #tpu.memory_space<vmem_shared>> -> memref<10112x128xf32, #tpu.memory_space<vmem_shared>>
      tpu.wait_indirect_dma semaphore(%arg29 : memref<!tpu.dma_semaphore, #tpu.memory_space<semaphore_mem>>) src(%arg20 : memref<120x128xf32, #tpu.memory_space<vmem>>) dst(%dma_wait3A_147 : memref<10112x128xf32, #tpu.memory_space<vmem_shared>>)
      %dma_wait3A_148 = arith.constant 0 : i32
      %dma_wait3A_149 = arith.constant 0 : i32
      %dma_wait3A_150 = tpu.memref_slice %arg7[%dma_wait3A_148, %dma_wait3A_149] : memref<10112x128xf32, #tpu.memory_space<vmem_shared>> -> memref<10112x128xf32, #tpu.memory_space<vmem_shared>>
      tpu.wait_indirect_dma semaphore(%arg30 : memref<!tpu.dma_semaphore, #tpu.memory_space<semaphore_mem>>) src(%arg21 : memref<120x128xf32, #tpu.memory_space<vmem>>) dst(%dma_wait3A_150 : memref<10112x128xf32, #tpu.memory_space<vmem_shared>>)
      %dma_wait3A_151 = arith.constant 0 : i32
      %dma_wait3A_152 = arith.constant 0 : i32
      %dma_wait3A_153 = tpu.memref_slice %arg7[%dma_wait3A_151, %dma_wait3A_152] : memref<10112x128xf32, #tpu.memory_space<vmem_shared>> -> memref<10112x128xf32, #tpu.memory_space<vmem_shared>>
      tpu.wait_indirect_dma semaphore(%arg31 : memref<!tpu.dma_semaphore, #tpu.memory_space<semaphore_mem>>) src(%arg22 : memref<120x128xf32, #tpu.memory_space<vmem>>) dst(%dma_wait3A_153 : memref<10112x128xf32, #tpu.memory_space<vmem_shared>>)
    }
    %scan3A_8 = arith.constant 14 : i32
    %barrier3A_9 = arith.constant 0 : index
    tpu.barrier barrier_id(%barrier3A_9)
    %lt3A = arith.constant 15 : i32
    %lt3A_10 = arith.cmpi slt, %arg1, %lt3A : i32
    %convert_element_type3A = arith.extui %lt3A_10 : i1 to i32
    %cond3A = arith.constant 0 : i32
    %cond3A_11 = arith.cmpi ne, %convert_element_type3A, %cond3A : i32
    scf.if %cond3A_11 {
      "tpu.region"() ({
        %run_scoped3A = tpu.sem_alloc : memref<!tpu.dma_semaphore, #tpu.memory_space<semaphore_mem>>
        %dma_start3A = arith.constant 0 : i32
        %dma_start3A_16 = tpu.memref_slice %arg6[%arg0, %mul3A_2, %dma_start3A] : memref<2x10000x128xf32, #tpu.memory_space<hbm>> -> memref<1x632x128xf32, #tpu.memory_space<hbm>>
        %dma_start3A_17 = tpu.memref_squeeze %dma_start3A_16 : memref<1x632x128xf32, #tpu.memory_space<hbm>> -> memref<632x128xf32, #tpu.memory_space<hbm>>
        %dma_start3A_18 = arith.constant 0 : i32
        %dma_start3A_19 = tpu.memref_slice %arg7[%mul3A_2, %dma_start3A_18] : memref<10112x128xf32, #tpu.memory_space<vmem_shared>> -> memref<632x128xf32, #tpu.memory_space<vmem_shared>>
        tpu.enqueue_dma source(%dma_start3A_19 : memref<632x128xf32, #tpu.memory_space<vmem_shared>>) target(%dma_start3A_17 : memref<632x128xf32, #tpu.memory_space<hbm>>) target_semaphore(%run_scoped3A : memref<!tpu.dma_semaphore, #tpu.memory_space<semaphore_mem>>)
        %dma_wait3A = arith.constant 0 : i32
        %dma_wait3A_20 = tpu.memref_slice %arg6[%arg0, %mul3A_2, %dma_wait3A] : memref<2x10000x128xf32, #tpu.memory_space<hbm>> -> memref<1x632x128xf32, #tpu.memory_space<hbm>>
        %dma_wait3A_21 = tpu.memref_squeeze %dma_wait3A_20 : memref<1x632x128xf32, #tpu.memory_space<hbm>> -> memref<632x128xf32, #tpu.memory_space<hbm>>
        %dma_wait3A_22 = arith.constant 0 : i32
        %dma_wait3A_23 = tpu.memref_slice %arg7[%mul3A_2, %dma_wait3A_22] : memref<10112x128xf32, #tpu.memory_space<vmem_shared>> -> memref<632x128xf32, #tpu.memory_space<vmem_shared>>
        tpu.wait_dma2 semaphore(%run_scoped3A : memref<!tpu.dma_semaphore, #tpu.memory_space<semaphore_mem>>) src(%dma_wait3A_23 : memref<632x128xf32, #tpu.memory_space<vmem_shared>>) dst(%dma_wait3A_21 : memref<632x128xf32, #tpu.memory_space<hbm>>)
        tpu.yield
      }) : () -> ()
    } else {
    }
    %eq3A = arith.constant 15 : i32
    %eq3A_12 = arith.cmpi eq, %arg1, %eq3A : i32
    %convert_element_type3A_13 = arith.extui %eq3A_12 : i1 to i32
    %cond3A_14 = arith.constant 0 : i32
    %cond3A_15 = arith.cmpi ne, %convert_element_type3A_13, %cond3A_14 : i32
    scf.if %cond3A_15 {
      "tpu.region"() ({
        %run_scoped3A = tpu.sem_alloc : memref<!tpu.dma_semaphore, #tpu.memory_space<semaphore_mem>>
        %dma_start3A = arith.constant 0 : i32
        %dma_start3A_16 = tpu.memref_slice %arg6[%arg0, %mul3A_2, %dma_start3A] : memref<2x10000x128xf32, #tpu.memory_space<hbm>> -> memref<1x520x128xf32, #tpu.memory_space<hbm>>
        %dma_start3A_17 = tpu.memref_squeeze %dma_start3A_16 : memref<1x520x128xf32, #tpu.memory_space<hbm>> -> memref<520x128xf32, #tpu.memory_space<hbm>>
        %dma_start3A_18 = arith.constant 0 : i32
        %dma_start3A_19 = tpu.memref_slice %arg7[%mul3A_2, %dma_start3A_18] : memref<10112x128xf32, #tpu.memory_space<vmem_shared>> -> memref<520x128xf32, #tpu.memory_space<vmem_shared>>
        tpu.enqueue_dma source(%dma_start3A_19 : memref<520x128xf32, #tpu.memory_space<vmem_shared>>) target(%dma_start3A_17 : memref<520x128xf32, #tpu.memory_space<hbm>>) target_semaphore(%run_scoped3A : memref<!tpu.dma_semaphore, #tpu.memory_space<semaphore_mem>>)
        %dma_wait3A = arith.constant 0 : i32
        %dma_wait3A_20 = tpu.memref_slice %arg6[%arg0, %mul3A_2, %dma_wait3A] : memref<2x10000x128xf32, #tpu.memory_space<hbm>> -> memref<1x520x128xf32, #tpu.memory_space<hbm>>
        %dma_wait3A_21 = tpu.memref_squeeze %dma_wait3A_20 : memref<1x520x128xf32, #tpu.memory_space<hbm>> -> memref<520x128xf32, #tpu.memory_space<hbm>>
        %dma_wait3A_22 = arith.constant 0 : i32
        %dma_wait3A_23 = tpu.memref_slice %arg7[%mul3A_2, %dma_wait3A_22] : memref<10112x128xf32, #tpu.memory_space<vmem_shared>> -> memref<520x128xf32, #tpu.memory_space<vmem_shared>>
        tpu.wait_dma2 semaphore(%run_scoped3A : memref<!tpu.dma_semaphore, #tpu.memory_space<semaphore_mem>>) src(%dma_wait3A_23 : memref<520x128xf32, #tpu.memory_space<vmem_shared>>) dst(%dma_wait3A_21 : memref<520x128xf32, #tpu.memory_space<hbm>>)
        tpu.yield
      }) : () -> ()
    } else {
    }
    return
  }
}

module attributes {stable_mosaic.version = 14 : i64} {
  func.func @body(%arg0: i32, %arg1: memref<1x128xf32, #tpu.memory_space<vmem>>, %arg2: memref<1000x128xf32, #tpu.memory_space<vmem>>, %arg3: memref<2x1000x128xf32, #tpu.memory_space<vmem>>, %arg4: memref<128x128xf32, #tpu.memory_space<vmem>>, %arg5: memref<1x128xf32, #tpu.memory_space<vmem>>, %arg6: memref<128x128xf32, #tpu.memory_space<vmem>>, %arg7: memref<1x128xf32, #tpu.memory_space<vmem>>, %arg8: memref<1000x128xf32, #tpu.memory_space<vmem>>) attributes {dimension_semantics = [#tpu.dimension_semantics<arbitrary>], iteration_bounds = array<i64: 10>, scalar_prefetch = 0 : i64, scratch_operands = 0 : i64, tpu.core_type = #tpu.core_type<tc>, window_params = [{pipeline_mode = #tpu.pipeline_mode<synchronous>, transform_indices = @transform_0, window_bounds = array<i64: 1, 128>}, {transform_indices = @transform_1, window_bounds = array<i64: 1000, 128>}, {transform_indices = @transform_2, window_bounds = array<i64: 2, 1000, 128>}, {pipeline_mode = #tpu.pipeline_mode<synchronous>, transform_indices = @transform_3, window_bounds = array<i64: 128, 128>}, {pipeline_mode = #tpu.pipeline_mode<synchronous>, transform_indices = @transform_4, window_bounds = array<i64: 1, 128>}, {pipeline_mode = #tpu.pipeline_mode<synchronous>, transform_indices = @transform_5, window_bounds = array<i64: 128, 128>}, {pipeline_mode = #tpu.pipeline_mode<synchronous>, transform_indices = @transform_6, window_bounds = array<i64: 1, 128>}, {transform_indices = @transform_7, window_bounds = array<i64: 1000, 128>}]} {
    %get3A = arith.constant 0 : index
    %get3A_0 = arith.constant 0 : index
    %get3A_1 = vector.load %arg1[%get3A, %get3A_0] : memref<1x128xf32, #tpu.memory_space<vmem>>, vector<1x128xf32>
    %get3A_2 = arith.constant 0 : index
    %get3A_3 = arith.constant 0 : index
    %get3A_4 = vector.load %arg2[%get3A_2, %get3A_3] : memref<1000x128xf32, #tpu.memory_space<vmem>>, vector<1000x128xf32>
    %mul3A = vector.broadcast %get3A_1 : vector<1x128xf32> to vector<1000x128xf32>
    %mul3A_5 = arith.mulf %mul3A, %get3A_4 : vector<1000x128xf32>
    %get3A_6 = arith.constant 0 : index
    %get3A_7 = arith.constant 0 : index
    %get3A_8 = arith.constant 0 : index
    %get3A_9 = vector.load %arg3[%get3A_6, %get3A_7, %get3A_8] : memref<2x1000x128xf32, #tpu.memory_space<vmem>>, vector<1x1000x128xf32>
    %get3A_10 = vector.shape_cast %get3A_9 : vector<1x1000x128xf32> to vector<1000x128xf32>
    %add3A = arith.addf %mul3A_5, %get3A_10 : vector<1000x128xf32>
    %get3A_11 = arith.constant 1 : index
    %get3A_12 = arith.constant 0 : index
    %get3A_13 = arith.constant 0 : index
    %get3A_14 = vector.load %arg3[%get3A_11, %get3A_12, %get3A_13] : memref<2x1000x128xf32, #tpu.memory_space<vmem>>, vector<1x1000x128xf32>
    %get3A_15 = vector.shape_cast %get3A_14 : vector<1x1000x128xf32> to vector<1000x128xf32>
    %add3A_16 = arith.addf %add3A, %get3A_15 : vector<1000x128xf32>
    %get3A_17 = arith.constant 0 : index
    %get3A_18 = arith.constant 0 : index
    %get3A_19 = vector.load %arg4[%get3A_17, %get3A_18] : memref<128x128xf32, #tpu.memory_space<vmem>>, vector<128x128xf32>
    %dot_general3A = arith.constant dense<0.000000e+00> : vector<1000x128xf32>
    %dot_general3A_20 = tpu.matmul %add3A_16, %get3A_19, %dot_general3A {dimension_numbers = #tpu.dot_dimension_numbers<[1], [0], [0], [1], [0, 0, 1, 1], [], []>, transpose_lhs_hint = false} : vector<1000x128xf32>, vector<128x128xf32>, vector<1000x128xf32> -> vector<1000x128xf32>
    %get3A_21 = arith.constant 0 : index
    %get3A_22 = arith.constant 0 : index
    %get3A_23 = vector.load %arg5[%get3A_21, %get3A_22] : memref<1x128xf32, #tpu.memory_space<vmem>>, vector<1x128xf32>
    %add3A_24 = vector.broadcast %get3A_23 : vector<1x128xf32> to vector<1000x128xf32>
    %add3A_25 = arith.addf %dot_general3A_20, %add3A_24 : vector<1000x128xf32>
    %max3A = arith.constant 0.000000e+00 : f32
    %max3A_26 = vector.broadcast %max3A : f32 to vector<1000x128xf32>
    %max3A_27 = arith.maximumf %add3A_25, %max3A_26 : vector<1000x128xf32>
    %get3A_28 = arith.constant 0 : index
    %get3A_29 = arith.constant 0 : index
    %get3A_30 = vector.load %arg6[%get3A_28, %get3A_29] : memref<128x128xf32, #tpu.memory_space<vmem>>, vector<128x128xf32>
    %dot_general3A_31 = arith.constant dense<0.000000e+00> : vector<1000x128xf32>
    %dot_general3A_32 = tpu.matmul %max3A_27, %get3A_30, %dot_general3A_31 {dimension_numbers = #tpu.dot_dimension_numbers<[1], [0], [0], [1], [0, 0, 1, 1], [], []>, transpose_lhs_hint = false} : vector<1000x128xf32>, vector<128x128xf32>, vector<1000x128xf32> -> vector<1000x128xf32>
    %get3A_33 = arith.constant 0 : index
    %get3A_34 = arith.constant 0 : index
    %get3A_35 = vector.load %arg7[%get3A_33, %get3A_34] : memref<1x128xf32, #tpu.memory_space<vmem>>, vector<1x128xf32>
    %add3A_36 = vector.broadcast %get3A_35 : vector<1x128xf32> to vector<1000x128xf32>
    %add3A_37 = arith.addf %dot_general3A_32, %add3A_36 : vector<1000x128xf32>
    %max3A_38 = arith.constant 0.000000e+00 : f32
    %max3A_39 = vector.broadcast %max3A_38 : f32 to vector<1000x128xf32>
    %max3A_40 = arith.maximumf %add3A_37, %max3A_39 : vector<1000x128xf32>
    %swap3A = arith.constant 0 : index
    %swap3A_41 = arith.constant 0 : index
    %swap3A_42 = vector.load %arg8[%swap3A, %swap3A_41] : memref<1000x128xf32, #tpu.memory_space<vmem>>, vector<1000x128xf32>
    tpu.vector_store %arg8[%swap3A, %swap3A_41], %max3A_40 {strides = array<i32>} : memref<1000x128xf32, #tpu.memory_space<vmem>>, vector<1000x128xf32>,
    return
  }
  func.func @transform_0(%arg0: i32) -> (i32, i32) {
    %c0_i32 = arith.constant 0 : i32
    %c0_i32_0 = arith.constant 0 : i32
    %c0_i32_1 = arith.constant 0 : i32
    return %c0_i32, %c0_i32_0 : i32, i32
  }
  func.func @transform_1(%arg0: i32) -> (i32, i32) {
    %c0_i32 = arith.constant 0 : i32
    %c0_i32_0 = arith.constant 0 : i32
    return %arg0, %c0_i32 : i32, i32
  }
  func.func @transform_2(%arg0: i32) -> (i32, i32, i32) {
    %c0_i32 = arith.constant 0 : i32
    %c0_i32_0 = arith.constant 0 : i32
    %c0_i32_1 = arith.constant 0 : i32
    return %c0_i32, %arg0, %c0_i32_0 : i32, i32, i32
  }
  func.func @transform_3(%arg0: i32) -> (i32, i32) {
    %c0_i32 = arith.constant 0 : i32
    %c0_i32_0 = arith.constant 0 : i32
    %c0_i32_1 = arith.constant 0 : i32
    return %c0_i32, %c0_i32_0 : i32, i32
  }
  func.func @transform_4(%arg0: i32) -> (i32, i32) {
    %c0_i32 = arith.constant 0 : i32
    %c0_i32_0 = arith.constant 0 : i32
    %c0_i32_1 = arith.constant 0 : i32
    return %c0_i32, %c0_i32_0 : i32, i32
  }
  func.func @transform_5(%arg0: i32) -> (i32, i32) {
    %c0_i32 = arith.constant 0 : i32
    %c0_i32_0 = arith.constant 0 : i32
    %c0_i32_1 = arith.constant 0 : i32
    return %c0_i32, %c0_i32_0 : i32, i32
  }
  func.func @transform_6(%arg0: i32) -> (i32, i32) {
    %c0_i32 = arith.constant 0 : i32
    %c0_i32_0 = arith.constant 0 : i32
    %c0_i32_1 = arith.constant 0 : i32
    return %c0_i32, %c0_i32_0 : i32, i32
  }
  func.func @transform_7(%arg0: i32) -> (i32, i32) {
    %c0_i32 = arith.constant 0 : i32
    %c0_i32_0 = arith.constant 0 : i32
    return %arg0, %c0_i32 : i32, i32
  }
}

module attributes {stable_mosaic.version = 14 : i64} {
  func.func @body(%arg0: i32, %arg1: memref<1x128xf32, #tpu.memory_space<vmem>>, %arg2: memref<1000x128xf32, #tpu.memory_space<vmem>>, %arg3: memref<2x1000x128xf32, #tpu.memory_space<vmem>>, %arg4: memref<128x128xf32, #tpu.memory_space<vmem>>, %arg5: memref<1x128xf32, #tpu.memory_space<vmem>>, %arg6: memref<128x128xf32, #tpu.memory_space<vmem>>, %arg7: memref<1x128xf32, #tpu.memory_space<vmem>>, %arg8: memref<1000x128xf32, #tpu.memory_space<vmem>>) attributes {dimension_semantics = [#tpu.dimension_semantics<arbitrary>], iteration_bounds = array<i64: 10>, scalar_prefetch = 0 : i64, scratch_operands = 0 : i64, tpu.core_type = #tpu.core_type<tc>, window_params = [{pipeline_mode = #tpu.pipeline_mode<synchronous>, transform_indices = @transform_0, window_bounds = array<i64: 1, 128>}, {transform_indices = @transform_1, window_bounds = array<i64: 1000, 128>}, {transform_indices = @transform_2, window_bounds = array<i64: 2, 1000, 128>}, {pipeline_mode = #tpu.pipeline_mode<synchronous>, transform_indices = @transform_3, window_bounds = array<i64: 128, 128>}, {pipeline_mode = #tpu.pipeline_mode<synchronous>, transform_indices = @transform_4, window_bounds = array<i64: 1, 128>}, {pipeline_mode = #tpu.pipeline_mode<synchronous>, transform_indices = @transform_5, window_bounds = array<i64: 128, 128>}, {pipeline_mode = #tpu.pipeline_mode<synchronous>, transform_indices = @transform_6, window_bounds = array<i64: 1, 128>}, {transform_indices = @transform_7, window_bounds = array<i64: 1000, 128>}]} {
    %get3A = arith.constant 0 : index
    %get3A_0 = arith.constant 0 : index
    %get3A_1 = vector.load %arg1[%get3A, %get3A_0] : memref<1x128xf32, #tpu.memory_space<vmem>>, vector<1x128xf32>
    %get3A_2 = arith.constant 0 : index
    %get3A_3 = arith.constant 0 : index
    %get3A_4 = vector.load %arg2[%get3A_2, %get3A_3] : memref<1000x128xf32, #tpu.memory_space<vmem>>, vector<1000x128xf32>
    %mul3A = vector.broadcast %get3A_1 : vector<1x128xf32> to vector<1000x128xf32>
    %mul3A_5 = arith.mulf %mul3A, %get3A_4 : vector<1000x128xf32>
    %get3A_6 = arith.constant 0 : index
    %get3A_7 = arith.constant 0 : index
    %get3A_8 = arith.constant 0 : index
    %get3A_9 = vector.load %arg3[%get3A_6, %get3A_7, %get3A_8] : memref<2x1000x128xf32, #tpu.memory_space<vmem>>, vector<1x1000x128xf32>
    %get3A_10 = vector.shape_cast %get3A_9 : vector<1x1000x128xf32> to vector<1000x128xf32>
    %add3A = arith.addf %mul3A_5, %get3A_10 : vector<1000x128xf32>
    %get3A_11 = arith.constant 1 : index
    %get3A_12 = arith.constant 0 : index
    %get3A_13 = arith.constant 0 : index
    %get3A_14 = vector.load %arg3[%get3A_11, %get3A_12, %get3A_13] : memref<2x1000x128xf32, #tpu.memory_space<vmem>>, vector<1x1000x128xf32>
    %get3A_15 = vector.shape_cast %get3A_14 : vector<1x1000x128xf32> to vector<1000x128xf32>
    %add3A_16 = arith.addf %add3A, %get3A_15 : vector<1000x128xf32>
    %get3A_17 = arith.constant 0 : index
    %get3A_18 = arith.constant 0 : index
    %get3A_19 = vector.load %arg4[%get3A_17, %get3A_18] : memref<128x128xf32, #tpu.memory_space<vmem>>, vector<128x128xf32>
    %dot_general3A = arith.constant dense<0.000000e+00> : vector<1000x128xf32>
    %dot_general3A_20 = tpu.matmul %add3A_16, %get3A_19, %dot_general3A {dimension_numbers = #tpu.dot_dimension_numbers<[1], [0], [0], [1], [0, 0, 1, 1], [], []>, transpose_lhs_hint = false} : vector<1000x128xf32>, vector<128x128xf32>, vector<1000x128xf32> -> vector<1000x128xf32>
    %get3A_21 = arith.constant 0 : index
    %get3A_22 = arith.constant 0 : index
    %get3A_23 = vector.load %arg5[%get3A_21, %get3A_22] : memref<1x128xf32, #tpu.memory_space<vmem>>, vector<1x128xf32>
    %add3A_24 = vector.broadcast %get3A_23 : vector<1x128xf32> to vector<1000x128xf32>
    %add3A_25 = arith.addf %dot_general3A_20, %add3A_24 : vector<1000x128xf32>
    %max3A = arith.constant 0.000000e+00 : f32
    %max3A_26 = vector.broadcast %max3A : f32 to vector<1000x128xf32>
    %max3A_27 = arith.maximumf %add3A_25, %max3A_26 : vector<1000x128xf32>
    %get3A_28 = arith.constant 0 : index
    %get3A_29 = arith.constant 0 : index
    %get3A_30 = vector.load %arg6[%get3A_28, %get3A_29] : memref<128x128xf32, #tpu.memory_space<vmem>>, vector<128x128xf32>
    %dot_general3A_31 = arith.constant dense<0.000000e+00> : vector<1000x128xf32>
    %dot_general3A_32 = tpu.matmul %max3A_27, %get3A_30, %dot_general3A_31 {dimension_numbers = #tpu.dot_dimension_numbers<[1], [0], [0], [1], [0, 0, 1, 1], [], []>, transpose_lhs_hint = false} : vector<1000x128xf32>, vector<128x128xf32>, vector<1000x128xf32> -> vector<1000x128xf32>
    %get3A_33 = arith.constant 0 : index
    %get3A_34 = arith.constant 0 : index
    %get3A_35 = vector.load %arg7[%get3A_33, %get3A_34] : memref<1x128xf32, #tpu.memory_space<vmem>>, vector<1x128xf32>
    %add3A_36 = vector.broadcast %get3A_35 : vector<1x128xf32> to vector<1000x128xf32>
    %add3A_37 = arith.addf %dot_general3A_32, %add3A_36 : vector<1000x128xf32>
    %swap3A = arith.constant 0 : index
    %swap3A_38 = arith.constant 0 : index
    %swap3A_39 = vector.load %arg8[%swap3A, %swap3A_38] : memref<1000x128xf32, #tpu.memory_space<vmem>>, vector<1000x128xf32>
    tpu.vector_store %arg8[%swap3A, %swap3A_38], %add3A_37 {strides = array<i32>} : memref<1000x128xf32, #tpu.memory_space<vmem>>, vector<1000x128xf32>,
    return
  }
  func.func @transform_0(%arg0: i32) -> (i32, i32) {
    %c0_i32 = arith.constant 0 : i32
    %c0_i32_0 = arith.constant 0 : i32
    %c0_i32_1 = arith.constant 0 : i32
    return %c0_i32, %c0_i32_0 : i32, i32
  }
  func.func @transform_1(%arg0: i32) -> (i32, i32) {
    %c0_i32 = arith.constant 0 : i32
    %c0_i32_0 = arith.constant 0 : i32
    return %arg0, %c0_i32 : i32, i32
  }
  func.func @transform_2(%arg0: i32) -> (i32, i32, i32) {
    %c0_i32 = arith.constant 0 : i32
    %c0_i32_0 = arith.constant 0 : i32
    %c0_i32_1 = arith.constant 0 : i32
    return %c0_i32, %arg0, %c0_i32_0 : i32, i32, i32
  }
  func.func @transform_3(%arg0: i32) -> (i32, i32) {
    %c0_i32 = arith.constant 0 : i32
    %c0_i32_0 = arith.constant 0 : i32
    %c0_i32_1 = arith.constant 0 : i32
    return %c0_i32, %c0_i32_0 : i32, i32
  }
  func.func @transform_4(%arg0: i32) -> (i32, i32) {
    %c0_i32 = arith.constant 0 : i32
    %c0_i32_0 = arith.constant 0 : i32
    %c0_i32_1 = arith.constant 0 : i32
    return %c0_i32, %c0_i32_0 : i32, i32
  }
  func.func @transform_5(%arg0: i32) -> (i32, i32) {
    %c0_i32 = arith.constant 0 : i32
    %c0_i32_0 = arith.constant 0 : i32
    %c0_i32_1 = arith.constant 0 : i32
    return %c0_i32, %c0_i32_0 : i32, i32
  }
  func.func @transform_6(%arg0: i32) -> (i32, i32) {
    %c0_i32 = arith.constant 0 : i32
    %c0_i32_0 = arith.constant 0 : i32
    %c0_i32_1 = arith.constant 0 : i32
    return %c0_i32, %c0_i32_0 : i32, i32
  }
  func.func @transform_7(%arg0: i32) -> (i32, i32) {
    %c0_i32 = arith.constant 0 : i32
    %c0_i32_0 = arith.constant 0 : i32
    return %arg0, %c0_i32 : i32, i32
  }
}

</mosaic_0001>

<sc_bundles>
// kernel: kernel.11.cloned.1.call-start
scs
__scs_entry_jumppad:
0x0: {  	(pc) =	sbr.rel $0x88, $3  }
0x1: {  	(tag) =	ssettag $0x0;
	lr =	simm.s32 $0x1  }
0x2: {  	[smem:$0x3F8A] =	sst lr;
	_ =	strace $0xD0000000  }
0x3: {  	_ = 	snop  }
0x4: {  	_ = 	snop  }
0x5: {  	_ = 	snop  }
0x6: {  	_ = 	snop  }
0x7: {  	_ = 	snop  }
__scs_overlays_trampoline_lowered:
0x8: {  	[smem:$0x3F99] =	sst s0  }
0x9: {  	[smem:$0x3F9A] =	sst s1  }
0xa: {  	[smem:$0x3F9B] =	sst s2  }
0xb: {  	[smem:$0x3F9C] =	sst s3  }
0xc: {  	[smem:$0x3F9D] =	sst s4  }
0xd: {  	[smem:$0x3F9E] =	sst s5  }
0xe: {  	[smem:$0x3F9F] =	sst s6  }
0xf: {  	[smem:$0x3FA0] =	sst s7  }
0x10: {  	[smem:$0x3FA1] =	sst s8  }
0x11: {  	[smem:$0x3FA2] =	sst s9;
	s0 =	simm.s32 @!p0 $0x0  }
0x12: {  	s1 =	sld [smem:$0x3F88];
	s0 =	simm.s32 @p0 $0x1  }
0x13: {  	[smem:$0x3FA3] =	sst s0;
	s0 =	simm.s32 @!p1 $0x0  }
0x14: {  	s2 =	sld [smem:$0x3F87];
	s0 =	simm.s32 @p1 $0x1  }
0x15: {  	[smem:$0x3FA4] =	sst s0;
	s0 =	simm.s32 @!p2 $0x0  }
0x16: {  	s3 =	sld [smem:$0x3FDB];
	s0 =	simm.s32 @p2 $0x1  }
0x17: {  	s4 =	simm.s32 $0x1BF5;
	[smem:$0x3FA6] =	sst s0  }
0x18: {  	s0 =	sld [smem:$0x3F89];
	_ =	swait.ge [sflag:s4], $0x0  }
0x19: {  	s7 =	sld [smem:$0x3F8A]  }
0x1a: {  	s8 =	sadd.s32 $0xFFFFE003, lr  }
0x1b: {  	s9 =	sadd.s32 $0xFFFFFEF7, lr;
	s5 =	simm.s32 $0xFFFFFFFF;
	p2 =	slt.u32 s8, $0xFFFFF086  }
0x1c: {  	p1 =	slt.u32 s9, $0xF7A;
	s5 =	simm.s32 @!p2 $0x0  }
0x1d: {  	s5 =	simm.s32 @p1 $0x1;
	p0 =	seq.s32 s7, s2  }
0x1e: {  	s7 =	smul.u32 @!p0 $0xF7A, s2;
	p2 =	seq.s32 @!p0 s5, $0x0  }
0x1f: {  	s9 =	smul.u32 $0xF7A, s1;
	s8 =	simm.s32 @!p0 $0x1BF5;
	p2 =	por !p2, p0  }
0x20: {  	[sflag:s8] =	ssyncset.s32 @!p0 $0xFFFFF086;
	s6 =	sadd.s32 @!p0 s3, s7;
	s7 =	simm.s32 @!p0 $0x108  }
0x21: {  	s3 =	sadd.s32 s3, s9;
	s6 =	sadd.s32 @!p0 $0x88, s6;
	s7 =	simm.s32 @p2 $0x1082  }
0x22: {  	[simem:s7], [sflag:s8] =	dma.local @!p0 [hbm:s6], $0xF7A  }
0x23: {  	s9 =	sor.u32 $0xD0000000, s2;
	s6 =	simm.s32 $0x108;
	_ =	swait.ge @!p0 [sflag:s8], $0x0  }
0x24: {  	s3 =	sadd.s32 $0x88, s3;
	s6 =	simm.s32 @!p1 $0x1082;
	[sflag:s4] =	ssyncset.s32 $0xFFFFF086  }
0x25: {  	[simem:s6], [sflag:s4] =	dma.local [hbm:s3], $0xF7A  }
0x26: {  	[smem:$0x3F8A] =	sst s1;
	(tag) =	ssettag s2;
	_ =	strace s9  }
0x27: {  	s1 =	sld [smem:$0x3F9A]  }
0x28: {  	s2 =	sld [smem:$0x3F9B]  }
0x29: {  	s4 =	sld [smem:$0x3F9D]  }
0x2a: {  	p0 =	seq.s32 s5, $0x0;
	s5 =	sld [smem:$0x3F9E]  }
0x2b: {  	s6 =	sld [smem:$0x3F9F]  }
0x2c: {  	s7 =	sld [smem:$0x3FA0]  }
0x2d: {  	s3 =	simm.s32 $0x108;
	s8 =	sld [smem:$0x3FA1]  }
0x2e: {  	s3 =	simm.s32 @!p0 $0x1082;
	s9 =	sld [smem:$0x3FA2]  }
0x2f: {  	lr =	sadd.s32 s0, s3;
	s0 =	sld [smem:$0x3F99]  }
0x30: {  	s3 =	sld [smem:$0x3F9C]  }
0x31: {  	[smem:$0x3FA5] =	sst s10  }
0x32: {  	s10 =	sld [smem:$0x3FA3];
	_ =	sdelay $0x3  }
0x33: {  	p0 =	seq.s32 s10, $0x1;
	s10 =	sld [smem:$0x3FA5];
	_ =	sdelay $0x3  }
0x34: {  	[smem:$0x3FA5] =	sst s10  }
0x35: {  	s10 =	sld [smem:$0x3FA4];
	_ =	sdelay $0x3  }
0x36: {  	p1 =	seq.s32 s10, $0x1;
	s10 =	sld [smem:$0x3FA5];
	_ =	sdelay $0x3  }
0x37: {  	[smem:$0x3FA5] =	sst s10  }
0x38: {  	s10 =	sld [smem:$0x3FA6]  }
0x39: {  	_ = 	snop;
	(pc) =	sbr.ind lr, $3  }
0x3a: {  	_ = 	snop  }
0x3b: {  	_ = 	snop  }
0x3c: {  	p2 =	seq.s32 s10, $0x1;
	s10 =	sld [smem:$0x3FA5]  }
0x3d: {  	_ =	shalt  }
0x3e: {  	_ =	shalt  }
0x3f: {  	_ =	shalt  }
0x40: {  	_ =	shalt  }
0x41: {  	_ =	shalt  }
0x42: {  	_ =	shalt  }
0x43: {  	_ =	shalt  }
0x44: {  	_ =	shalt  }
0x45: {  	_ =	shalt  }
0x46: {  	_ =	shalt  }
0x47: {  	_ =	shalt  }
0x48: {  	_ =	shalt  }
0x49: {  	_ =	shalt  }
0x4a: {  	_ =	shalt  }
0x4b: {  	_ =	shalt  }
0x4c: {  	_ =	shalt  }
0x4d: {  	_ =	shalt  }
0x4e: {  	_ =	shalt  }
0x4f: {  	_ =	shalt  }
0x50: {  	_ =	shalt  }
0x51: {  	_ =	shalt  }
0x52: {  	_ =	shalt  }
0x53: {  	_ =	shalt  }
0x54: {  	_ =	shalt  }
0x55: {  	_ =	shalt  }
0x56: {  	_ =	shalt  }
0x57: {  	_ =	shalt  }
0x58: {  	_ =	shalt  }
0x59: {  	_ =	shalt  }
0x5a: {  	_ =	shalt  }
0x5b: {  	_ =	shalt  }
0x5c: {  	_ =	shalt  }
0x5d: {  	_ =	shalt  }
0x5e: {  	_ =	shalt  }
0x5f: {  	_ =	shalt  }
0x60: {  	_ =	shalt  }
0x61: {  	_ =	shalt  }
0x62: {  	_ =	shalt  }
0x63: {  	_ =	shalt  }
0x64: {  	_ =	shalt  }
0x65: {  	_ =	shalt  }
0x66: {  	_ =	shalt  }
0x67: {  	_ =	shalt  }
0x68: {  	_ =	shalt  }
0x69: {  	_ =	shalt  }
0x6a: {  	_ =	shalt  }
0x6b: {  	_ =	shalt  }
0x6c: {  	_ =	shalt  }
0x6d: {  	_ =	shalt  }
0x6e: {  	_ =	shalt  }
0x6f: {  	_ =	shalt  }
0x70: {  	_ =	shalt  }
0x71: {  	_ =	shalt  }
0x72: {  	_ =	shalt  }
0x73: {  	_ =	shalt  }
0x74: {  	_ =	shalt  }
0x75: {  	_ =	shalt  }
0x76: {  	_ =	shalt  }
0x77: {  	_ =	shalt  }
0x78: {  	_ =	shalt  }
0x79: {  	_ =	shalt  }
0x7a: {  	_ =	shalt  }
0x7b: {  	_ =	shalt  }
0x7c: {  	_ =	shalt  }
0x7d: {  	_ =	shalt  }
0x7e: {  	_ =	shalt  }
0x7f: {  	_ =	shalt  }
0x80: {  	_ =	shalt  }
0x81: {  	_ =	shalt  }
0x82: {  	_ =	shalt  }
0x83: {  	_ =	shalt  }
0x84: {  	_ =	shalt  }
0x85: {  	_ =	shalt  }
0x86: {  	_ =	shalt  }
0x87: {  	_ =	shalt  }
.Lfunc_end0:
.L_simem_size_0:
called_computation.1_lowered:
.L_overlay_start_0:
0x88: {  	s2 =	sld [smem:$0x3FD9]  }
0x89: {  	s3 =	sld [smem:$0x3FFE];
	_ =	sdelay $0x1  }
0x8a: {  	s1 =	srdreg.scid  }
0x8b: {  	s0 =	sand.u32 $0x1, s1  }
0x8c: {  	s17 =	sshll.u32 s0, $0xA;
	s2 =	sadd.s32 s3, s2  }
0x8d: {  	s2 =	sadd.s32 s2, s17  }
0x8e: {  	[smem:$0x3FB1] =	sst s2  }
0x8f: {  	_ = 	snop  }
0x90: {  	s2 =	sld [smem:$0x3FD0];
	(tm) =	ssettm $0x1  }
0x91: {  	s18 =	sld [smem:$0x3FFB];
	_ =	sdelay $0x3  }
0x92: {  	_ =	strace s18  }
0x93: {  	s3 =	sld [smem:$0x3FFC];
	_ =	sdelay $0x3  }
0x94: {  	_ =	strace s3  }
0x95: {  	s3 =	sld [smem:$0x3FFD];
	_ =	sdelay $0x3  }
0x96: {  	_ =	strace s3  }
0x97: {  	_ =	strace $0x8FFFFFFF  }
0x98: {  	s19 =	sld [smem:$0x3FDB];
	_ =	sdelay $0x1  }
0x99: {  	s4 =	simm.s32 $_scs_section_size  }
0x9a: {  	s5 =	simm.s32 $_size__tile_overlayer_lowered;
	s6 =	simm.s32 $_tile_overlayer_lowered  }
0x9b: {  	s22 =	simm.s32 $0x1BFF;
	s21 =	sshll.u32 s6, $0x1;
	s3 =	sadd.s32 s4, s19  }
0x9c: {  	s7 =	simm.s32 $0x0;
	s20 =	sshll.u32 s5, $0x1;
	s5 =	sadd.s32 s21, s3  }
0x9d: {  	[timem:s7], [sflag:s22] =	dma.local [hbm:s5], s20  }
0x9e: {  	_ =	swait.ge [sflag:s22], s20  }
0x9f: {  	s4 =	ssub.s32 $0x0, s20;
	[sflag:s22] =	ssyncset.done $0x0  }
0xa0: {  	[sflag:s22] =	ssyncadd.s32 s4;
	_ =	sdelay $0x1  }
0xa1: {  	s23 =	simm.s32 $0x1B8B  }
0xa2: {  	_ =	swait.ge [sflag:s23], $0x1  }
0xa3: {  	[sflag:s23] =	ssyncset.done $0x0  }
0xa4: {  	s25 =	simm.s32 $0x1B8E;
	s24 =	sld [smem:$0x3FFE];
	[sflag:s23] =	ssyncadd.s32 $0xFFFFFFFF  }
0xa5: {  	s26 =	simm.s32 $execute0_lowered;
	[smem:$0x3FD2] =	sst s25  }
0xa6: {  	s5 =	sshll.u32 s26, $0x1;
	_ =	strace $0x80000049;
	[dreg:$0x1] =	wrdreg $0xFFFFFFFF  }
0xa7: {  	s28 =	simm.s32 $_size_execute0_lowered;
	s3 =	sadd.s32 s3, s5;
	[dreg:$0x0] =	wrdreg $0x0  }
0xa8: {  	s5 =	sshll.u32 s28, $0x1;
	[dreg:$0x2] =	wrdreg s3  }
0xa9: {  	[dreg:$0x3] =	wrdreg s5  }
0xaa: {  	[dreg:$0x4] =	wrdreg $0xC0  }
0xab: {  	_ =	task [dreg:s7], $0x5FFFF  }
0xac: {  	[dreg:$0x1] =	wrdreg $0xFFFFFFFF  }
0xad: {  	[dreg:$0x0] =	wrdreg $0x60  }
0xae: {  	[dreg:$0x2] =	wrdreg s2  }
0xaf: {  	[dreg:$0x3] =	wrdreg s24  }
0xb0: {  	[dreg:$0x4] =	wrdreg $0x0  }
0xb1: {  	[dreg:$0x5] =	wrdreg $0x9  }
0xb2: {  	_ =	task.clear_ibuf [dreg:s7], $0x6FFFF;
	_ =	strace $0x90000049  }
0xb3: {  	s29 =	simm.s32 $0x9;
	_ =	strace $0x8000004B  }
0xb4: {  	_ =	swait.ge [sflag:s29], $0x1  }
0xb5: {  	[sflag:s29] =	ssyncadd.s32 $0xFFFFFFFF  }
0xb6: {  	_ =	strace $0x9000004B  }
0xb7: {  	_ =	sfence  }
0xb8: {  	s30 =	sld [smem:$0x0];
	_ =	sdelay $0x2  }
0xb9: {  	s31 =	sshll.u32 s1, $0xD;
	s1 =	sshrl.u32 s1, $0x2  }
0xba: {  	s3 =	sand.u32 $0x4000, s31;
	s1 =	sadd.s32 s1, s30  }
0xbb: {  	s0 =	sor.u32 s3, s0;
	s1 =	sshll.u32 s1, $0x11  }
0xbc: {  	s0 =	sor.u32 s1, s0  }
0xbd: {  	s0 =	sadd.s32 $0x8F2B, s0  }
0xbe: {  	[sflag:s0] =	ssyncadd.remote.s32 $0x1  }
0xbf: {  	_ =	sfence.sel $0xFFFF  }
0xc0: {  	[dreg:$0x0] =	wrdreg $0xFFFFFFFF;
	(pc) =	sbr.abs _section_cstart, $3  }
0xc1: {  	[dreg:$0x1] =	wrdreg $0xFFFFFFFF  }
0xc2: {  	_ =	task.clear_ibuf [dreg:s7], $0x2FFFF;
	_ =	strace $0x9FFFFFFF  }
0xc3: {  	(tm) =	ssettm $0x7FFFFFFF  }
tec
execute0_lowered:
.L_overlay_start_1:
0x0: {  	(tag) =	ssettag $0x1  }
0x1: {  	s1 =	rddreg [dreg:$0x0]  }
0x2: {  	s0 =	rddreg [dreg:$0x1]  }
0x3: {  	s2 =	rddreg [dreg:$0x2]  }
0x4: {  	s4 =	simm.s32 $0x0;
	s3 =	srdreg.scid;
	s13 =	stileid.u32  }
0x5: {  	s28 =	simm.s32 $0x2;
	s29 =	simm.s32 $0x17E00;
	s30 =	simm.s32 $0x3  }
0x6: {  	s31 =	simm.s32 $0x1BA00;
	[smem:$0x7FF] =	sst s4;
	s3 =	sand.u32 $0x1, s3  }
0x7: {  	s5 =	smul.u32 $0x4F000, s13;
	s6 =	sadd.s32 $0x4600, s0;
	s8 =	sadd.s32 $0xE400, s0  }
0x8: {  	s9 =	sadd.s32 $0x18200, s0;
	s17 =	smul.u32 $0x13C00, s13;
	s0 =	sadd.s32 $0x1AA00, s0  }
0x9: {  	s11 =	smul.u32 $0x4EC0, s13;
	s19 =	sshll.u32 s13, $0x6;
	p0 =	seq.s32 s13, $0xF  }
0xa: {  	_ =	strace $0x8000004A;
	s7 =	smul.u32 $0x138800, s3;
	[dreg:$0x10] =	wrdreg s9  }
0xb: {  	s10 =	ssub.s32 $0x2, s3;
	s3 =	smul.u32 $0x2760, s3;
	s14 =	sor.u32 $0x1C0A, s19  }
0xc: {  	s9 =	simm.s32 $0x5;
	s12 =	sshrl.u32 s10, $0x1;
	s5 =	sshrl.u32 s5, $0x2  }
0xd: {  	[dreg:$0x12] =	wrdreg s14;
	s10 =	ssub.s32 s10, s12;
	s12 =	sadd.s32 s5, s2  }
0xe: {  	s18 =	sadd.s32 s17, s7;
	s3 =	sadd.s32 s3, s11;
	s7 =	sshrl.u32 s7, $0x3  }
0xf: {  	s5 =	sshrl.u32 s18, $0x3;
	s20 =	sshrl.u32 s3, $0x3;
	s11 =	sadd.s32 $0x258, s3  }
0x10: {  	s24 =	sadd.s32 $0x1E0, s3;
	[dreg:$0x11] =	wrdreg s12;
	s5 =	sadd.s32 s0, s5  }
0x11: {  	s15 =	sadd.s32 $0x168, s3;
	s21 =	sadd.s32 s20, s8;
	[dreg:$0x13] =	wrdreg s5  }
0x12: {  	s22 =	sshrl.u32 s11, $0x3;
	[dreg:$0x4] =	wrdreg s21;
	s5 =	sadd.s32 s20, s6  }
0x13: {  	s19 =	sadd.s32 $0xF0, s3;
	s23 =	sadd.s32 s22, s8;
	[dreg:$0x5] =	wrdreg s5  }
0x14: {  	s26 =	sshrl.u32 s24, $0x3;
	s25 =	sadd.s32 s22, s6;
	[dreg:$0x6] =	wrdreg s23  }
0x15: {  	s3 =	sadd.s32 $0x78, s3;
	s11 =	sadd.s32 s26, s8;
	[dreg:$0x7] =	wrdreg s25  }
0x16: {  	s17 =	sshrl.u32 s15, $0x3;
	s16 =	sadd.s32 s26, s6;
	[dreg:$0x8] =	wrdreg s11  }
0x17: {  	s3 =	sshrl.u32 s3, $0x3;
	s18 =	sadd.s32 s17, s8;
	[dreg:$0x9] =	wrdreg s16  }
0x18: {  	s0 =	sadd.s32 s0, s7;
	s20 =	sadd.s32 s17, s6;
	[dreg:$0xa] =	wrdreg s18  }
0x19: {  	s21 =	sshrl.u32 s19, $0x3;
	s0 =	sadd.s32 $0x25080, s0;
	[dreg:$0xb] =	wrdreg s20  }
0x1a: {  	s24 =	sadd.s32 s3, s8;
	s26 =	smax.u32 s10, $0x1;
	[dreg:$0x14] =	wrdreg s0  }
0x1b: {  	s10 =	simm.s32 $0x6;
	s22 =	sadd.s32 s21, s8;
	[dreg:$0xe] =	wrdreg s24  }
0x1c: {  	s23 =	sadd.s32 s21, s6;
	s25 =	sadd.s32 s3, s6;
	[dreg:$0x15] =	wrdreg s26  }
0x1d: {  	s24 =	simm.s32 $0x1;
	s0 =	simm.s32 $0x7;
	s3 =	simm.s32 $0x8  }
0x1e: {  	s5 =	simm.s32 $0x9;
	s8 =	simm.s32 $0x4;
	[dreg:$0xc] =	wrdreg s22  }
0x1f: {  	s11 =	simm.s32 $0x0;
	s26 =	simm.s32 $0x14100;
	[dreg:$0xd] =	wrdreg s23  }
0x20: {  	[dreg:$0xf] =	wrdreg s25;
	s25 =	simm.s32 $0x78;
	s23 =	simm.s32 $0x13E00  }
.LBB2_1:
0x21: {  	[dreg:$0x16] =	wrdreg s11  }
0x22: {  	s6 =	sshrl.u32 s12, $0x3;
	s7 =	rddreg [dreg:$0x10];
	s17 =	simm.s32 $0xA  }
0x23: {  	[spmem:s6], [sflag:s14] =	dma.local [hbm:s7], $0x2780  }
0x24: {  	_ =	swait.ge [sflag:s17], $0x2780  }
0x25: {  	[sflag:s17] =	ssyncset.done $0x0  }
0x26: {  	[sflag:s17] =	ssyncadd.s32 $0xFFFFD880  }
0x27: {  	[bflag:$0x0] =	sbarrier.arrive $0xFFFF  }
0x28: {  	s18 =	rddreg [dreg:$0x5]  }
0x29: {  	s12 =	simm.s32 $0x13C00;
	s19 =	rddreg [dreg:$0x4];
	s6 =	sadd.s32 $0x0, s18  }
0x2a: {  	[tilespmem:s12], [sflag:$0x1] =	stream.linear.gather [hbm4b:s6+s4], $0x78, $0x38;
	[tilespmem:$0x1F600] =	vst v63  }
0x2b: {  	s13 =	simm.s32 $0x13F00;
	s20 =	rddreg [dreg:$0xf];
	s21 =	sadd.s32 $0x0, s19  }
0x2c: {  	[tilespmem:s13], [sflag:$0x1] =	stream.linear.gather [hbm4b:s21+s4], $0x78, $0x38;
	[tilespmem:$0x1F600] =	vst v63  }
0x2d: {  	s14 =	simm.s32 $0x13C80;
	s22 =	rddreg [dreg:$0xe];
	s15 =	sadd.s32 $0x0, s20  }
0x2e: {  	[tilespmem:s14], [sflag:$0x2] =	stream.linear.gather [hbm4b:s15+s4], $0x78, $0x38;
	[tilespmem:$0x1F600] =	vst v63  }
0x2f: {  	s16 =	rddreg [dreg:$0xd];
	s17 =	sadd.s32 $0x0, s22;
	s15 =	simm.s32 $0x13F80  }
0x30: {  	[tilespmem:s15], [sflag:$0x2] =	stream.linear.gather [hbm4b:s17+s4], $0x78, $0x38;
	[tilespmem:$0x1F600] =	vst v63  }
0x31: {  	s18 =	rddreg [dreg:$0xc];
	s19 =	sadd.s32 $0x0, s16;
	s16 =	simm.s32 $0x13D00  }
0x32: {  	[tilespmem:s16], [sflag:$0x3] =	stream.linear.gather [hbm4b:s19+s4], $0x78, $0x38;
	[tilespmem:$0x1F600] =	vst v63  }
0x33: {  	s20 =	rddreg [dreg:$0xb];
	s21 =	sadd.s32 $0x0, s18;
	s17 =	simm.s32 $0x14000  }
0x34: {  	[tilespmem:s17], [sflag:$0x3] =	stream.linear.gather [hbm4b:s21+s4], $0x78, $0x38;
	[tilespmem:$0x1F600] =	vst v63  }
0x35: {  	s22 =	rddreg [dreg:$0xa];
	s18 =	simm.s32 $0x13D80;
	s19 =	sadd.s32 $0x0, s20  }
0x36: {  	[tilespmem:s18], [sflag:$0x4] =	stream.linear.gather [hbm4b:s19+s4], $0x78, $0x38;
	[tilespmem:$0x1F600] =	vst v63  }
0x37: {  	s20 =	rddreg [dreg:$0x9];
	s21 =	sadd.s32 $0x0, s22;
	s19 =	simm.s32 $0x14080  }
0x38: {  	[tilespmem:s19], [sflag:$0x4] =	stream.linear.gather [hbm4b:s21+s4], $0x78, $0x38;
	[tilespmem:$0x1F600] =	vst v63  }
0x39: {  	s22 =	rddreg [dreg:$0x8];
	s21 =	sadd.s32 $0x0, s20;
	s20 =	simm.s32 $0x13E00  }
0x3a: {  	[tilespmem:s20], [sflag:$0x5] =	stream.linear.gather [hbm4b:s21+s4], $0x78, $0x38;
	[tilespmem:$0x1F600] =	vst v63  }
0x3b: {  	s11 =	rddreg [dreg:$0x7];
	s22 =	sadd.s32 $0x0, s22;
	s21 =	simm.s32 $0x14100  }
0x3c: {  	[tilespmem:s21], [sflag:$0x5] =	stream.linear.gather [hbm4b:s22+s4], $0x78, $0x38;
	[tilespmem:$0x1F600] =	vst v63  }
0x3d: {  	s7 =	rddreg [dreg:$0x6];
	s22 =	sadd.s32 $0x0, s11;
	s11 =	simm.s32 $0x13E80  }
0x3e: {  	[tilespmem:s11], [sflag:$0x6] =	stream.linear.gather [hbm4b:s22+s4], $0x78, $0x38;
	[tilespmem:$0x1F600] =	vst v63  }
0x3f: {  	s22 =	sadd.s32 $0x0, s7;
	s7 =	simm.s32 $0x14180  }
0x40: {  	[tilespmem:s7], [sflag:$0x6] =	stream.linear.gather [hbm4b:s22+s4], $0x78, $0x38;
	[tilespmem:$0x1F600] =	vst v63  }
0x41: {  	_ =	swait.ge [sflag:s24], $0x78  }
0x42: {  	[sflag:s24] =	ssyncset.done $0x0  }
0x43: {  	[sflag:s24] =	ssyncadd.s32 $0xFFFFFF88  }
0x44: {  	_ =	swait.ge [sflag:s24], $0x78  }
0x45: {  	[sflag:s24] =	ssyncset.done $0x0  }
0x46: {  	s22 =	simm.s32 $0x14200;
	[sflag:s24] =	ssyncadd.s32 $0xFFFFFF88  }
0x47: {  	[tilespmem:s22], [sflag:$0x7] =	stream.indirect.gather [hbm4b:s1+s25], $0x80, s12, s25, $0xb8;
	[tilespmem:$0x1F600] =	vst v63  }
0x48: {  	_ =	swait.ge [sflag:s28], $0x78  }
0x49: {  	[sflag:s28] =	ssyncset.done $0x0  }
0x4a: {  	[sflag:s28] =	ssyncadd.s32 $0xFFFFFF88  }
0x4b: {  	_ =	swait.ge [sflag:s28], $0x78  }
0x4c: {  	[sflag:s28] =	ssyncset.done $0x0  }
0x4d: {  	[sflag:s28] =	ssyncadd.s32 $0xFFFFFF88  }
0x4e: {  	[tilespmem:s29], [sflag:$0x8] =	stream.indirect.gather [hbm4b:s1+s25], $0x80, s14, s25, $0xb8;
	[tilespmem:$0x1F600] =	vst v63  }
0x4f: {  	_ =	swait.ge [sflag:s30], $0x78  }
0x50: {  	[sflag:s30] =	ssyncset.done $0x0  }
0x51: {  	[sflag:s30] =	ssyncadd.s32 $0xFFFFFF88  }
0x52: {  	_ =	swait.ge [sflag:s30], $0x78  }
0x53: {  	[sflag:s30] =	ssyncset.done $0x0  }
0x54: {  	[sflag:s30] =	ssyncadd.s32 $0xFFFFFF88  }
0x55: {  	[tilespmem:s31], [sflag:$0x9] =	stream.indirect.gather [hbm4b:s1+s25], $0x80, s16, s25, $0xb8;
	[tilespmem:$0x1F600] =	vst v63  }
0x56: {  	_ =	swait.ge [sflag:s0], $0x3C00  }
0x57: {  	[sflag:s0] =	ssyncset.done $0x0  }
0x58: {  	[sflag:s0] =	ssyncadd.s32 $0xFFFFC400  }
0x59: {  	[spmem:s2] =	stream.indirect.scatter.add.f32 [tilespmem:s22], [sflag:$0x7], $0x80, s13, s25, $0xb8;
	[tilespmem:$0x1F600] =	vst v63  }
0x5a: {  	_ =	swait.ge [sflag:s3], $0x3C00  }
0x5b: {  	[sflag:s3] =	ssyncset.done $0x0  }
0x5c: {  	[sflag:s3] =	ssyncadd.s32 $0xFFFFC400  }
0x5d: {  	[spmem:s2] =	stream.indirect.scatter.add.f32 [tilespmem:s29], [sflag:$0x8], $0x80, s15, s25, $0xb8;
	[tilespmem:$0x1F600] =	vst v63  }
0x5e: {  	_ =	swait.ge [sflag:s5], $0x3C00  }
0x5f: {  	[sflag:s5] =	ssyncset.done $0x0  }
0x60: {  	[sflag:s5] =	ssyncadd.s32 $0xFFFFC400  }
0x61: {  	[spmem:s2] =	stream.indirect.scatter.add.f32 [tilespmem:s31], [sflag:$0x9], $0x80, s17, s25, $0xb8;
	[tilespmem:$0x1F600] =	vst v63  }
0x62: {  	_ =	swait.ge [sflag:s0], $0x3C00  }
0x63: {  	[sflag:s0] =	ssyncset.done $0x0  }
0x64: {  	[sflag:s0] =	ssyncadd.s32 $0xFFFFC400  }
0x65: {  	_ =	swait.ge [sflag:s8], $0x78  }
0x66: {  	[sflag:s8] =	ssyncset.done $0x0  }
0x67: {  	[sflag:s8] =	ssyncadd.s32 $0xFFFFFF88  }
0x68: {  	_ =	swait.ge [sflag:s8], $0x78  }
0x69: {  	[sflag:s8] =	ssyncset.done $0x0  }
0x6a: {  	[sflag:s8] =	ssyncadd.s32 $0xFFFFFF88  }
0x6b: {  	[tilespmem:s22], [sflag:$0x7] =	stream.indirect.gather [hbm4b:s1+s25], $0x80, s18, s25, $0xb8;
	[tilespmem:$0x1F600] =	vst v63  }
0x6c: {  	_ =	swait.ge [sflag:s3], $0x3C00  }
0x6d: {  	[sflag:s3] =	ssyncset.done $0x0  }
0x6e: {  	[sflag:s3] =	ssyncadd.s32 $0xFFFFC400  }
0x6f: {  	_ =	swait.ge [sflag:s9], $0x78  }
0x70: {  	[sflag:s9] =	ssyncset.done $0x0  }
0x71: {  	[sflag:s9] =	ssyncadd.s32 $0xFFFFFF88  }
0x72: {  	_ =	swait.ge [sflag:s9], $0x78  }
0x73: {  	[sflag:s9] =	ssyncset.done $0x0  }
0x74: {  	[sflag:s9] =	ssyncadd.s32 $0xFFFFFF88  }
0x75: {  	[tilespmem:s29], [sflag:$0x8] =	stream.indirect.gather [hbm4b:s1+s25], $0x80, s20, s25, $0xb8;
	[tilespmem:$0x1F600] =	vst v63  }
0x76: {  	_ =	swait.ge [sflag:s5], $0x3C00  }
0x77: {  	[sflag:s5] =	ssyncset.done $0x0  }
0x78: {  	[sflag:s5] =	ssyncadd.s32 $0xFFFFC400  }
0x79: {  	_ =	swait.ge [sflag:s10], $0x78  }
0x7a: {  	[sflag:s10] =	ssyncset.done $0x0  }
0x7b: {  	[sflag:s10] =	ssyncadd.s32 $0xFFFFFF88  }
0x7c: {  	_ =	swait.ge [sflag:s10], $0x78  }
0x7d: {  	[sflag:s10] =	ssyncset.done $0x0  }
0x7e: {  	[sflag:s10] =	ssyncadd.s32 $0xFFFFFF88  }
0x7f: {  	[tilespmem:s31], [sflag:$0x9] =	stream.indirect.gather [hbm4b:s1+s25], $0x80, s11, s25, $0xb8;
	[tilespmem:$0x1F600] =	vst v63  }
0x80: {  	_ =	swait.ge [sflag:s0], $0x3C00  }
0x81: {  	[sflag:s0] =	ssyncset.done $0x0  }
0x82: {  	[sflag:s0] =	ssyncadd.s32 $0xFFFFC400  }
0x83: {  	[spmem:s2] =	stream.indirect.scatter.add.f32 [tilespmem:s22], [sflag:$0x7], $0x80, s19, s25, $0xb8;
	[tilespmem:$0x1F600] =	vst v63  }
0x84: {  	_ =	swait.ge [sflag:s3], $0x3C00  }
0x85: {  	[sflag:s3] =	ssyncset.done $0x0  }
0x86: {  	[sflag:s3] =	ssyncadd.s32 $0xFFFFC400  }
0x87: {  	[spmem:s2] =	stream.indirect.scatter.add.f32 [tilespmem:s29], [sflag:$0x8], $0x80, s21, s25, $0xb8;
	[tilespmem:$0x1F600] =	vst v63  }
0x88: {  	_ =	swait.ge [sflag:s5], $0x3C00  }
0x89: {  	[sflag:s5] =	ssyncset.done $0x0  }
0x8a: {  	[sflag:s5] =	ssyncadd.s32 $0xFFFFC400  }
0x8b: {  	[spmem:s2] =	stream.indirect.scatter.add.f32 [tilespmem:s31], [sflag:$0x9], $0x80, s7, s25, $0xb8;
	[tilespmem:$0x1F600] =	vst v63  }
0x8c: {  	_ =	swait.ge [sflag:s0], $0x3C00  }
0x8d: {  	[sflag:s0] =	ssyncset.done $0x0  }
0x8e: {  	[sflag:s0] =	ssyncadd.s32 $0xFFFFC400  }
0x8f: {  	_ =	swait.ge [sflag:s3], $0x3C00  }
0x90: {  	[sflag:s3] =	ssyncset.done $0x0  }
0x91: {  	[sflag:s3] =	ssyncadd.s32 $0xFFFFC400  }
0x92: {  	s6 =	simm.s32 $0x5A;
	_ =	swait.ge [sflag:s5], $0x3C00  }
0x93: {  	s7 =	simm.s32 $0xB4;
	s11 =	rddreg [dreg:$0x5];
	[sflag:s5] =	ssyncset.done $0x0  }
.LBB2_2:
0x94: {  	[sflag:s5] =	ssyncadd.s32 $0xFFFFC400  }
0x95: {  	s13 =	rddreg [dreg:$0x4];
	s11 =	sadd.s32 s6, s11;
	s15 =	simm.s32 $0x13C00  }
0x96: {  	[tilespmem:s15], [sflag:$0x1] =	stream.linear.gather [hbm4b:s11+s4], $0x78, $0x38;
	[tilespmem:$0x1F600] =	vst v63  }
0x97: {  	s14 =	rddreg [dreg:$0xf];
	s16 =	simm.s32 $0x13F00;
	s19 =	sadd.s32 s6, s13  }
0x98: {  	[tilespmem:s16], [sflag:$0x1] =	stream.linear.gather [hbm4b:s19+s4], $0x78, $0x38;
	[tilespmem:$0x1F600] =	vst v63  }
0x99: {  	s20 =	rddreg [dreg:$0xe];
	s17 =	simm.s32 $0x13C80;
	s21 =	sadd.s32 s6, s14  }
0x9a: {  	[tilespmem:s17], [sflag:$0x2] =	stream.linear.gather [hbm4b:s21+s4], $0x78, $0x38;
	[tilespmem:$0x1F600] =	vst v63  }
0x9b: {  	s22 =	rddreg [dreg:$0xd];
	s18 =	simm.s32 $0x13F80;
	s19 =	sadd.s32 s6, s20  }
0x9c: {  	[tilespmem:s18], [sflag:$0x2] =	stream.linear.gather [hbm4b:s19+s4], $0x78, $0x38;
	[tilespmem:$0x1F600] =	vst v63  }
0x9d: {  	s20 =	rddreg [dreg:$0xc];
	s21 =	sadd.s32 s6, s22;
	s19 =	simm.s32 $0x13D00  }
0x9e: {  	[tilespmem:s19], [sflag:$0x3] =	stream.linear.gather [hbm4b:s21+s4], $0x78, $0x38;
	[tilespmem:$0x1F600] =	vst v63  }
0x9f: {  	s22 =	rddreg [dreg:$0xb];
	s21 =	sadd.s32 s6, s20;
	s20 =	simm.s32 $0x14000  }
0xa0: {  	[tilespmem:s20], [sflag:$0x3] =	stream.linear.gather [hbm4b:s21+s4], $0x78, $0x38;
	[tilespmem:$0x1F600] =	vst v63  }
0xa1: {  	s13 =	rddreg [dreg:$0xa];
	s22 =	sadd.s32 s6, s22;
	s21 =	simm.s32 $0x13D80  }
0xa2: {  	[tilespmem:s21], [sflag:$0x4] =	stream.linear.gather [hbm4b:s22+s4], $0x78, $0x38;
	[tilespmem:$0x1F600] =	vst v63  }
0xa3: {  	s14 =	rddreg [dreg:$0x9];
	s11 =	sadd.s32 s6, s13;
	s22 =	simm.s32 $0x14080  }
0xa4: {  	[tilespmem:s22], [sflag:$0x4] =	stream.linear.gather [hbm4b:s11+s4], $0x78, $0x38;
	[tilespmem:$0x1F600] =	vst v63  }
0xa5: {  	s13 =	rddreg [dreg:$0x8];
	s11 =	sadd.s32 s6, s14  }
0xa6: {  	[tilespmem:s23], [sflag:$0x5] =	stream.linear.gather [hbm4b:s11+s4], $0x78, $0x38;
	[tilespmem:$0x1F600] =	vst v63  }
0xa7: {  	s12 =	smov.u32 s7;
	s14 =	rddreg [dreg:$0x7];
	s11 =	sadd.s32 s6, s13  }
0xa8: {  	[tilespmem:s26], [sflag:$0x5] =	stream.linear.gather [hbm4b:s11+s4], $0x78, $0x38;
	[tilespmem:$0x1F600] =	vst v63  }
0xa9: {  	s13 =	rddreg [dreg:$0x6];
	s11 =	sadd.s32 s6, s14;
	s14 =	simm.s32 $0x13E80  }
0xaa: {  	[tilespmem:s14], [sflag:$0x6] =	stream.linear.gather [hbm4b:s11+s4], $0x78, $0x38;
	[tilespmem:$0x1F600] =	vst v63  }
0xab: {  	s13 =	sadd.s32 s6, s13;
	s6 =	smov.u32 s12;
	s12 =	simm.s32 $0x14180  }
0xac: {  	[tilespmem:s12], [sflag:$0x6] =	stream.linear.gather [hbm4b:s13+s4], $0x78, $0x38;
	[tilespmem:$0x1F600] =	vst v63  }
0xad: {  	_ =	swait.ge [sflag:s24], $0x78  }
0xae: {  	[sflag:s24] =	ssyncset.done $0x0  }
0xaf: {  	[sflag:s24] =	ssyncadd.s32 $0xFFFFFF88  }
0xb0: {  	_ =	swait.ge [sflag:s24], $0x78  }
0xb1: {  	[sflag:s24] =	ssyncset.done $0x0  }
0xb2: {  	s13 =	simm.s32 $0x14200;
	[sflag:s24] =	ssyncadd.s32 $0xFFFFFF88  }
0xb3: {  	[tilespmem:s13], [sflag:$0x7] =	stream.indirect.gather [hbm4b:s1+s25], $0x80, s15, s25, $0xb8;
	[tilespmem:$0x1F600] =	vst v63  }
0xb4: {  	_ =	swait.ge [sflag:s28], $0x78  }
0xb5: {  	[sflag:s28] =	ssyncset.done $0x0  }
0xb6: {  	[sflag:s28] =	ssyncadd.s32 $0xFFFFFF88  }
0xb7: {  	_ =	swait.ge [sflag:s28], $0x78  }
0xb8: {  	[sflag:s28] =	ssyncset.done $0x0  }
0xb9: {  	[sflag:s28] =	ssyncadd.s32 $0xFFFFFF88  }
0xba: {  	[tilespmem:s29], [sflag:$0x8] =	stream.indirect.gather [hbm4b:s1+s25], $0x80, s17, s25, $0xb8;
	[tilespmem:$0x1F600] =	vst v63  }
0xbb: {  	_ =	swait.ge [sflag:s30], $0x78  }
0xbc: {  	[sflag:s30] =	ssyncset.done $0x0  }
0xbd: {  	[sflag:s30] =	ssyncadd.s32 $0xFFFFFF88  }
0xbe: {  	_ =	swait.ge [sflag:s30], $0x78  }
0xbf: {  	[sflag:s30] =	ssyncset.done $0x0  }
0xc0: {  	[sflag:s30] =	ssyncadd.s32 $0xFFFFFF88  }
0xc1: {  	[tilespmem:s31], [sflag:$0x9] =	stream.indirect.gather [hbm4b:s1+s25], $0x80, s19, s25, $0xb8;
	[tilespmem:$0x1F600] =	vst v63  }
0xc2: {  	_ =	swait.ge [sflag:s0], $0x3C00  }
0xc3: {  	[sflag:s0] =	ssyncset.done $0x0  }
0xc4: {  	[sflag:s0] =	ssyncadd.s32 $0xFFFFC400  }
0xc5: {  	[spmem:s2] =	stream.indirect.scatter.add.f32 [tilespmem:s13], [sflag:$0x7], $0x80, s16, s25, $0xb8;
	[tilespmem:$0x1F600] =	vst v63  }
0xc6: {  	_ =	swait.ge [sflag:s3], $0x3C00  }
0xc7: {  	[sflag:s3] =	ssyncset.done $0x0  }
0xc8: {  	[sflag:s3] =	ssyncadd.s32 $0xFFFFC400  }
0xc9: {  	[spmem:s2] =	stream.indirect.scatter.add.f32 [tilespmem:s29], [sflag:$0x8], $0x80, s18, s25, $0xb8;
	[tilespmem:$0x1F600] =	vst v63  }
0xca: {  	_ =	swait.ge [sflag:s5], $0x3C00  }
0xcb: {  	[sflag:s5] =	ssyncset.done $0x0  }
0xcc: {  	[sflag:s5] =	ssyncadd.s32 $0xFFFFC400  }
0xcd: {  	[spmem:s2] =	stream.indirect.scatter.add.f32 [tilespmem:s31], [sflag:$0x9], $0x80, s20, s25, $0xb8;
	[tilespmem:$0x1F600] =	vst v63  }
0xce: {  	_ =	swait.ge [sflag:s0], $0x3C00  }
0xcf: {  	[sflag:s0] =	ssyncset.done $0x0  }
0xd0: {  	[sflag:s0] =	ssyncadd.s32 $0xFFFFC400  }
0xd1: {  	_ =	swait.ge [sflag:s8], $0x78  }
0xd2: {  	[sflag:s8] =	ssyncset.done $0x0  }
0xd3: {  	[sflag:s8] =	ssyncadd.s32 $0xFFFFFF88  }
0xd4: {  	_ =	swait.ge [sflag:s8], $0x78  }
0xd5: {  	[sflag:s8] =	ssyncset.done $0x0  }
0xd6: {  	[sflag:s8] =	ssyncadd.s32 $0xFFFFFF88  }
0xd7: {  	[tilespmem:s13], [sflag:$0x7] =	stream.indirect.gather [hbm4b:s1+s25], $0x80, s21, s25, $0xb8;
	[tilespmem:$0x1F600] =	vst v63  }
0xd8: {  	_ =	swait.ge [sflag:s3], $0x3C00  }
0xd9: {  	[sflag:s3] =	ssyncset.done $0x0  }
0xda: {  	[sflag:s3] =	ssyncadd.s32 $0xFFFFC400  }
0xdb: {  	_ =	swait.ge [sflag:s9], $0x78  }
0xdc: {  	[sflag:s9] =	ssyncset.done $0x0  }
0xdd: {  	[sflag:s9] =	ssyncadd.s32 $0xFFFFFF88  }
0xde: {  	_ =	swait.ge [sflag:s9], $0x78  }
0xdf: {  	[sflag:s9] =	ssyncset.done $0x0  }
0xe0: {  	[sflag:s9] =	ssyncadd.s32 $0xFFFFFF88  }
0xe1: {  	[tilespmem:s29], [sflag:$0x8] =	stream.indirect.gather [hbm4b:s1+s25], $0x80, s23, s25, $0xb8;
	[tilespmem:$0x1F600] =	vst v63  }
0xe2: {  	_ =	swait.ge [sflag:s5], $0x3C00  }
0xe3: {  	[sflag:s5] =	ssyncset.done $0x0  }
0xe4: {  	[sflag:s5] =	ssyncadd.s32 $0xFFFFC400  }
0xe5: {  	_ =	swait.ge [sflag:s10], $0x78  }
0xe6: {  	[sflag:s10] =	ssyncset.done $0x0  }
0xe7: {  	[sflag:s10] =	ssyncadd.s32 $0xFFFFFF88  }
0xe8: {  	_ =	swait.ge [sflag:s10], $0x78  }
0xe9: {  	[sflag:s10] =	ssyncset.done $0x0  }
0xea: {  	[sflag:s10] =	ssyncadd.s32 $0xFFFFFF88  }
0xeb: {  	[tilespmem:s31], [sflag:$0x9] =	stream.indirect.gather [hbm4b:s1+s25], $0x80, s14, s25, $0xb8;
	[tilespmem:$0x1F600] =	vst v63  }
0xec: {  	_ =	swait.ge [sflag:s0], $0x3C00  }
0xed: {  	[sflag:s0] =	ssyncset.done $0x0  }
0xee: {  	[sflag:s0] =	ssyncadd.s32 $0xFFFFC400  }
0xef: {  	[spmem:s2] =	stream.indirect.scatter.add.f32 [tilespmem:s13], [sflag:$0x7], $0x80, s22, s25, $0xb8;
	[tilespmem:$0x1F600] =	vst v63  }
0xf0: {  	_ =	swait.ge [sflag:s3], $0x3C00  }
0xf1: {  	[sflag:s3] =	ssyncset.done $0x0  }
0xf2: {  	[sflag:s3] =	ssyncadd.s32 $0xFFFFC400  }
0xf3: {  	[spmem:s2] =	stream.indirect.scatter.add.f32 [tilespmem:s29], [sflag:$0x8], $0x80, s26, s25, $0xb8;
	[tilespmem:$0x1F600] =	vst v63  }
0xf4: {  	_ =	swait.ge [sflag:s5], $0x3C00  }
0xf5: {  	[sflag:s5] =	ssyncset.done $0x0  }
0xf6: {  	[sflag:s5] =	ssyncadd.s32 $0xFFFFC400  }
0xf7: {  	[spmem:s2] =	stream.indirect.scatter.add.f32 [tilespmem:s31], [sflag:$0x9], $0x80, s12, s25, $0xb8;
	[tilespmem:$0x1F600] =	vst v63  }
0xf8: {  	_ =	swait.ge [sflag:s0], $0x3C00  }
0xf9: {  	[sflag:s0] =	ssyncset.done $0x0  }
0xfa: {  	p1 =	sne.s32 s7, $0x492;
	[sflag:s0] =	ssyncadd.s32 $0xFFFFC400  }
.Ltmp0:
0xfb: {  	_ =	swait.ge [sflag:s3], $0x3C00;
	(pc) =	sbr.rel @p1 .LBB2_2-.Ltmp0, $4  }
0xfc: {  	[sflag:s3] =	ssyncset.done $0x0  }
0xfd: {  	[sflag:s3] =	ssyncadd.s32 $0xFFFFC400  }
0xfe: {  	_ =	swait.ge [sflag:s5], $0x3C00  }
0xff: {  	s7 =	sadd.s32 $0x5A, s7;
	s11 =	rddreg [dreg:$0x5];
	[sflag:s5] =	ssyncset.done $0x0  }
0x100: {  	s7 =	rddreg [dreg:$0x4]  }
0x101: {  	[sflag:s5] =	ssyncadd.s32 $0xFFFFC400;
	s11 =	sadd.s32 s6, s11;
	s12 =	simm.s32 $0x13C00  }
0x102: {  	[tilespmem:s12], [sflag:$0x1] =	stream.linear.gather [hbm4b:s11+s4], $0x78, $0x38;
	[tilespmem:$0x1F600] =	vst v63  }
0x103: {  	s14 =	rddreg [dreg:$0xf];
	s13 =	simm.s32 $0x13F00;
	s7 =	sadd.s32 s6, s7  }
0x104: {  	[tilespmem:s13], [sflag:$0x1] =	stream.linear.gather [hbm4b:s7+s4], $0x78, $0x38;
	[tilespmem:$0x1F600] =	vst v63  }
0x105: {  	s15 =	rddreg [dreg:$0xe];
	s11 =	sadd.s32 s6, s14;
	s14 =	simm.s32 $0x13C80  }
0x106: {  	[tilespmem:s14], [sflag:$0x2] =	stream.linear.gather [hbm4b:s11+s4], $0x78, $0x38;
	[tilespmem:$0x1F600] =	vst v63  }
0x107: {  	s16 =	rddreg [dreg:$0xd];
	s7 =	sadd.s32 s6, s15;
	s15 =	simm.s32 $0x13F80  }
0x108: {  	[tilespmem:s15], [sflag:$0x2] =	stream.linear.gather [hbm4b:s7+s4], $0x78, $0x38;
	[tilespmem:$0x1F600] =	vst v63  }
0x109: {  	s17 =	rddreg [dreg:$0xc];
	s11 =	sadd.s32 s6, s16;
	s16 =	simm.s32 $0x13D00  }
0x10a: {  	[tilespmem:s16], [sflag:$0x3] =	stream.linear.gather [hbm4b:s11+s4], $0x78, $0x38;
	[tilespmem:$0x1F600] =	vst v63  }
0x10b: {  	s18 =	rddreg [dreg:$0xb];
	s7 =	sadd.s32 s6, s17;
	s17 =	simm.s32 $0x14000  }
0x10c: {  	[tilespmem:s17], [sflag:$0x3] =	stream.linear.gather [hbm4b:s7+s4], $0x78, $0x38;
	[tilespmem:$0x1F600] =	vst v63  }
0x10d: {  	s19 =	rddreg [dreg:$0xa];
	s11 =	sadd.s32 s6, s18;
	s18 =	simm.s32 $0x13D80  }
0x10e: {  	[tilespmem:s18], [sflag:$0x4] =	stream.linear.gather [hbm4b:s11+s4], $0x78, $0x38;
	[tilespmem:$0x1F600] =	vst v63  }
0x10f: {  	s20 =	rddreg [dreg:$0x9];
	s7 =	sadd.s32 s6, s19;
	s19 =	simm.s32 $0x14080  }
0x110: {  	[tilespmem:s19], [sflag:$0x4] =	stream.linear.gather [hbm4b:s7+s4], $0x78, $0x38;
	[tilespmem:$0x1F600] =	vst v63  }
0x111: {  	s21 =	rddreg [dreg:$0x8];
	s11 =	sadd.s32 s6, s20;
	s20 =	simm.s32 $0x13E00  }
0x112: {  	[tilespmem:s20], [sflag:$0x5] =	stream.linear.gather [hbm4b:s11+s4], $0x78, $0x38;
	[tilespmem:$0x1F600] =	vst v63  }
0x113: {  	s22 =	rddreg [dreg:$0x7];
	s7 =	sadd.s32 s6, s21;
	s21 =	simm.s32 $0x14100  }
0x114: {  	[tilespmem:s21], [sflag:$0x5] =	stream.linear.gather [hbm4b:s7+s4], $0x78, $0x38;
	[tilespmem:$0x1F600] =	vst v63  }
0x115: {  	s11 =	sadd.s32 s6, s22;
	s22 =	simm.s32 $0x13E80;
	s7 =	rddreg [dreg:$0x6]  }
0x116: {  	[tilespmem:s22], [sflag:$0x6] =	stream.linear.gather [hbm4b:s11+s4], $0x78, $0x38;
	[tilespmem:$0x1F600] =	vst v63  }
0x117: {  	s11 =	sadd.s32 s6, s7;
	s7 =	simm.s32 $0x14180  }
0x118: {  	[tilespmem:s7], [sflag:$0x6] =	stream.linear.gather [hbm4b:s11+s4], $0x78, $0x38;
	[tilespmem:$0x1F600] =	vst v63  }
0x119: {  	_ =	swait.ge [sflag:s24], $0x78  }
0x11a: {  	[sflag:s24] =	ssyncset.done $0x0  }
0x11b: {  	[sflag:s24] =	ssyncadd.s32 $0xFFFFFF88  }
0x11c: {  	_ =	swait.ge [sflag:s24], $0x78  }
0x11d: {  	[sflag:s24] =	ssyncset.done $0x0  }
0x11e: {  	s11 =	simm.s32 $0x14200;
	[sflag:s24] =	ssyncadd.s32 $0xFFFFFF88  }
0x11f: {  	[tilespmem:s11], [sflag:$0x7] =	stream.indirect.gather [hbm4b:s1+s25], $0x80, s12, s25, $0xb8;
	[tilespmem:$0x1F600] =	vst v63  }
0x120: {  	_ =	swait.ge [sflag:s28], $0x78  }
0x121: {  	[sflag:s28] =	ssyncset.done $0x0  }
0x122: {  	[sflag:s28] =	ssyncadd.s32 $0xFFFFFF88  }
0x123: {  	_ =	swait.ge [sflag:s28], $0x78  }
0x124: {  	[sflag:s28] =	ssyncset.done $0x0  }
0x125: {  	[sflag:s28] =	ssyncadd.s32 $0xFFFFFF88  }
0x126: {  	[tilespmem:s29], [sflag:$0x8] =	stream.indirect.gather [hbm4b:s1+s25], $0x80, s14, s25, $0xb8;
	[tilespmem:$0x1F600] =	vst v63  }
0x127: {  	_ =	swait.ge [sflag:s30], $0x78  }
0x128: {  	[sflag:s30] =	ssyncset.done $0x0  }
0x129: {  	[sflag:s30] =	ssyncadd.s32 $0xFFFFFF88  }
0x12a: {  	_ =	swait.ge [sflag:s30], $0x78  }
0x12b: {  	[sflag:s30] =	ssyncset.done $0x0  }
0x12c: {  	[sflag:s30] =	ssyncadd.s32 $0xFFFFFF88  }
0x12d: {  	[tilespmem:s31], [sflag:$0x9] =	stream.indirect.gather [hbm4b:s1+s25], $0x80, s16, s25, $0xb8;
	[tilespmem:$0x1F600] =	vst v63  }
0x12e: {  	_ =	swait.ge [sflag:s0], $0x3C00  }
0x12f: {  	[sflag:s0] =	ssyncset.done $0x0  }
0x130: {  	[sflag:s0] =	ssyncadd.s32 $0xFFFFC400  }
0x131: {  	[spmem:s2] =	stream.indirect.scatter.add.f32 [tilespmem:s11], [sflag:$0x7], $0x80, s13, s25, $0xb8;
	[tilespmem:$0x1F600] =	vst v63  }
0x132: {  	_ =	swait.ge [sflag:s3], $0x3C00  }
0x133: {  	[sflag:s3] =	ssyncset.done $0x0  }
0x134: {  	[sflag:s3] =	ssyncadd.s32 $0xFFFFC400  }
0x135: {  	[spmem:s2] =	stream.indirect.scatter.add.f32 [tilespmem:s29], [sflag:$0x8], $0x80, s15, s25, $0xb8;
	[tilespmem:$0x1F600] =	vst v63  }
0x136: {  	_ =	swait.ge [sflag:s5], $0x3C00  }
0x137: {  	[sflag:s5] =	ssyncset.done $0x0  }
0x138: {  	[sflag:s5] =	ssyncadd.s32 $0xFFFFC400  }
0x139: {  	[spmem:s2] =	stream.indirect.scatter.add.f32 [tilespmem:s31], [sflag:$0x9], $0x80, s17, s25, $0xb8;
	[tilespmem:$0x1F600] =	vst v63  }
0x13a: {  	_ =	swait.ge [sflag:s0], $0x3C00  }
0x13b: {  	[sflag:s0] =	ssyncset.done $0x0  }
0x13c: {  	[sflag:s0] =	ssyncadd.s32 $0xFFFFC400  }
0x13d: {  	_ =	swait.ge [sflag:s8], $0x78  }
0x13e: {  	[sflag:s8] =	ssyncset.done $0x0  }
0x13f: {  	[sflag:s8] =	ssyncadd.s32 $0xFFFFFF88  }
0x140: {  	_ =	swait.ge [sflag:s8], $0x78  }
0x141: {  	[sflag:s8] =	ssyncset.done $0x0  }
0x142: {  	[sflag:s8] =	ssyncadd.s32 $0xFFFFFF88  }
0x143: {  	[tilespmem:s11], [sflag:$0x7] =	stream.indirect.gather [hbm4b:s1+s25], $0x80, s18, s25, $0xb8;
	[tilespmem:$0x1F600] =	vst v63  }
0x144: {  	_ =	swait.ge [sflag:s3], $0x3C00  }
0x145: {  	[sflag:s3] =	ssyncset.done $0x0  }
0x146: {  	[sflag:s3] =	ssyncadd.s32 $0xFFFFC400  }
0x147: {  	_ =	swait.ge [sflag:s9], $0x78  }
0x148: {  	[sflag:s9] =	ssyncset.done $0x0  }
0x149: {  	[sflag:s9] =	ssyncadd.s32 $0xFFFFFF88  }
0x14a: {  	_ =	swait.ge [sflag:s9], $0x78  }
0x14b: {  	[sflag:s9] =	ssyncset.done $0x0  }
0x14c: {  	[sflag:s9] =	ssyncadd.s32 $0xFFFFFF88  }
0x14d: {  	[tilespmem:s29], [sflag:$0x8] =	stream.indirect.gather [hbm4b:s1+s25], $0x80, s20, s25, $0xb8;
	[tilespmem:$0x1F600] =	vst v63  }
0x14e: {  	_ =	swait.ge [sflag:s5], $0x3C00  }
0x14f: {  	[sflag:s5] =	ssyncset.done $0x0  }
0x150: {  	[sflag:s5] =	ssyncadd.s32 $0xFFFFC400  }
0x151: {  	_ =	swait.ge [sflag:s10], $0x78  }
0x152: {  	[sflag:s10] =	ssyncset.done $0x0  }
0x153: {  	[sflag:s10] =	ssyncadd.s32 $0xFFFFFF88  }
0x154: {  	_ =	swait.ge [sflag:s10], $0x78  }
0x155: {  	[sflag:s10] =	ssyncset.done $0x0  }
0x156: {  	[sflag:s10] =	ssyncadd.s32 $0xFFFFFF88  }
0x157: {  	[tilespmem:s31], [sflag:$0x9] =	stream.indirect.gather [hbm4b:s1+s25], $0x80, s22, s25, $0xb8;
	[tilespmem:$0x1F600] =	vst v63  }
0x158: {  	_ =	swait.ge [sflag:s0], $0x3C00  }
0x159: {  	[sflag:s0] =	ssyncset.done $0x0  }
0x15a: {  	[sflag:s0] =	ssyncadd.s32 $0xFFFFC400  }
0x15b: {  	[spmem:s2] =	stream.indirect.scatter.add.f32 [tilespmem:s11], [sflag:$0x7], $0x80, s19, s25, $0xb8;
	[tilespmem:$0x1F600] =	vst v63  }
0x15c: {  	_ =	swait.ge [sflag:s3], $0x3C00  }
0x15d: {  	[sflag:s3] =	ssyncset.done $0x0  }
0x15e: {  	[sflag:s3] =	ssyncadd.s32 $0xFFFFC400  }
0x15f: {  	[spmem:s2] =	stream.indirect.scatter.add.f32 [tilespmem:s29], [sflag:$0x8], $0x80, s21, s25, $0xb8;
	[tilespmem:$0x1F600] =	vst v63  }
0x160: {  	_ =	swait.ge [sflag:s5], $0x3C00  }
0x161: {  	[sflag:s5] =	ssyncset.done $0x0  }
0x162: {  	[sflag:s5] =	ssyncadd.s32 $0xFFFFC400  }
0x163: {  	[spmem:s2] =	stream.indirect.scatter.add.f32 [tilespmem:s31], [sflag:$0x9], $0x80, s7, s25, $0xb8;
	[tilespmem:$0x1F600] =	vst v63  }
0x164: {  	_ =	swait.ge [sflag:s0], $0x3C00  }
0x165: {  	[sflag:s0] =	ssyncset.done $0x0  }
0x166: {  	[sflag:s0] =	ssyncadd.s32 $0xFFFFC400  }
0x167: {  	_ =	swait.ge [sflag:s3], $0x3C00  }
0x168: {  	[sflag:s3] =	ssyncset.done $0x0  }
0x169: {  	[sflag:s3] =	ssyncadd.s32 $0xFFFFC400  }
0x16a: {  	_ =	swait.ge [sflag:s5], $0x3C00  }
0x16b: {  	[sflag:s5] =	ssyncset.done $0x0  }
0x16c: {  	[sflag:s5] =	ssyncadd.s32 $0xFFFFC400  }
0x16d: {  	[bflag:$0x0] =	sbarrier.arrive $0xFFFF  }
0x16e: {  	s12 =	rddreg [dreg:$0x11]  }
0x16f: {  	s14 =	rddreg [dreg:$0x12]  }
0x170: {  	s7 =	rddreg [dreg:$0x14];
	s6 =	sshrl.u32 @p0 s12, $0x3  }
0x171: {  	[hbm:s7], [sflag:s14] =	dma.local @p0 [spmem:s6], $0x2080  }
0x172: {  	s6 =	simm.s32 @p0 $0xA  }
0x173: {  	_ =	swait.ge @p0 [sflag:s6], $0x2080  }
0x174: {  	[sflag:s6] =	ssyncset.done @p0 $0x0  }
0x175: {  	s7 =	rddreg [dreg:$0x13];
	[sflag:s6] =	ssyncadd.s32 @p0 $0xFFFFDF80;
	s6 =	sshrl.u32 @!p0 s12, $0x3  }
0x176: {  	[hbm:s7], [sflag:s14] =	dma.local @!p0 [spmem:s6], $0x2780  }
0x177: {  	s6 =	simm.s32 @!p0 $0xA  }
0x178: {  	_ =	swait.ge @!p0 [sflag:s6], $0x2780  }
0x179: {  	s21 =	rddreg [dreg:$0x16]  }
0x17a: {  	s22 =	rddreg [dreg:$0x15];
	s11 =	sadd.s32 $0x1, s21  }
0x17b: {  	p1 =	sne.s32 s11, s22  }
.Ltmp1:
0x17c: {  	_ = 	snop;
	(pc) =	sbr.rel @p1 .LBB2_1-.Ltmp1, $3  }
0x17d: {  	_ =	sdelay $0x1  }
0x17e: {  	[sflag:s6] =	ssyncset.done @!p0 $0x0  }
0x17f: {  	[sflag:s6] =	ssyncadd.s32 @!p0 $0xFFFFD880  }
0x180: {  	_ =	sfence.sel $0x180000  }
0x181: {  	[bflag:$0x0] =	sbarrier.arrive $0xFFFF  }
0x182: {  	_ =	strace $0x9000004A  }
0x183: {  	s0 =	stileid.u32;
	[bflag:$0x2] =	sbarrier.arrive $0xFFFF  }
0x184: {  	p0 =	sne.s32 s0, $0x0;
	s0 =	rddreg [dreg:$0x3]  }
0x185: {  	s0 =	sadd.s32 @!p0 $0x100000, s0  }
0x186: {  	[sflag:s0] =	ssyncadd.tile.s32 @!p0 $0x1;
	_ =	shalt  }
.Lfunc_end2:
_tile_overlayer_lowered:
.L_overlay_start_2:
0x187: {  	(tag) =	ssettag $0x2  }
0x188: {  	s0 =	rddreg [dreg:$0x0];
	s2 =	stileid.u32  }
0x189: {  	s1 =	rddreg [dreg:$0x1];
	p0 =	sne.s32 s2, $0x0  }
0x18a: {  	s3 =	rddreg [dreg:$0x2];
	[bflag:$0x3] =	sbarrier.arrive $0xFFFF;
	s2 =	simm.s32 @!p0 $0x1C0A  }
0x18b: {  	[timem:s3], [sflag:s2] =	dma.local @!p0 [hbm:s0], s1  }
0x18c: {  	s0 =	simm.s32 @!p0 $0xA  }
0x18d: {  	_ =	swait.ge @!p0 [sflag:s0], s1  }
0x18e: {  	s1 =	ssub.s32 @!p0 $0x0, s1;
	[sflag:s0] =	ssyncset.done @!p0 $0x0  }
0x18f: {  	[sflag:s0] =	ssyncadd.s32 @!p0 s1  }
0x190: {  	[bflag:$0x3] =	sbarrier.arrive $0xFFFF  }
0x191: {  	_ =	shalt  }

// kernel: kernel.14.cloned.1.call-start
scs
__scs_entry_jumppad:
0x0: {  	(pc) =	sbr.rel $0x88, $3  }
0x1: {  	(tag) =	ssettag $0x0;
	lr =	simm.s32 $0x1  }
0x2: {  	[smem:$0x3F8A] =	sst lr;
	_ =	strace $0xD0000000  }
0x3: {  	_ = 	snop  }
0x4: {  	_ = 	snop  }
0x5: {  	_ = 	snop  }
0x6: {  	_ = 	snop  }
0x7: {  	_ = 	snop  }
__scs_overlays_trampoline_lowered:
0x8: {  	[smem:$0x3F99] =	sst s0  }
0x9: {  	[smem:$0x3F9A] =	sst s1  }
0xa: {  	[smem:$0x3F9B] =	sst s2  }
0xb: {  	[smem:$0x3F9C] =	sst s3  }
0xc: {  	[smem:$0x3F9D] =	sst s4  }
0xd: {  	[smem:$0x3F9E] =	sst s5  }
0xe: {  	[smem:$0x3F9F] =	sst s6  }
0xf: {  	[smem:$0x3FA0] =	sst s7  }
0x10: {  	[smem:$0x3FA1] =	sst s8  }
0x11: {  	[smem:$0x3FA2] =	sst s9;
	s0 =	simm.s32 @!p0 $0x0  }
0x12: {  	s1 =	sld [smem:$0x3F88];
	s0 =	simm.s32 @p0 $0x1  }
0x13: {  	[smem:$0x3FA3] =	sst s0;
	s0 =	simm.s32 @!p1 $0x0  }
0x14: {  	s2 =	sld [smem:$0x3F87];
	s0 =	simm.s32 @p1 $0x1  }
0x15: {  	[smem:$0x3FA4] =	sst s0;
	s0 =	simm.s32 @!p2 $0x0  }
0x16: {  	s3 =	sld [smem:$0x3FDB];
	s0 =	simm.s32 @p2 $0x1  }
0x17: {  	s4 =	simm.s32 $0x1BF5;
	[smem:$0x3FA6] =	sst s0  }
0x18: {  	s0 =	sld [smem:$0x3F89];
	_ =	swait.ge [sflag:s4], $0x0  }
0x19: {  	s7 =	sld [smem:$0x3F8A]  }
0x1a: {  	s8 =	sadd.s32 $0xFFFFE003, lr  }
0x1b: {  	s9 =	sadd.s32 $0xFFFFFEF7, lr;
	s5 =	simm.s32 $0xFFFFFFFF;
	p2 =	slt.u32 s8, $0xFFFFF086  }
0x1c: {  	p1 =	slt.u32 s9, $0xF7A;
	s5 =	simm.s32 @!p2 $0x0  }
0x1d: {  	s5 =	simm.s32 @p1 $0x1;
	p0 =	seq.s32 s7, s2  }
0x1e: {  	s7 =	smul.u32 @!p0 $0xF7A, s2;
	p2 =	seq.s32 @!p0 s5, $0x0  }
0x1f: {  	s9 =	smul.u32 $0xF7A, s1;
	s8 =	simm.s32 @!p0 $0x1BF5;
	p2 =	por !p2, p0  }
0x20: {  	[sflag:s8] =	ssyncset.s32 @!p0 $0xFFFFF086;
	s6 =	sadd.s32 @!p0 s3, s7;
	s7 =	simm.s32 @!p0 $0x108  }
0x21: {  	s3 =	sadd.s32 s3, s9;
	s6 =	sadd.s32 @!p0 $0x88, s6;
	s7 =	simm.s32 @p2 $0x1082  }
0x22: {  	[simem:s7], [sflag:s8] =	dma.local @!p0 [hbm:s6], $0xF7A  }
0x23: {  	s9 =	sor.u32 $0xD0000000, s2;
	s6 =	simm.s32 $0x108;
	_ =	swait.ge @!p0 [sflag:s8], $0x0  }
0x24: {  	s3 =	sadd.s32 $0x88, s3;
	s6 =	simm.s32 @!p1 $0x1082;
	[sflag:s4] =	ssyncset.s32 $0xFFFFF086  }
0x25: {  	[simem:s6], [sflag:s4] =	dma.local [hbm:s3], $0xF7A  }
0x26: {  	[smem:$0x3F8A] =	sst s1;
	(tag) =	ssettag s2;
	_ =	strace s9  }
0x27: {  	s1 =	sld [smem:$0x3F9A]  }
0x28: {  	s2 =	sld [smem:$0x3F9B]  }
0x29: {  	s4 =	sld [smem:$0x3F9D]  }
0x2a: {  	p0 =	seq.s32 s5, $0x0;
	s5 =	sld [smem:$0x3F9E]  }
0x2b: {  	s6 =	sld [smem:$0x3F9F]  }
0x2c: {  	s7 =	sld [smem:$0x3FA0]  }
0x2d: {  	s3 =	simm.s32 $0x108;
	s8 =	sld [smem:$0x3FA1]  }
0x2e: {  	s3 =	simm.s32 @!p0 $0x1082;
	s9 =	sld [smem:$0x3FA2]  }
0x2f: {  	lr =	sadd.s32 s0, s3;
	s0 =	sld [smem:$0x3F99]  }
0x30: {  	s3 =	sld [smem:$0x3F9C]  }
0x31: {  	[smem:$0x3FA5] =	sst s10  }
0x32: {  	s10 =	sld [smem:$0x3FA3];
	_ =	sdelay $0x3  }
0x33: {  	p0 =	seq.s32 s10, $0x1;
	s10 =	sld [smem:$0x3FA5];
	_ =	sdelay $0x3  }
0x34: {  	[smem:$0x3FA5] =	sst s10  }
0x35: {  	s10 =	sld [smem:$0x3FA4];
	_ =	sdelay $0x3  }
0x36: {  	p1 =	seq.s32 s10, $0x1;
	s10 =	sld [smem:$0x3FA5];
	_ =	sdelay $0x3  }
0x37: {  	[smem:$0x3FA5] =	sst s10  }
0x38: {  	s10 =	sld [smem:$0x3FA6]  }
0x39: {  	_ = 	snop;
	(pc) =	sbr.ind lr, $3  }
0x3a: {  	_ = 	snop  }
0x3b: {  	_ = 	snop  }
0x3c: {  	p2 =	seq.s32 s10, $0x1;
	s10 =	sld [smem:$0x3FA5]  }
0x3d: {  	_ =	shalt  }
0x3e: {  	_ =	shalt  }
0x3f: {  	_ =	shalt  }
0x40: {  	_ =	shalt  }
0x41: {  	_ =	shalt  }
0x42: {  	_ =	shalt  }
0x43: {  	_ =	shalt  }
0x44: {  	_ =	shalt  }
0x45: {  	_ =	shalt  }
0x46: {  	_ =	shalt  }
0x47: {  	_ =	shalt  }
0x48: {  	_ =	shalt  }
0x49: {  	_ =	shalt  }
0x4a: {  	_ =	shalt  }
0x4b: {  	_ =	shalt  }
0x4c: {  	_ =	shalt  }
0x4d: {  	_ =	shalt  }
0x4e: {  	_ =	shalt  }
0x4f: {  	_ =	shalt  }
0x50: {  	_ =	shalt  }
0x51: {  	_ =	shalt  }
0x52: {  	_ =	shalt  }
0x53: {  	_ =	shalt  }
0x54: {  	_ =	shalt  }
0x55: {  	_ =	shalt  }
0x56: {  	_ =	shalt  }
0x57: {  	_ =	shalt  }
0x58: {  	_ =	shalt  }
0x59: {  	_ =	shalt  }
0x5a: {  	_ =	shalt  }
0x5b: {  	_ =	shalt  }
0x5c: {  	_ =	shalt  }
0x5d: {  	_ =	shalt  }
0x5e: {  	_ =	shalt  }
0x5f: {  	_ =	shalt  }
0x60: {  	_ =	shalt  }
0x61: {  	_ =	shalt  }
0x62: {  	_ =	shalt  }
0x63: {  	_ =	shalt  }
0x64: {  	_ =	shalt  }
0x65: {  	_ =	shalt  }
0x66: {  	_ =	shalt  }
0x67: {  	_ =	shalt  }
0x68: {  	_ =	shalt  }
0x69: {  	_ =	shalt  }
0x6a: {  	_ =	shalt  }
0x6b: {  	_ =	shalt  }
0x6c: {  	_ =	shalt  }
0x6d: {  	_ =	shalt  }
0x6e: {  	_ =	shalt  }
0x6f: {  	_ =	shalt  }
0x70: {  	_ =	shalt  }
0x71: {  	_ =	shalt  }
0x72: {  	_ =	shalt  }
0x73: {  	_ =	shalt  }
0x74: {  	_ =	shalt  }
0x75: {  	_ =	shalt  }
0x76: {  	_ =	shalt  }
0x77: {  	_ =	shalt  }
0x78: {  	_ =	shalt  }
0x79: {  	_ =	shalt  }
0x7a: {  	_ =	shalt  }
0x7b: {  	_ =	shalt  }
0x7c: {  	_ =	shalt  }
0x7d: {  	_ =	shalt  }
0x7e: {  	_ =	shalt  }
0x7f: {  	_ =	shalt  }
0x80: {  	_ =	shalt  }
0x81: {  	_ =	shalt  }
0x82: {  	_ =	shalt  }
0x83: {  	_ =	shalt  }
0x84: {  	_ =	shalt  }
0x85: {  	_ =	shalt  }
0x86: {  	_ =	shalt  }
0x87: {  	_ =	shalt  }
.Lfunc_end0:
.L_simem_size_0:
called_computation.2_lowered:
.L_overlay_start_0:
0x88: {  	s2 =	sld [smem:$0x3FD9]  }
0x89: {  	s3 =	sld [smem:$0x3FFE];
	_ =	sdelay $0x1  }
0x8a: {  	s1 =	srdreg.scid  }
0x8b: {  	s0 =	sand.u32 $0x1, s1  }
0x8c: {  	s17 =	sshll.u32 s0, $0xA;
	s2 =	sadd.s32 s3, s2  }
0x8d: {  	s2 =	sadd.s32 s2, s17  }
0x8e: {  	[smem:$0x3FB1] =	sst s2  }
0x8f: {  	_ = 	snop  }
0x90: {  	s2 =	sld [smem:$0x3FD0];
	(tm) =	ssettm $0x1  }
0x91: {  	s18 =	sld [smem:$0x3FFB];
	_ =	sdelay $0x3  }
0x92: {  	_ =	strace s18  }
0x93: {  	s3 =	sld [smem:$0x3FFC];
	_ =	sdelay $0x3  }
0x94: {  	_ =	strace s3  }
0x95: {  	s3 =	sld [smem:$0x3FFD];
	_ =	sdelay $0x3  }
0x96: {  	_ =	strace s3  }
0x97: {  	_ =	strace $0x8FFFFFFF  }
0x98: {  	s19 =	sld [smem:$0x3FDB];
	_ =	sdelay $0x1  }
0x99: {  	s4 =	simm.s32 $_scs_section_size  }
0x9a: {  	s5 =	simm.s32 $_size__tile_overlayer_lowered;
	s6 =	simm.s32 $_tile_overlayer_lowered  }
0x9b: {  	s22 =	simm.s32 $0x1BFF;
	s21 =	sshll.u32 s6, $0x1;
	s3 =	sadd.s32 s4, s19  }
0x9c: {  	s7 =	simm.s32 $0x0;
	s20 =	sshll.u32 s5, $0x1;
	s5 =	sadd.s32 s21, s3  }
0x9d: {  	[timem:s7], [sflag:s22] =	dma.local [hbm:s5], s20  }
0x9e: {  	_ =	swait.ge [sflag:s22], s20  }
0x9f: {  	s4 =	ssub.s32 $0x0, s20;
	[sflag:s22] =	ssyncset.done $0x0  }
0xa0: {  	[sflag:s22] =	ssyncadd.s32 s4;
	_ =	sdelay $0x1  }
0xa1: {  	s23 =	simm.s32 $0x1B8B  }
0xa2: {  	_ =	swait.ge [sflag:s23], $0x1  }
0xa3: {  	[sflag:s23] =	ssyncset.done $0x0  }
0xa4: {  	s25 =	simm.s32 $0x1B8E;
	s24 =	sld [smem:$0x3FFE];
	[sflag:s23] =	ssyncadd.s32 $0xFFFFFFFF  }
0xa5: {  	s26 =	simm.s32 $execute0_lowered;
	[smem:$0x3FD2] =	sst s25  }
0xa6: {  	s5 =	sshll.u32 s26, $0x1;
	_ =	strace $0x8000004C;
	[dreg:$0x1] =	wrdreg $0xFFFFFFFF  }
0xa7: {  	s28 =	simm.s32 $_size_execute0_lowered;
	s3 =	sadd.s32 s3, s5;
	[dreg:$0x0] =	wrdreg $0x0  }
0xa8: {  	s5 =	sshll.u32 s28, $0x1;
	[dreg:$0x2] =	wrdreg s3  }
0xa9: {  	[dreg:$0x3] =	wrdreg s5  }
0xaa: {  	[dreg:$0x4] =	wrdreg $0xC0  }
0xab: {  	_ =	task [dreg:s7], $0x5FFFF  }
0xac: {  	[dreg:$0x1] =	wrdreg $0xFFFFFFFF  }
0xad: {  	[dreg:$0x0] =	wrdreg $0x60  }
0xae: {  	[dreg:$0x2] =	wrdreg s2  }
0xaf: {  	[dreg:$0x3] =	wrdreg s24  }
0xb0: {  	[dreg:$0x4] =	wrdreg $0x0  }
0xb1: {  	[dreg:$0x5] =	wrdreg $0x9  }
0xb2: {  	_ =	task.clear_ibuf [dreg:s7], $0x6FFFF;
	_ =	strace $0x9000004C  }
0xb3: {  	s29 =	simm.s32 $0x9;
	_ =	strace $0x8000004E  }
0xb4: {  	_ =	swait.ge [sflag:s29], $0x1  }
0xb5: {  	[sflag:s29] =	ssyncadd.s32 $0xFFFFFFFF  }
0xb6: {  	_ =	strace $0x9000004E  }
0xb7: {  	_ =	sfence  }
0xb8: {  	s30 =	sld [smem:$0x0];
	_ =	sdelay $0x2  }
0xb9: {  	s31 =	sshll.u32 s1, $0xD;
	s1 =	sshrl.u32 s1, $0x2  }
0xba: {  	s3 =	sand.u32 $0x4000, s31;
	s1 =	sadd.s32 s1, s30  }
0xbb: {  	s0 =	sor.u32 s3, s0;
	s1 =	sshll.u32 s1, $0x11  }
0xbc: {  	s0 =	sor.u32 s1, s0  }
0xbd: {  	s0 =	sadd.s32 $0x8F2B, s0  }
0xbe: {  	[sflag:s0] =	ssyncadd.remote.s32 $0x1  }
0xbf: {  	_ =	sfence.sel $0xFFFF  }
0xc0: {  	[dreg:$0x0] =	wrdreg $0xFFFFFFFF;
	(pc) =	sbr.abs _section_cstart, $3  }
0xc1: {  	[dreg:$0x1] =	wrdreg $0xFFFFFFFF  }
0xc2: {  	_ =	task.clear_ibuf [dreg:s7], $0x2FFFF;
	_ =	strace $0x9FFFFFFF  }
0xc3: {  	(tm) =	ssettm $0x7FFFFFFF  }
tec
execute0_lowered:
.L_overlay_start_1:
0x0: {  	(tag) =	ssettag $0x1  }
0x1: {  	s1 =	rddreg [dreg:$0x0]  }
0x2: {  	s0 =	rddreg [dreg:$0x1]  }
0x3: {  	s2 =	rddreg [dreg:$0x2]  }
0x4: {  	s4 =	simm.s32 $0x0;
	s3 =	srdreg.scid;
	s13 =	stileid.u32  }
0x5: {  	s28 =	simm.s32 $0x2;
	s29 =	simm.s32 $0x17E00;
	s30 =	simm.s32 $0x3  }
0x6: {  	s31 =	simm.s32 $0x1BA00;
	[smem:$0x7FF] =	sst s4;
	s3 =	sand.u32 $0x1, s3  }
0x7: {  	s5 =	smul.u32 $0x4F000, s13;
	s6 =	sadd.s32 $0x4600, s0;
	s8 =	sadd.s32 $0xE400, s0  }
0x8: {  	s9 =	sadd.s32 $0x18200, s0;
	s17 =	smul.u32 $0x13C00, s13;
	s0 =	sadd.s32 $0x1AA00, s0  }
0x9: {  	s11 =	smul.u32 $0x4EC0, s13;
	s19 =	sshll.u32 s13, $0x6;
	p0 =	seq.s32 s13, $0xF  }
0xa: {  	_ =	strace $0x8000004D;
	s7 =	smul.u32 $0x138800, s3;
	[dreg:$0x10] =	wrdreg s9  }
0xb: {  	s10 =	ssub.s32 $0x2, s3;
	s3 =	smul.u32 $0x2760, s3;
	s14 =	sor.u32 $0x1C0A, s19  }
0xc: {  	s9 =	simm.s32 $0x5;
	s12 =	sshrl.u32 s10, $0x1;
	s5 =	sshrl.u32 s5, $0x2  }
0xd: {  	[dreg:$0x12] =	wrdreg s14;
	s10 =	ssub.s32 s10, s12;
	s12 =	sadd.s32 s5, s2  }
0xe: {  	s18 =	sadd.s32 s17, s7;
	s3 =	sadd.s32 s3, s11;
	s7 =	sshrl.u32 s7, $0x3  }
0xf: {  	s5 =	sshrl.u32 s18, $0x3;
	s20 =	sshrl.u32 s3, $0x3;
	s11 =	sadd.s32 $0x258, s3  }
0x10: {  	s24 =	sadd.s32 $0x1E0, s3;
	[dreg:$0x11] =	wrdreg s12;
	s5 =	sadd.s32 s0, s5  }
0x11: {  	s15 =	sadd.s32 $0x168, s3;
	s21 =	sadd.s32 s20, s8;
	[dreg:$0x13] =	wrdreg s5  }
0x12: {  	s22 =	sshrl.u32 s11, $0x3;
	[dreg:$0x4] =	wrdreg s21;
	s5 =	sadd.s32 s20, s6  }
0x13: {  	s19 =	sadd.s32 $0xF0, s3;
	s23 =	sadd.s32 s22, s8;
	[dreg:$0x5] =	wrdreg s5  }
0x14: {  	s26 =	sshrl.u32 s24, $0x3;
	s25 =	sadd.s32 s22, s6;
	[dreg:$0x6] =	wrdreg s23  }
0x15: {  	s3 =	sadd.s32 $0x78, s3;
	s11 =	sadd.s32 s26, s8;
	[dreg:$0x7] =	wrdreg s25  }
0x16: {  	s17 =	sshrl.u32 s15, $0x3;
	s16 =	sadd.s32 s26, s6;
	[dreg:$0x8] =	wrdreg s11  }
0x17: {  	s3 =	sshrl.u32 s3, $0x3;
	s18 =	sadd.s32 s17, s8;
	[dreg:$0x9] =	wrdreg s16  }
0x18: {  	s0 =	sadd.s32 s0, s7;
	s20 =	sadd.s32 s17, s6;
	[dreg:$0xa] =	wrdreg s18  }
0x19: {  	s21 =	sshrl.u32 s19, $0x3;
	s0 =	sadd.s32 $0x25080, s0;
	[dreg:$0xb] =	wrdreg s20  }
0x1a: {  	s24 =	sadd.s32 s3, s8;
	s26 =	smax.u32 s10, $0x1;
	[dreg:$0x14] =	wrdreg s0  }
0x1b: {  	s10 =	simm.s32 $0x6;
	s22 =	sadd.s32 s21, s8;
	[dreg:$0xe] =	wrdreg s24  }
0x1c: {  	s23 =	sadd.s32 s21, s6;
	s25 =	sadd.s32 s3, s6;
	[dreg:$0x15] =	wrdreg s26  }
0x1d: {  	s24 =	simm.s32 $0x1;
	s0 =	simm.s32 $0x7;
	s3 =	simm.s32 $0x8  }
0x1e: {  	s5 =	simm.s32 $0x9;
	s8 =	simm.s32 $0x4;
	[dreg:$0xc] =	wrdreg s22  }
0x1f: {  	s11 =	simm.s32 $0x0;
	s26 =	simm.s32 $0x14100;
	[dreg:$0xd] =	wrdreg s23  }
0x20: {  	[dreg:$0xf] =	wrdreg s25;
	s25 =	simm.s32 $0x78;
	s23 =	simm.s32 $0x13E00  }
.LBB2_1:
0x21: {  	[dreg:$0x16] =	wrdreg s11  }
0x22: {  	s6 =	sshrl.u32 s12, $0x3;
	s7 =	rddreg [dreg:$0x10];
	s17 =	simm.s32 $0xA  }
0x23: {  	[spmem:s6], [sflag:s14] =	dma.local [hbm:s7], $0x2780  }
0x24: {  	_ =	swait.ge [sflag:s17], $0x2780  }
0x25: {  	[sflag:s17] =	ssyncset.done $0x0  }
0x26: {  	[sflag:s17] =	ssyncadd.s32 $0xFFFFD880  }
0x27: {  	[bflag:$0x0] =	sbarrier.arrive $0xFFFF  }
0x28: {  	s18 =	rddreg [dreg:$0x5]  }
0x29: {  	s12 =	simm.s32 $0x13C00;
	s19 =	rddreg [dreg:$0x4];
	s6 =	sadd.s32 $0x0, s18  }
0x2a: {  	[tilespmem:s12], [sflag:$0x1] =	stream.linear.gather [hbm4b:s6+s4], $0x78, $0x38;
	[tilespmem:$0x1F600] =	vst v63  }
0x2b: {  	s13 =	simm.s32 $0x13F00;
	s20 =	rddreg [dreg:$0xf];
	s21 =	sadd.s32 $0x0, s19  }
0x2c: {  	[tilespmem:s13], [sflag:$0x1] =	stream.linear.gather [hbm4b:s21+s4], $0x78, $0x38;
	[tilespmem:$0x1F600] =	vst v63  }
0x2d: {  	s14 =	simm.s32 $0x13C80;
	s22 =	rddreg [dreg:$0xe];
	s15 =	sadd.s32 $0x0, s20  }
0x2e: {  	[tilespmem:s14], [sflag:$0x2] =	stream.linear.gather [hbm4b:s15+s4], $0x78, $0x38;
	[tilespmem:$0x1F600] =	vst v63  }
0x2f: {  	s16 =	rddreg [dreg:$0xd];
	s17 =	sadd.s32 $0x0, s22;
	s15 =	simm.s32 $0x13F80  }
0x30: {  	[tilespmem:s15], [sflag:$0x2] =	stream.linear.gather [hbm4b:s17+s4], $0x78, $0x38;
	[tilespmem:$0x1F600] =	vst v63  }
0x31: {  	s18 =	rddreg [dreg:$0xc];
	s19 =	sadd.s32 $0x0, s16;
	s16 =	simm.s32 $0x13D00  }
0x32: {  	[tilespmem:s16], [sflag:$0x3] =	stream.linear.gather [hbm4b:s19+s4], $0x78, $0x38;
	[tilespmem:$0x1F600] =	vst v63  }
0x33: {  	s20 =	rddreg [dreg:$0xb];
	s21 =	sadd.s32 $0x0, s18;
	s17 =	simm.s32 $0x14000  }
0x34: {  	[tilespmem:s17], [sflag:$0x3] =	stream.linear.gather [hbm4b:s21+s4], $0x78, $0x38;
	[tilespmem:$0x1F600] =	vst v63  }
0x35: {  	s22 =	rddreg [dreg:$0xa];
	s18 =	simm.s32 $0x13D80;
	s19 =	sadd.s32 $0x0, s20  }
0x36: {  	[tilespmem:s18], [sflag:$0x4] =	stream.linear.gather [hbm4b:s19+s4], $0x78, $0x38;
	[tilespmem:$0x1F600] =	vst v63  }
0x37: {  	s20 =	rddreg [dreg:$0x9];
	s21 =	sadd.s32 $0x0, s22;
	s19 =	simm.s32 $0x14080  }
0x38: {  	[tilespmem:s19], [sflag:$0x4] =	stream.linear.gather [hbm4b:s21+s4], $0x78, $0x38;
	[tilespmem:$0x1F600] =	vst v63  }
0x39: {  	s22 =	rddreg [dreg:$0x8];
	s21 =	sadd.s32 $0x0, s20;
	s20 =	simm.s32 $0x13E00  }
0x3a: {  	[tilespmem:s20], [sflag:$0x5] =	stream.linear.gather [hbm4b:s21+s4], $0x78, $0x38;
	[tilespmem:$0x1F600] =	vst v63  }
0x3b: {  	s11 =	rddreg [dreg:$0x7];
	s22 =	sadd.s32 $0x0, s22;
	s21 =	simm.s32 $0x14100  }
0x3c: {  	[tilespmem:s21], [sflag:$0x5] =	stream.linear.gather [hbm4b:s22+s4], $0x78, $0x38;
	[tilespmem:$0x1F600] =	vst v63  }
0x3d: {  	s7 =	rddreg [dreg:$0x6];
	s22 =	sadd.s32 $0x0, s11;
	s11 =	simm.s32 $0x13E80  }
0x3e: {  	[tilespmem:s11], [sflag:$0x6] =	stream.linear.gather [hbm4b:s22+s4], $0x78, $0x38;
	[tilespmem:$0x1F600] =	vst v63  }
0x3f: {  	s22 =	sadd.s32 $0x0, s7;
	s7 =	simm.s32 $0x14180  }
0x40: {  	[tilespmem:s7], [sflag:$0x6] =	stream.linear.gather [hbm4b:s22+s4], $0x78, $0x38;
	[tilespmem:$0x1F600] =	vst v63  }
0x41: {  	_ =	swait.ge [sflag:s24], $0x78  }
0x42: {  	[sflag:s24] =	ssyncset.done $0x0  }
0x43: {  	[sflag:s24] =	ssyncadd.s32 $0xFFFFFF88  }
0x44: {  	_ =	swait.ge [sflag:s24], $0x78  }
0x45: {  	[sflag:s24] =	ssyncset.done $0x0  }
0x46: {  	s22 =	simm.s32 $0x14200;
	[sflag:s24] =	ssyncadd.s32 $0xFFFFFF88  }
0x47: {  	[tilespmem:s22], [sflag:$0x7] =	stream.indirect.gather [hbm4b:s1+s25], $0x80, s12, s25, $0xb8;
	[tilespmem:$0x1F600] =	vst v63  }
0x48: {  	_ =	swait.ge [sflag:s28], $0x78  }
0x49: {  	[sflag:s28] =	ssyncset.done $0x0  }
0x4a: {  	[sflag:s28] =	ssyncadd.s32 $0xFFFFFF88  }
0x4b: {  	_ =	swait.ge [sflag:s28], $0x78  }
0x4c: {  	[sflag:s28] =	ssyncset.done $0x0  }
0x4d: {  	[sflag:s28] =	ssyncadd.s32 $0xFFFFFF88  }
0x4e: {  	[tilespmem:s29], [sflag:$0x8] =	stream.indirect.gather [hbm4b:s1+s25], $0x80, s14, s25, $0xb8;
	[tilespmem:$0x1F600] =	vst v63  }
0x4f: {  	_ =	swait.ge [sflag:s30], $0x78  }
0x50: {  	[sflag:s30] =	ssyncset.done $0x0  }
0x51: {  	[sflag:s30] =	ssyncadd.s32 $0xFFFFFF88  }
0x52: {  	_ =	swait.ge [sflag:s30], $0x78  }
0x53: {  	[sflag:s30] =	ssyncset.done $0x0  }
0x54: {  	[sflag:s30] =	ssyncadd.s32 $0xFFFFFF88  }
0x55: {  	[tilespmem:s31], [sflag:$0x9] =	stream.indirect.gather [hbm4b:s1+s25], $0x80, s16, s25, $0xb8;
	[tilespmem:$0x1F600] =	vst v63  }
0x56: {  	_ =	swait.ge [sflag:s0], $0x3C00  }
0x57: {  	[sflag:s0] =	ssyncset.done $0x0  }
0x58: {  	[sflag:s0] =	ssyncadd.s32 $0xFFFFC400  }
0x59: {  	[spmem:s2] =	stream.indirect.scatter.add.f32 [tilespmem:s22], [sflag:$0x7], $0x80, s13, s25, $0xb8;
	[tilespmem:$0x1F600] =	vst v63  }
0x5a: {  	_ =	swait.ge [sflag:s3], $0x3C00  }
0x5b: {  	[sflag:s3] =	ssyncset.done $0x0  }
0x5c: {  	[sflag:s3] =	ssyncadd.s32 $0xFFFFC400  }
0x5d: {  	[spmem:s2] =	stream.indirect.scatter.add.f32 [tilespmem:s29], [sflag:$0x8], $0x80, s15, s25, $0xb8;
	[tilespmem:$0x1F600] =	vst v63  }
0x5e: {  	_ =	swait.ge [sflag:s5], $0x3C00  }
0x5f: {  	[sflag:s5] =	ssyncset.done $0x0  }
0x60: {  	[sflag:s5] =	ssyncadd.s32 $0xFFFFC400  }
0x61: {  	[spmem:s2] =	stream.indirect.scatter.add.f32 [tilespmem:s31], [sflag:$0x9], $0x80, s17, s25, $0xb8;
	[tilespmem:$0x1F600] =	vst v63  }
0x62: {  	_ =	swait.ge [sflag:s0], $0x3C00  }
0x63: {  	[sflag:s0] =	ssyncset.done $0x0  }
0x64: {  	[sflag:s0] =	ssyncadd.s32 $0xFFFFC400  }
0x65: {  	_ =	swait.ge [sflag:s8], $0x78  }
0x66: {  	[sflag:s8] =	ssyncset.done $0x0  }
0x67: {  	[sflag:s8] =	ssyncadd.s32 $0xFFFFFF88  }
0x68: {  	_ =	swait.ge [sflag:s8], $0x78  }
0x69: {  	[sflag:s8] =	ssyncset.done $0x0  }
0x6a: {  	[sflag:s8] =	ssyncadd.s32 $0xFFFFFF88  }
0x6b: {  	[tilespmem:s22], [sflag:$0x7] =	stream.indirect.gather [hbm4b:s1+s25], $0x80, s18, s25, $0xb8;
	[tilespmem:$0x1F600] =	vst v63  }
0x6c: {  	_ =	swait.ge [sflag:s3], $0x3C00  }
0x6d: {  	[sflag:s3] =	ssyncset.done $0x0  }
0x6e: {  	[sflag:s3] =	ssyncadd.s32 $0xFFFFC400  }
0x6f: {  	_ =	swait.ge [sflag:s9], $0x78  }
0x70: {  	[sflag:s9] =	ssyncset.done $0x0  }
0x71: {  	[sflag:s9] =	ssyncadd.s32 $0xFFFFFF88  }
0x72: {  	_ =	swait.ge [sflag:s9], $0x78  }
0x73: {  	[sflag:s9] =	ssyncset.done $0x0  }
0x74: {  	[sflag:s9] =	ssyncadd.s32 $0xFFFFFF88  }
0x75: {  	[tilespmem:s29], [sflag:$0x8] =	stream.indirect.gather [hbm4b:s1+s25], $0x80, s20, s25, $0xb8;
	[tilespmem:$0x1F600] =	vst v63  }
0x76: {  	_ =	swait.ge [sflag:s5], $0x3C00  }
0x77: {  	[sflag:s5] =	ssyncset.done $0x0  }
0x78: {  	[sflag:s5] =	ssyncadd.s32 $0xFFFFC400  }
0x79: {  	_ =	swait.ge [sflag:s10], $0x78  }
0x7a: {  	[sflag:s10] =	ssyncset.done $0x0  }
0x7b: {  	[sflag:s10] =	ssyncadd.s32 $0xFFFFFF88  }
0x7c: {  	_ =	swait.ge [sflag:s10], $0x78  }
0x7d: {  	[sflag:s10] =	ssyncset.done $0x0  }
0x7e: {  	[sflag:s10] =	ssyncadd.s32 $0xFFFFFF88  }
0x7f: {  	[tilespmem:s31], [sflag:$0x9] =	stream.indirect.gather [hbm4b:s1+s25], $0x80, s11, s25, $0xb8;
	[tilespmem:$0x1F600] =	vst v63  }
0x80: {  	_ =	swait.ge [sflag:s0], $0x3C00  }
0x81: {  	[sflag:s0] =	ssyncset.done $0x0  }
0x82: {  	[sflag:s0] =	ssyncadd.s32 $0xFFFFC400  }
0x83: {  	[spmem:s2] =	stream.indirect.scatter.add.f32 [tilespmem:s22], [sflag:$0x7], $0x80, s19, s25, $0xb8;
	[tilespmem:$0x1F600] =	vst v63  }
0x84: {  	_ =	swait.ge [sflag:s3], $0x3C00  }
0x85: {  	[sflag:s3] =	ssyncset.done $0x0  }
0x86: {  	[sflag:s3] =	ssyncadd.s32 $0xFFFFC400  }
0x87: {  	[spmem:s2] =	stream.indirect.scatter.add.f32 [tilespmem:s29], [sflag:$0x8], $0x80, s21, s25, $0xb8;
	[tilespmem:$0x1F600] =	vst v63  }
0x88: {  	_ =	swait.ge [sflag:s5], $0x3C00  }
0x89: {  	[sflag:s5] =	ssyncset.done $0x0  }
0x8a: {  	[sflag:s5] =	ssyncadd.s32 $0xFFFFC400  }
0x8b: {  	[spmem:s2] =	stream.indirect.scatter.add.f32 [tilespmem:s31], [sflag:$0x9], $0x80, s7, s25, $0xb8;
	[tilespmem:$0x1F600] =	vst v63  }
0x8c: {  	_ =	swait.ge [sflag:s0], $0x3C00  }
0x8d: {  	[sflag:s0] =	ssyncset.done $0x0  }
0x8e: {  	[sflag:s0] =	ssyncadd.s32 $0xFFFFC400  }
0x8f: {  	_ =	swait.ge [sflag:s3], $0x3C00  }
0x90: {  	[sflag:s3] =	ssyncset.done $0x0  }
0x91: {  	[sflag:s3] =	ssyncadd.s32 $0xFFFFC400  }
0x92: {  	s6 =	simm.s32 $0x5A;
	_ =	swait.ge [sflag:s5], $0x3C00  }
0x93: {  	s7 =	simm.s32 $0xB4;
	s11 =	rddreg [dreg:$0x5];
	[sflag:s5] =	ssyncset.done $0x0  }
.LBB2_2:
0x94: {  	[sflag:s5] =	ssyncadd.s32 $0xFFFFC400  }
0x95: {  	s13 =	rddreg [dreg:$0x4];
	s11 =	sadd.s32 s6, s11;
	s15 =	simm.s32 $0x13C00  }
0x96: {  	[tilespmem:s15], [sflag:$0x1] =	stream.linear.gather [hbm4b:s11+s4], $0x78, $0x38;
	[tilespmem:$0x1F600] =	vst v63  }
0x97: {  	s14 =	rddreg [dreg:$0xf];
	s16 =	simm.s32 $0x13F00;
	s19 =	sadd.s32 s6, s13  }
0x98: {  	[tilespmem:s16], [sflag:$0x1] =	stream.linear.gather [hbm4b:s19+s4], $0x78, $0x38;
	[tilespmem:$0x1F600] =	vst v63  }
0x99: {  	s20 =	rddreg [dreg:$0xe];
	s17 =	simm.s32 $0x13C80;
	s21 =	sadd.s32 s6, s14  }
0x9a: {  	[tilespmem:s17], [sflag:$0x2] =	stream.linear.gather [hbm4b:s21+s4], $0x78, $0x38;
	[tilespmem:$0x1F600] =	vst v63  }
0x9b: {  	s22 =	rddreg [dreg:$0xd];
	s18 =	simm.s32 $0x13F80;
	s19 =	sadd.s32 s6, s20  }
0x9c: {  	[tilespmem:s18], [sflag:$0x2] =	stream.linear.gather [hbm4b:s19+s4], $0x78, $0x38;
	[tilespmem:$0x1F600] =	vst v63  }
0x9d: {  	s20 =	rddreg [dreg:$0xc];
	s21 =	sadd.s32 s6, s22;
	s19 =	simm.s32 $0x13D00  }
0x9e: {  	[tilespmem:s19], [sflag:$0x3] =	stream.linear.gather [hbm4b:s21+s4], $0x78, $0x38;
	[tilespmem:$0x1F600] =	vst v63  }
0x9f: {  	s22 =	rddreg [dreg:$0xb];
	s21 =	sadd.s32 s6, s20;
	s20 =	simm.s32 $0x14000  }
0xa0: {  	[tilespmem:s20], [sflag:$0x3] =	stream.linear.gather [hbm4b:s21+s4], $0x78, $0x38;
	[tilespmem:$0x1F600] =	vst v63  }
0xa1: {  	s13 =	rddreg [dreg:$0xa];
	s22 =	sadd.s32 s6, s22;
	s21 =	simm.s32 $0x13D80  }
0xa2: {  	[tilespmem:s21], [sflag:$0x4] =	stream.linear.gather [hbm4b:s22+s4], $0x78, $0x38;
	[tilespmem:$0x1F600] =	vst v63  }
0xa3: {  	s14 =	rddreg [dreg:$0x9];
	s11 =	sadd.s32 s6, s13;
	s22 =	simm.s32 $0x14080  }
0xa4: {  	[tilespmem:s22], [sflag:$0x4] =	stream.linear.gather [hbm4b:s11+s4], $0x78, $0x38;
	[tilespmem:$0x1F600] =	vst v63  }
0xa5: {  	s13 =	rddreg [dreg:$0x8];
	s11 =	sadd.s32 s6, s14  }
0xa6: {  	[tilespmem:s23], [sflag:$0x5] =	stream.linear.gather [hbm4b:s11+s4], $0x78, $0x38;
	[tilespmem:$0x1F600] =	vst v63  }
0xa7: {  	s12 =	smov.u32 s7;
	s14 =	rddreg [dreg:$0x7];
	s11 =	sadd.s32 s6, s13  }
0xa8: {  	[tilespmem:s26], [sflag:$0x5] =	stream.linear.gather [hbm4b:s11+s4], $0x78, $0x38;
	[tilespmem:$0x1F600] =	vst v63  }
0xa9: {  	s13 =	rddreg [dreg:$0x6];
	s11 =	sadd.s32 s6, s14;
	s14 =	simm.s32 $0x13E80  }
0xaa: {  	[tilespmem:s14], [sflag:$0x6] =	stream.linear.gather [hbm4b:s11+s4], $0x78, $0x38;
	[tilespmem:$0x1F600] =	vst v63  }
0xab: {  	s13 =	sadd.s32 s6, s13;
	s6 =	smov.u32 s12;
	s12 =	simm.s32 $0x14180  }
0xac: {  	[tilespmem:s12], [sflag:$0x6] =	stream.linear.gather [hbm4b:s13+s4], $0x78, $0x38;
	[tilespmem:$0x1F600] =	vst v63  }
0xad: {  	_ =	swait.ge [sflag:s24], $0x78  }
0xae: {  	[sflag:s24] =	ssyncset.done $0x0  }
0xaf: {  	[sflag:s24] =	ssyncadd.s32 $0xFFFFFF88  }
0xb0: {  	_ =	swait.ge [sflag:s24], $0x78  }
0xb1: {  	[sflag:s24] =	ssyncset.done $0x0  }
0xb2: {  	s13 =	simm.s32 $0x14200;
	[sflag:s24] =	ssyncadd.s32 $0xFFFFFF88  }
0xb3: {  	[tilespmem:s13], [sflag:$0x7] =	stream.indirect.gather [hbm4b:s1+s25], $0x80, s15, s25, $0xb8;
	[tilespmem:$0x1F600] =	vst v63  }
0xb4: {  	_ =	swait.ge [sflag:s28], $0x78  }
0xb5: {  	[sflag:s28] =	ssyncset.done $0x0  }
0xb6: {  	[sflag:s28] =	ssyncadd.s32 $0xFFFFFF88  }
0xb7: {  	_ =	swait.ge [sflag:s28], $0x78  }
0xb8: {  	[sflag:s28] =	ssyncset.done $0x0  }
0xb9: {  	[sflag:s28] =	ssyncadd.s32 $0xFFFFFF88  }
0xba: {  	[tilespmem:s29], [sflag:$0x8] =	stream.indirect.gather [hbm4b:s1+s25], $0x80, s17, s25, $0xb8;
	[tilespmem:$0x1F600] =	vst v63  }
0xbb: {  	_ =	swait.ge [sflag:s30], $0x78  }
0xbc: {  	[sflag:s30] =	ssyncset.done $0x0  }
0xbd: {  	[sflag:s30] =	ssyncadd.s32 $0xFFFFFF88  }
0xbe: {  	_ =	swait.ge [sflag:s30], $0x78  }
0xbf: {  	[sflag:s30] =	ssyncset.done $0x0  }
0xc0: {  	[sflag:s30] =	ssyncadd.s32 $0xFFFFFF88  }
0xc1: {  	[tilespmem:s31], [sflag:$0x9] =	stream.indirect.gather [hbm4b:s1+s25], $0x80, s19, s25, $0xb8;
	[tilespmem:$0x1F600] =	vst v63  }
0xc2: {  	_ =	swait.ge [sflag:s0], $0x3C00  }
0xc3: {  	[sflag:s0] =	ssyncset.done $0x0  }
0xc4: {  	[sflag:s0] =	ssyncadd.s32 $0xFFFFC400  }
0xc5: {  	[spmem:s2] =	stream.indirect.scatter.add.f32 [tilespmem:s13], [sflag:$0x7], $0x80, s16, s25, $0xb8;
	[tilespmem:$0x1F600] =	vst v63  }
0xc6: {  	_ =	swait.ge [sflag:s3], $0x3C00  }
0xc7: {  	[sflag:s3] =	ssyncset.done $0x0  }
0xc8: {  	[sflag:s3] =	ssyncadd.s32 $0xFFFFC400  }
0xc9: {  	[spmem:s2] =	stream.indirect.scatter.add.f32 [tilespmem:s29], [sflag:$0x8], $0x80, s18, s25, $0xb8;
	[tilespmem:$0x1F600] =	vst v63  }
0xca: {  	_ =	swait.ge [sflag:s5], $0x3C00  }
0xcb: {  	[sflag:s5] =	ssyncset.done $0x0  }
0xcc: {  	[sflag:s5] =	ssyncadd.s32 $0xFFFFC400  }
0xcd: {  	[spmem:s2] =	stream.indirect.scatter.add.f32 [tilespmem:s31], [sflag:$0x9], $0x80, s20, s25, $0xb8;
	[tilespmem:$0x1F600] =	vst v63  }
0xce: {  	_ =	swait.ge [sflag:s0], $0x3C00  }
0xcf: {  	[sflag:s0] =	ssyncset.done $0x0  }
0xd0: {  	[sflag:s0] =	ssyncadd.s32 $0xFFFFC400  }
0xd1: {  	_ =	swait.ge [sflag:s8], $0x78  }
0xd2: {  	[sflag:s8] =	ssyncset.done $0x0  }
0xd3: {  	[sflag:s8] =	ssyncadd.s32 $0xFFFFFF88  }
0xd4: {  	_ =	swait.ge [sflag:s8], $0x78  }
0xd5: {  	[sflag:s8] =	ssyncset.done $0x0  }
0xd6: {  	[sflag:s8] =	ssyncadd.s32 $0xFFFFFF88  }
0xd7: {  	[tilespmem:s13], [sflag:$0x7] =	stream.indirect.gather [hbm4b:s1+s25], $0x80, s21, s25, $0xb8;
	[tilespmem:$0x1F600] =	vst v63  }
0xd8: {  	_ =	swait.ge [sflag:s3], $0x3C00  }
0xd9: {  	[sflag:s3] =	ssyncset.done $0x0  }
0xda: {  	[sflag:s3] =	ssyncadd.s32 $0xFFFFC400  }
0xdb: {  	_ =	swait.ge [sflag:s9], $0x78  }
0xdc: {  	[sflag:s9] =	ssyncset.done $0x0  }
0xdd: {  	[sflag:s9] =	ssyncadd.s32 $0xFFFFFF88  }
0xde: {  	_ =	swait.ge [sflag:s9], $0x78  }
0xdf: {  	[sflag:s9] =	ssyncset.done $0x0  }
0xe0: {  	[sflag:s9] =	ssyncadd.s32 $0xFFFFFF88  }
0xe1: {  	[tilespmem:s29], [sflag:$0x8] =	stream.indirect.gather [hbm4b:s1+s25], $0x80, s23, s25, $0xb8;
	[tilespmem:$0x1F600] =	vst v63  }
0xe2: {  	_ =	swait.ge [sflag:s5], $0x3C00  }
0xe3: {  	[sflag:s5] =	ssyncset.done $0x0  }
0xe4: {  	[sflag:s5] =	ssyncadd.s32 $0xFFFFC400  }
0xe5: {  	_ =	swait.ge [sflag:s10], $0x78  }
0xe6: {  	[sflag:s10] =	ssyncset.done $0x0  }
0xe7: {  	[sflag:s10] =	ssyncadd.s32 $0xFFFFFF88  }
0xe8: {  	_ =	swait.ge [sflag:s10], $0x78  }
0xe9: {  	[sflag:s10] =	ssyncset.done $0x0  }
0xea: {  	[sflag:s10] =	ssyncadd.s32 $0xFFFFFF88  }
0xeb: {  	[tilespmem:s31], [sflag:$0x9] =	stream.indirect.gather [hbm4b:s1+s25], $0x80, s14, s25, $0xb8;
	[tilespmem:$0x1F600] =	vst v63  }
0xec: {  	_ =	swait.ge [sflag:s0], $0x3C00  }
0xed: {  	[sflag:s0] =	ssyncset.done $0x0  }
0xee: {  	[sflag:s0] =	ssyncadd.s32 $0xFFFFC400  }
0xef: {  	[spmem:s2] =	stream.indirect.scatter.add.f32 [tilespmem:s13], [sflag:$0x7], $0x80, s22, s25, $0xb8;
	[tilespmem:$0x1F600] =	vst v63  }
0xf0: {  	_ =	swait.ge [sflag:s3], $0x3C00  }
0xf1: {  	[sflag:s3] =	ssyncset.done $0x0  }
0xf2: {  	[sflag:s3] =	ssyncadd.s32 $0xFFFFC400  }
0xf3: {  	[spmem:s2] =	stream.indirect.scatter.add.f32 [tilespmem:s29], [sflag:$0x8], $0x80, s26, s25, $0xb8;
	[tilespmem:$0x1F600] =	vst v63  }
0xf4: {  	_ =	swait.ge [sflag:s5], $0x3C00  }
0xf5: {  	[sflag:s5] =	ssyncset.done $0x0  }
0xf6: {  	[sflag:s5] =	ssyncadd.s32 $0xFFFFC400  }
0xf7: {  	[spmem:s2] =	stream.indirect.scatter.add.f32 [tilespmem:s31], [sflag:$0x9], $0x80, s12, s25, $0xb8;
	[tilespmem:$0x1F600] =	vst v63  }
0xf8: {  	_ =	swait.ge [sflag:s0], $0x3C00  }
0xf9: {  	[sflag:s0] =	ssyncset.done $0x0  }
0xfa: {  	p1 =	sne.s32 s7, $0x492;
	[sflag:s0] =	ssyncadd.s32 $0xFFFFC400  }
.Ltmp0:
0xfb: {  	_ =	swait.ge [sflag:s3], $0x3C00;
	(pc) =	sbr.rel @p1 .LBB2_2-.Ltmp0, $4  }
0xfc: {  	[sflag:s3] =	ssyncset.done $0x0  }
0xfd: {  	[sflag:s3] =	ssyncadd.s32 $0xFFFFC400  }
0xfe: {  	_ =	swait.ge [sflag:s5], $0x3C00  }
0xff: {  	s7 =	sadd.s32 $0x5A, s7;
	s11 =	rddreg [dreg:$0x5];
	[sflag:s5] =	ssyncset.done $0x0  }
0x100: {  	s7 =	rddreg [dreg:$0x4]  }
0x101: {  	[sflag:s5] =	ssyncadd.s32 $0xFFFFC400;
	s11 =	sadd.s32 s6, s11;
	s12 =	simm.s32 $0x13C00  }
0x102: {  	[tilespmem:s12], [sflag:$0x1] =	stream.linear.gather [hbm4b:s11+s4], $0x78, $0x38;
	[tilespmem:$0x1F600] =	vst v63  }
0x103: {  	s14 =	rddreg [dreg:$0xf];
	s13 =	simm.s32 $0x13F00;
	s7 =	sadd.s32 s6, s7  }
0x104: {  	[tilespmem:s13], [sflag:$0x1] =	stream.linear.gather [hbm4b:s7+s4], $0x78, $0x38;
	[tilespmem:$0x1F600] =	vst v63  }
0x105: {  	s15 =	rddreg [dreg:$0xe];
	s11 =	sadd.s32 s6, s14;
	s14 =	simm.s32 $0x13C80  }
0x106: {  	[tilespmem:s14], [sflag:$0x2] =	stream.linear.gather [hbm4b:s11+s4], $0x78, $0x38;
	[tilespmem:$0x1F600] =	vst v63  }
0x107: {  	s16 =	rddreg [dreg:$0xd];
	s7 =	sadd.s32 s6, s15;
	s15 =	simm.s32 $0x13F80  }
0x108: {  	[tilespmem:s15], [sflag:$0x2] =	stream.linear.gather [hbm4b:s7+s4], $0x78, $0x38;
	[tilespmem:$0x1F600] =	vst v63  }
0x109: {  	s17 =	rddreg [dreg:$0xc];
	s11 =	sadd.s32 s6, s16;
	s16 =	simm.s32 $0x13D00  }
0x10a: {  	[tilespmem:s16], [sflag:$0x3] =	stream.linear.gather [hbm4b:s11+s4], $0x78, $0x38;
	[tilespmem:$0x1F600] =	vst v63  }
0x10b: {  	s18 =	rddreg [dreg:$0xb];
	s7 =	sadd.s32 s6, s17;
	s17 =	simm.s32 $0x14000  }
0x10c: {  	[tilespmem:s17], [sflag:$0x3] =	stream.linear.gather [hbm4b:s7+s4], $0x78, $0x38;
	[tilespmem:$0x1F600] =	vst v63  }
0x10d: {  	s19 =	rddreg [dreg:$0xa];
	s11 =	sadd.s32 s6, s18;
	s18 =	simm.s32 $0x13D80  }
0x10e: {  	[tilespmem:s18], [sflag:$0x4] =	stream.linear.gather [hbm4b:s11+s4], $0x78, $0x38;
	[tilespmem:$0x1F600] =	vst v63  }
0x10f: {  	s20 =	rddreg [dreg:$0x9];
	s7 =	sadd.s32 s6, s19;
	s19 =	simm.s32 $0x14080  }
0x110: {  	[tilespmem:s19], [sflag:$0x4] =	stream.linear.gather [hbm4b:s7+s4], $0x78, $0x38;
	[tilespmem:$0x1F600] =	vst v63  }
0x111: {  	s21 =	rddreg [dreg:$0x8];
	s11 =	sadd.s32 s6, s20;
	s20 =	simm.s32 $0x13E00  }
0x112: {  	[tilespmem:s20], [sflag:$0x5] =	stream.linear.gather [hbm4b:s11+s4], $0x78, $0x38;
	[tilespmem:$0x1F600] =	vst v63  }
0x113: {  	s22 =	rddreg [dreg:$0x7];
	s7 =	sadd.s32 s6, s21;
	s21 =	simm.s32 $0x14100  }
0x114: {  	[tilespmem:s21], [sflag:$0x5] =	stream.linear.gather [hbm4b:s7+s4], $0x78, $0x38;
	[tilespmem:$0x1F600] =	vst v63  }
0x115: {  	s11 =	sadd.s32 s6, s22;
	s22 =	simm.s32 $0x13E80;
	s7 =	rddreg [dreg:$0x6]  }
0x116: {  	[tilespmem:s22], [sflag:$0x6] =	stream.linear.gather [hbm4b:s11+s4], $0x78, $0x38;
	[tilespmem:$0x1F600] =	vst v63  }
0x117: {  	s11 =	sadd.s32 s6, s7;
	s7 =	simm.s32 $0x14180  }
0x118: {  	[tilespmem:s7], [sflag:$0x6] =	stream.linear.gather [hbm4b:s11+s4], $0x78, $0x38;
	[tilespmem:$0x1F600] =	vst v63  }
0x119: {  	_ =	swait.ge [sflag:s24], $0x78  }
0x11a: {  	[sflag:s24] =	ssyncset.done $0x0  }
0x11b: {  	[sflag:s24] =	ssyncadd.s32 $0xFFFFFF88  }
0x11c: {  	_ =	swait.ge [sflag:s24], $0x78  }
0x11d: {  	[sflag:s24] =	ssyncset.done $0x0  }
0x11e: {  	s11 =	simm.s32 $0x14200;
	[sflag:s24] =	ssyncadd.s32 $0xFFFFFF88  }
0x11f: {  	[tilespmem:s11], [sflag:$0x7] =	stream.indirect.gather [hbm4b:s1+s25], $0x80, s12, s25, $0xb8;
	[tilespmem:$0x1F600] =	vst v63  }
0x120: {  	_ =	swait.ge [sflag:s28], $0x78  }
0x121: {  	[sflag:s28] =	ssyncset.done $0x0  }
0x122: {  	[sflag:s28] =	ssyncadd.s32 $0xFFFFFF88  }
0x123: {  	_ =	swait.ge [sflag:s28], $0x78  }
0x124: {  	[sflag:s28] =	ssyncset.done $0x0  }
0x125: {  	[sflag:s28] =	ssyncadd.s32 $0xFFFFFF88  }
0x126: {  	[tilespmem:s29], [sflag:$0x8] =	stream.indirect.gather [hbm4b:s1+s25], $0x80, s14, s25, $0xb8;
	[tilespmem:$0x1F600] =	vst v63  }
0x127: {  	_ =	swait.ge [sflag:s30], $0x78  }
0x128: {  	[sflag:s30] =	ssyncset.done $0x0  }
0x129: {  	[sflag:s30] =	ssyncadd.s32 $0xFFFFFF88  }
0x12a: {  	_ =	swait.ge [sflag:s30], $0x78  }
0x12b: {  	[sflag:s30] =	ssyncset.done $0x0  }
0x12c: {  	[sflag:s30] =	ssyncadd.s32 $0xFFFFFF88  }
0x12d: {  	[tilespmem:s31], [sflag:$0x9] =	stream.indirect.gather [hbm4b:s1+s25], $0x80, s16, s25, $0xb8;
	[tilespmem:$0x1F600] =	vst v63  }
0x12e: {  	_ =	swait.ge [sflag:s0], $0x3C00  }
0x12f: {  	[sflag:s0] =	ssyncset.done $0x0  }
0x130: {  	[sflag:s0] =	ssyncadd.s32 $0xFFFFC400  }
0x131: {  	[spmem:s2] =	stream.indirect.scatter.add.f32 [tilespmem:s11], [sflag:$0x7], $0x80, s13, s25, $0xb8;
	[tilespmem:$0x1F600] =	vst v63  }
0x132: {  	_ =	swait.ge [sflag:s3], $0x3C00  }
0x133: {  	[sflag:s3] =	ssyncset.done $0x0  }
0x134: {  	[sflag:s3] =	ssyncadd.s32 $0xFFFFC400  }
0x135: {  	[spmem:s2] =	stream.indirect.scatter.add.f32 [tilespmem:s29], [sflag:$0x8], $0x80, s15, s25, $0xb8;
	[tilespmem:$0x1F600] =	vst v63  }
0x136: {  	_ =	swait.ge [sflag:s5], $0x3C00  }
0x137: {  	[sflag:s5] =	ssyncset.done $0x0  }
0x138: {  	[sflag:s5] =	ssyncadd.s32 $0xFFFFC400  }
0x139: {  	[spmem:s2] =	stream.indirect.scatter.add.f32 [tilespmem:s31], [sflag:$0x9], $0x80, s17, s25, $0xb8;
	[tilespmem:$0x1F600] =	vst v63  }
0x13a: {  	_ =	swait.ge [sflag:s0], $0x3C00  }
0x13b: {  	[sflag:s0] =	ssyncset.done $0x0  }
0x13c: {  	[sflag:s0] =	ssyncadd.s32 $0xFFFFC400  }
0x13d: {  	_ =	swait.ge [sflag:s8], $0x78  }
0x13e: {  	[sflag:s8] =	ssyncset.done $0x0  }
0x13f: {  	[sflag:s8] =	ssyncadd.s32 $0xFFFFFF88  }
0x140: {  	_ =	swait.ge [sflag:s8], $0x78  }
0x141: {  	[sflag:s8] =	ssyncset.done $0x0  }
0x142: {  	[sflag:s8] =	ssyncadd.s32 $0xFFFFFF88  }
0x143: {  	[tilespmem:s11], [sflag:$0x7] =	stream.indirect.gather [hbm4b:s1+s25], $0x80, s18, s25, $0xb8;
	[tilespmem:$0x1F600] =	vst v63  }
0x144: {  	_ =	swait.ge [sflag:s3], $0x3C00  }
0x145: {  	[sflag:s3] =	ssyncset.done $0x0  }
0x146: {  	[sflag:s3] =	ssyncadd.s32 $0xFFFFC400  }
0x147: {  	_ =	swait.ge [sflag:s9], $0x78  }
0x148: {  	[sflag:s9] =	ssyncset.done $0x0  }
0x149: {  	[sflag:s9] =	ssyncadd.s32 $0xFFFFFF88  }
0x14a: {  	_ =	swait.ge [sflag:s9], $0x78  }
0x14b: {  	[sflag:s9] =	ssyncset.done $0x0  }
0x14c: {  	[sflag:s9] =	ssyncadd.s32 $0xFFFFFF88  }
0x14d: {  	[tilespmem:s29], [sflag:$0x8] =	stream.indirect.gather [hbm4b:s1+s25], $0x80, s20, s25, $0xb8;
	[tilespmem:$0x1F600] =	vst v63  }
0x14e: {  	_ =	swait.ge [sflag:s5], $0x3C00  }
0x14f: {  	[sflag:s5] =	ssyncset.done $0x0  }
0x150: {  	[sflag:s5] =	ssyncadd.s32 $0xFFFFC400  }
0x151: {  	_ =	swait.ge [sflag:s10], $0x78  }
0x152: {  	[sflag:s10] =	ssyncset.done $0x0  }
0x153: {  	[sflag:s10] =	ssyncadd.s32 $0xFFFFFF88  }
0x154: {  	_ =	swait.ge [sflag:s10], $0x78  }
0x155: {  	[sflag:s10] =	ssyncset.done $0x0  }
0x156: {  	[sflag:s10] =	ssyncadd.s32 $0xFFFFFF88  }
0x157: {  	[tilespmem:s31], [sflag:$0x9] =	stream.indirect.gather [hbm4b:s1+s25], $0x80, s22, s25, $0xb8;
	[tilespmem:$0x1F600] =	vst v63  }
0x158: {  	_ =	swait.ge [sflag:s0], $0x3C00  }
0x159: {  	[sflag:s0] =	ssyncset.done $0x0  }
0x15a: {  	[sflag:s0] =	ssyncadd.s32 $0xFFFFC400  }
0x15b: {  	[spmem:s2] =	stream.indirect.scatter.add.f32 [tilespmem:s11], [sflag:$0x7], $0x80, s19, s25, $0xb8;
	[tilespmem:$0x1F600] =	vst v63  }
0x15c: {  	_ =	swait.ge [sflag:s3], $0x3C00  }
0x15d: {  	[sflag:s3] =	ssyncset.done $0x0  }
0x15e: {  	[sflag:s3] =	ssyncadd.s32 $0xFFFFC400  }
0x15f: {  	[spmem:s2] =	stream.indirect.scatter.add.f32 [tilespmem:s29], [sflag:$0x8], $0x80, s21, s25, $0xb8;
	[tilespmem:$0x1F600] =	vst v63  }
0x160: {  	_ =	swait.ge [sflag:s5], $0x3C00  }
0x161: {  	[sflag:s5] =	ssyncset.done $0x0  }
0x162: {  	[sflag:s5] =	ssyncadd.s32 $0xFFFFC400  }
0x163: {  	[spmem:s2] =	stream.indirect.scatter.add.f32 [tilespmem:s31], [sflag:$0x9], $0x80, s7, s25, $0xb8;
	[tilespmem:$0x1F600] =	vst v63  }
0x164: {  	_ =	swait.ge [sflag:s0], $0x3C00  }
0x165: {  	[sflag:s0] =	ssyncset.done $0x0  }
0x166: {  	[sflag:s0] =	ssyncadd.s32 $0xFFFFC400  }
0x167: {  	_ =	swait.ge [sflag:s3], $0x3C00  }
0x168: {  	[sflag:s3] =	ssyncset.done $0x0  }
0x169: {  	[sflag:s3] =	ssyncadd.s32 $0xFFFFC400  }
0x16a: {  	_ =	swait.ge [sflag:s5], $0x3C00  }
0x16b: {  	[sflag:s5] =	ssyncset.done $0x0  }
0x16c: {  	[sflag:s5] =	ssyncadd.s32 $0xFFFFC400  }
0x16d: {  	[bflag:$0x0] =	sbarrier.arrive $0xFFFF  }
0x16e: {  	s12 =	rddreg [dreg:$0x11]  }
0x16f: {  	s14 =	rddreg [dreg:$0x12]  }
0x170: {  	s7 =	rddreg [dreg:$0x14];
	s6 =	sshrl.u32 @p0 s12, $0x3  }
0x171: {  	[hbm:s7], [sflag:s14] =	dma.local @p0 [spmem:s6], $0x2080  }
0x172: {  	s6 =	simm.s32 @p0 $0xA  }
0x173: {  	_ =	swait.ge @p0 [sflag:s6], $0x2080  }
0x174: {  	[sflag:s6] =	ssyncset.done @p0 $0x0  }
0x175: {  	s7 =	rddreg [dreg:$0x13];
	[sflag:s6] =	ssyncadd.s32 @p0 $0xFFFFDF80;
	s6 =	sshrl.u32 @!p0 s12, $0x3  }
0x176: {  	[hbm:s7], [sflag:s14] =	dma.local @!p0 [spmem:s6], $0x2780  }
0x177: {  	s6 =	simm.s32 @!p0 $0xA  }
0x178: {  	_ =	swait.ge @!p0 [sflag:s6], $0x2780  }
0x179: {  	s21 =	rddreg [dreg:$0x16]  }
0x17a: {  	s22 =	rddreg [dreg:$0x15];
	s11 =	sadd.s32 $0x1, s21  }
0x17b: {  	p1 =	sne.s32 s11, s22  }
.Ltmp1:
0x17c: {  	_ = 	snop;
	(pc) =	sbr.rel @p1 .LBB2_1-.Ltmp1, $3  }
0x17d: {  	_ =	sdelay $0x1  }
0x17e: {  	[sflag:s6] =	ssyncset.done @!p0 $0x0  }
0x17f: {  	[sflag:s6] =	ssyncadd.s32 @!p0 $0xFFFFD880  }
0x180: {  	_ =	sfence.sel $0x180000  }
0x181: {  	[bflag:$0x0] =	sbarrier.arrive $0xFFFF  }
0x182: {  	_ =	strace $0x9000004D  }
0x183: {  	s0 =	stileid.u32;
	[bflag:$0x2] =	sbarrier.arrive $0xFFFF  }
0x184: {  	p0 =	sne.s32 s0, $0x0;
	s0 =	rddreg [dreg:$0x3]  }
0x185: {  	s0 =	sadd.s32 @!p0 $0x100000, s0  }
0x186: {  	[sflag:s0] =	ssyncadd.tile.s32 @!p0 $0x1;
	_ =	shalt  }
.Lfunc_end2:
_tile_overlayer_lowered:
.L_overlay_start_2:
0x187: {  	(tag) =	ssettag $0x2  }
0x188: {  	s0 =	rddreg [dreg:$0x0];
	s2 =	stileid.u32  }
0x189: {  	s1 =	rddreg [dreg:$0x1];
	p0 =	sne.s32 s2, $0x0  }
0x18a: {  	s3 =	rddreg [dreg:$0x2];
	[bflag:$0x3] =	sbarrier.arrive $0xFFFF;
	s2 =	simm.s32 @!p0 $0x1C0A  }
0x18b: {  	[timem:s3], [sflag:s2] =	dma.local @!p0 [hbm:s0], s1  }
0x18c: {  	s0 =	simm.s32 @!p0 $0xA  }
0x18d: {  	_ =	swait.ge @!p0 [sflag:s0], s1  }
0x18e: {  	s1 =	ssub.s32 @!p0 $0x0, s1;
	[sflag:s0] =	ssyncset.done @!p0 $0x0  }
0x18f: {  	[sflag:s0] =	ssyncadd.s32 @!p0 s1  }
0x190: {  	[bflag:$0x3] =	sbarrier.arrive $0xFFFF  }
0x191: {  	_ =	shalt  }

// kernel: kernel.8.cloned.1.call-start
scs
__scs_entry_jumppad:
0x0: {  	(pc) =	sbr.rel $0x88, $3  }
0x1: {  	(tag) =	ssettag $0x0;
	lr =	simm.s32 $0x1  }
0x2: {  	[smem:$0x3F8A] =	sst lr;
	_ =	strace $0xD0000000  }
0x3: {  	_ = 	snop  }
0x4: {  	_ = 	snop  }
0x5: {  	_ = 	snop  }
0x6: {  	_ = 	snop  }
0x7: {  	_ = 	snop  }
__scs_overlays_trampoline_lowered:
0x8: {  	[smem:$0x3F99] =	sst s0  }
0x9: {  	[smem:$0x3F9A] =	sst s1  }
0xa: {  	[smem:$0x3F9B] =	sst s2  }
0xb: {  	[smem:$0x3F9C] =	sst s3  }
0xc: {  	[smem:$0x3F9D] =	sst s4  }
0xd: {  	[smem:$0x3F9E] =	sst s5  }
0xe: {  	[smem:$0x3F9F] =	sst s6  }
0xf: {  	[smem:$0x3FA0] =	sst s7  }
0x10: {  	[smem:$0x3FA1] =	sst s8  }
0x11: {  	[smem:$0x3FA2] =	sst s9;
	s0 =	simm.s32 @!p0 $0x0  }
0x12: {  	s1 =	sld [smem:$0x3F88];
	s0 =	simm.s32 @p0 $0x1  }
0x13: {  	[smem:$0x3FA3] =	sst s0;
	s0 =	simm.s32 @!p1 $0x0  }
0x14: {  	s2 =	sld [smem:$0x3F87];
	s0 =	simm.s32 @p1 $0x1  }
0x15: {  	[smem:$0x3FA4] =	sst s0;
	s0 =	simm.s32 @!p2 $0x0  }
0x16: {  	s3 =	sld [smem:$0x3FDB];
	s0 =	simm.s32 @p2 $0x1  }
0x17: {  	s4 =	simm.s32 $0x1BF5;
	[smem:$0x3FA6] =	sst s0  }
0x18: {  	s0 =	sld [smem:$0x3F89];
	_ =	swait.ge [sflag:s4], $0x0  }
0x19: {  	s7 =	sld [smem:$0x3F8A]  }
0x1a: {  	s8 =	sadd.s32 $0xFFFFE003, lr  }
0x1b: {  	s9 =	sadd.s32 $0xFFFFFEF7, lr;
	s5 =	simm.s32 $0xFFFFFFFF;
	p2 =	slt.u32 s8, $0xFFFFF086  }
0x1c: {  	p1 =	slt.u32 s9, $0xF7A;
	s5 =	simm.s32 @!p2 $0x0  }
0x1d: {  	s5 =	simm.s32 @p1 $0x1;
	p0 =	seq.s32 s7, s2  }
0x1e: {  	s7 =	smul.u32 @!p0 $0xF7A, s2;
	p2 =	seq.s32 @!p0 s5, $0x0  }
0x1f: {  	s9 =	smul.u32 $0xF7A, s1;
	s8 =	simm.s32 @!p0 $0x1BF5;
	p2 =	por !p2, p0  }
0x20: {  	[sflag:s8] =	ssyncset.s32 @!p0 $0xFFFFF086;
	s6 =	sadd.s32 @!p0 s3, s7;
	s7 =	simm.s32 @!p0 $0x108  }
0x21: {  	s3 =	sadd.s32 s3, s9;
	s6 =	sadd.s32 @!p0 $0x88, s6;
	s7 =	simm.s32 @p2 $0x1082  }
0x22: {  	[simem:s7], [sflag:s8] =	dma.local @!p0 [hbm:s6], $0xF7A  }
0x23: {  	s9 =	sor.u32 $0xD0000000, s2;
	s6 =	simm.s32 $0x108;
	_ =	swait.ge @!p0 [sflag:s8], $0x0  }
0x24: {  	s3 =	sadd.s32 $0x88, s3;
	s6 =	simm.s32 @!p1 $0x1082;
	[sflag:s4] =	ssyncset.s32 $0xFFFFF086  }
0x25: {  	[simem:s6], [sflag:s4] =	dma.local [hbm:s3], $0xF7A  }
0x26: {  	[smem:$0x3F8A] =	sst s1;
	(tag) =	ssettag s2;
	_ =	strace s9  }
0x27: {  	s1 =	sld [smem:$0x3F9A]  }
0x28: {  	s2 =	sld [smem:$0x3F9B]  }
0x29: {  	s4 =	sld [smem:$0x3F9D]  }
0x2a: {  	p0 =	seq.s32 s5, $0x0;
	s5 =	sld [smem:$0x3F9E]  }
0x2b: {  	s6 =	sld [smem:$0x3F9F]  }
0x2c: {  	s7 =	sld [smem:$0x3FA0]  }
0x2d: {  	s3 =	simm.s32 $0x108;
	s8 =	sld [smem:$0x3FA1]  }
0x2e: {  	s3 =	simm.s32 @!p0 $0x1082;
	s9 =	sld [smem:$0x3FA2]  }
0x2f: {  	lr =	sadd.s32 s0, s3;
	s0 =	sld [smem:$0x3F99]  }
0x30: {  	s3 =	sld [smem:$0x3F9C]  }
0x31: {  	[smem:$0x3FA5] =	sst s10  }
0x32: {  	s10 =	sld [smem:$0x3FA3];
	_ =	sdelay $0x3  }
0x33: {  	p0 =	seq.s32 s10, $0x1;
	s10 =	sld [smem:$0x3FA5];
	_ =	sdelay $0x3  }
0x34: {  	[smem:$0x3FA5] =	sst s10  }
0x35: {  	s10 =	sld [smem:$0x3FA4];
	_ =	sdelay $0x3  }
0x36: {  	p1 =	seq.s32 s10, $0x1;
	s10 =	sld [smem:$0x3FA5];
	_ =	sdelay $0x3  }
0x37: {  	[smem:$0x3FA5] =	sst s10  }
0x38: {  	s10 =	sld [smem:$0x3FA6]  }
0x39: {  	_ = 	snop;
	(pc) =	sbr.ind lr, $3  }
0x3a: {  	_ = 	snop  }
0x3b: {  	_ = 	snop  }
0x3c: {  	p2 =	seq.s32 s10, $0x1;
	s10 =	sld [smem:$0x3FA5]  }
0x3d: {  	_ =	shalt  }
0x3e: {  	_ =	shalt  }
0x3f: {  	_ =	shalt  }
0x40: {  	_ =	shalt  }
0x41: {  	_ =	shalt  }
0x42: {  	_ =	shalt  }
0x43: {  	_ =	shalt  }
0x44: {  	_ =	shalt  }
0x45: {  	_ =	shalt  }
0x46: {  	_ =	shalt  }
0x47: {  	_ =	shalt  }
0x48: {  	_ =	shalt  }
0x49: {  	_ =	shalt  }
0x4a: {  	_ =	shalt  }
0x4b: {  	_ =	shalt  }
0x4c: {  	_ =	shalt  }
0x4d: {  	_ =	shalt  }
0x4e: {  	_ =	shalt  }
0x4f: {  	_ =	shalt  }
0x50: {  	_ =	shalt  }
0x51: {  	_ =	shalt  }
0x52: {  	_ =	shalt  }
0x53: {  	_ =	shalt  }
0x54: {  	_ =	shalt  }
0x55: {  	_ =	shalt  }
0x56: {  	_ =	shalt  }
0x57: {  	_ =	shalt  }
0x58: {  	_ =	shalt  }
0x59: {  	_ =	shalt  }
0x5a: {  	_ =	shalt  }
0x5b: {  	_ =	shalt  }
0x5c: {  	_ =	shalt  }
0x5d: {  	_ =	shalt  }
0x5e: {  	_ =	shalt  }
0x5f: {  	_ =	shalt  }
0x60: {  	_ =	shalt  }
0x61: {  	_ =	shalt  }
0x62: {  	_ =	shalt  }
0x63: {  	_ =	shalt  }
0x64: {  	_ =	shalt  }
0x65: {  	_ =	shalt  }
0x66: {  	_ =	shalt  }
0x67: {  	_ =	shalt  }
0x68: {  	_ =	shalt  }
0x69: {  	_ =	shalt  }
0x6a: {  	_ =	shalt  }
0x6b: {  	_ =	shalt  }
0x6c: {  	_ =	shalt  }
0x6d: {  	_ =	shalt  }
0x6e: {  	_ =	shalt  }
0x6f: {  	_ =	shalt  }
0x70: {  	_ =	shalt  }
0x71: {  	_ =	shalt  }
0x72: {  	_ =	shalt  }
0x73: {  	_ =	shalt  }
0x74: {  	_ =	shalt  }
0x75: {  	_ =	shalt  }
0x76: {  	_ =	shalt  }
0x77: {  	_ =	shalt  }
0x78: {  	_ =	shalt  }
0x79: {  	_ =	shalt  }
0x7a: {  	_ =	shalt  }
0x7b: {  	_ =	shalt  }
0x7c: {  	_ =	shalt  }
0x7d: {  	_ =	shalt  }
0x7e: {  	_ =	shalt  }
0x7f: {  	_ =	shalt  }
0x80: {  	_ =	shalt  }
0x81: {  	_ =	shalt  }
0x82: {  	_ =	shalt  }
0x83: {  	_ =	shalt  }
0x84: {  	_ =	shalt  }
0x85: {  	_ =	shalt  }
0x86: {  	_ =	shalt  }
0x87: {  	_ =	shalt  }
.Lfunc_end0:
.L_simem_size_0:
called_computation_lowered:
.L_overlay_start_0:
0x88: {  	s2 =	sld [smem:$0x3FD9]  }
0x89: {  	s3 =	sld [smem:$0x3FFE];
	_ =	sdelay $0x1  }
0x8a: {  	s1 =	srdreg.scid  }
0x8b: {  	s0 =	sand.u32 $0x1, s1  }
0x8c: {  	s17 =	sshll.u32 s0, $0xA;
	s2 =	sadd.s32 s3, s2  }
0x8d: {  	s2 =	sadd.s32 s2, s17  }
0x8e: {  	[smem:$0x3FB1] =	sst s2  }
0x8f: {  	_ = 	snop  }
0x90: {  	s2 =	sld [smem:$0x3FC9];
	(tm) =	ssettm $0x1  }
0x91: {  	s18 =	sld [smem:$0x3FFB];
	_ =	sdelay $0x3  }
0x92: {  	_ =	strace s18  }
0x93: {  	s3 =	sld [smem:$0x3FFC];
	_ =	sdelay $0x3  }
0x94: {  	_ =	strace s3  }
0x95: {  	s3 =	sld [smem:$0x3FFD];
	_ =	sdelay $0x3  }
0x96: {  	_ =	strace s3  }
0x97: {  	_ =	strace $0x8FFFFFFF  }
0x98: {  	s19 =	sld [smem:$0x3FDB];
	_ =	sdelay $0x1  }
0x99: {  	s4 =	simm.s32 $_scs_section_size  }
0x9a: {  	s5 =	simm.s32 $_size__tile_overlayer_lowered;
	s6 =	simm.s32 $_tile_overlayer_lowered  }
0x9b: {  	s22 =	simm.s32 $0x1BFF;
	s21 =	sshll.u32 s6, $0x1;
	s3 =	sadd.s32 s4, s19  }
0x9c: {  	s7 =	simm.s32 $0x0;
	s20 =	sshll.u32 s5, $0x1;
	s5 =	sadd.s32 s21, s3  }
0x9d: {  	[timem:s7], [sflag:s22] =	dma.local [hbm:s5], s20  }
0x9e: {  	_ =	swait.ge [sflag:s22], s20  }
0x9f: {  	s4 =	ssub.s32 $0x0, s20;
	[sflag:s22] =	ssyncset.done $0x0  }
0xa0: {  	[sflag:s22] =	ssyncadd.s32 s4;
	_ =	sdelay $0x1  }
0xa1: {  	s23 =	simm.s32 $0x1B8B  }
0xa2: {  	_ =	swait.ge [sflag:s23], $0x1  }
0xa3: {  	[sflag:s23] =	ssyncset.done $0x0  }
0xa4: {  	s25 =	simm.s32 $0x1B8E;
	s24 =	sld [smem:$0x3FFE];
	[sflag:s23] =	ssyncadd.s32 $0xFFFFFFFF  }
0xa5: {  	s26 =	simm.s32 $execute0_lowered;
	[smem:$0x3FD2] =	sst s25  }
0xa6: {  	s5 =	sshll.u32 s26, $0x1;
	_ =	strace $0x80000046;
	[dreg:$0x1] =	wrdreg $0xFFFFFFFF  }
0xa7: {  	s28 =	simm.s32 $_size_execute0_lowered;
	s3 =	sadd.s32 s3, s5;
	[dreg:$0x0] =	wrdreg $0x0  }
0xa8: {  	s5 =	sshll.u32 s28, $0x1;
	[dreg:$0x2] =	wrdreg s3  }
0xa9: {  	[dreg:$0x3] =	wrdreg s5  }
0xaa: {  	[dreg:$0x4] =	wrdreg $0xC0  }
0xab: {  	_ =	task [dreg:s7], $0x5FFFF  }
0xac: {  	[dreg:$0x1] =	wrdreg $0xFFFFFFFF  }
0xad: {  	[dreg:$0x0] =	wrdreg $0x60  }
0xae: {  	[dreg:$0x2] =	wrdreg s2  }
0xaf: {  	[dreg:$0x3] =	wrdreg s24  }
0xb0: {  	[dreg:$0x4] =	wrdreg $0x0  }
0xb1: {  	[dreg:$0x5] =	wrdreg $0x9  }
0xb2: {  	_ =	task.clear_ibuf [dreg:s7], $0x6FFFF;
	_ =	strace $0x90000046  }
0xb3: {  	s29 =	simm.s32 $0x9;
	_ =	strace $0x80000048  }
0xb4: {  	_ =	swait.ge [sflag:s29], $0x1  }
0xb5: {  	[sflag:s29] =	ssyncadd.s32 $0xFFFFFFFF  }
0xb6: {  	_ =	strace $0x90000048  }
0xb7: {  	_ =	sfence  }
0xb8: {  	s30 =	sld [smem:$0x0];
	_ =	sdelay $0x2  }
0xb9: {  	s31 =	sshll.u32 s1, $0xD;
	s1 =	sshrl.u32 s1, $0x2  }
0xba: {  	s3 =	sand.u32 $0x4000, s31;
	s1 =	sadd.s32 s1, s30  }
0xbb: {  	s0 =	sor.u32 s3, s0;
	s1 =	sshll.u32 s1, $0x11  }
0xbc: {  	s0 =	sor.u32 s1, s0  }
0xbd: {  	s0 =	sadd.s32 $0x8F2B, s0  }
0xbe: {  	[sflag:s0] =	ssyncadd.remote.s32 $0x1  }
0xbf: {  	_ =	sfence.sel $0xFFFF  }
0xc0: {  	[dreg:$0x0] =	wrdreg $0xFFFFFFFF;
	(pc) =	sbr.abs _section_cstart, $3  }
0xc1: {  	[dreg:$0x1] =	wrdreg $0xFFFFFFFF  }
0xc2: {  	_ =	task.clear_ibuf [dreg:s7], $0x2FFFF;
	_ =	strace $0x9FFFFFFF  }
0xc3: {  	(tm) =	ssettm $0x7FFFFFFF  }
tec
execute0_lowered:
.L_overlay_start_1:
0x0: {  	(tag) =	ssettag $0x1  }
0x1: {  	s1 =	rddreg [dreg:$0x0]  }
0x2: {  	s0 =	rddreg [dreg:$0x1]  }
0x3: {  	s2 =	rddreg [dreg:$0x2]  }
0x4: {  	s4 =	simm.s32 $0x0;
	s3 =	srdreg.scid;
	s13 =	stileid.u32  }
0x5: {  	s28 =	simm.s32 $0x2;
	s29 =	simm.s32 $0x17E00;
	s30 =	simm.s32 $0x3  }
0x6: {  	s31 =	simm.s32 $0x1BA00;
	[smem:$0x7FF] =	sst s4;
	s3 =	sand.u32 $0x1, s3  }
0x7: {  	s5 =	smul.u32 $0x4F000, s13;
	s6 =	sadd.s32 $0x4600, s0;
	s8 =	sadd.s32 $0xE400, s0  }
0x8: {  	s9 =	sadd.s32 $0x18200, s0;
	s17 =	smul.u32 $0x13C00, s13;
	s0 =	sadd.s32 $0x1AA00, s0  }
0x9: {  	s11 =	smul.u32 $0x4EC0, s13;
	s19 =	sshll.u32 s13, $0x6;
	p0 =	seq.s32 s13, $0xF  }
0xa: {  	_ =	strace $0x80000047;
	s7 =	smul.u32 $0x138800, s3;
	[dreg:$0x10] =	wrdreg s9  }
0xb: {  	s10 =	ssub.s32 $0x2, s3;
	s3 =	smul.u32 $0x2760, s3;
	s14 =	sor.u32 $0x1C0A, s19  }
0xc: {  	s9 =	simm.s32 $0x5;
	s12 =	sshrl.u32 s10, $0x1;
	s5 =	sshrl.u32 s5, $0x2  }
0xd: {  	[dreg:$0x12] =	wrdreg s14;
	s10 =	ssub.s32 s10, s12;
	s12 =	sadd.s32 s5, s2  }
0xe: {  	s18 =	sadd.s32 s17, s7;
	s3 =	sadd.s32 s3, s11;
	s7 =	sshrl.u32 s7, $0x3  }
0xf: {  	s5 =	sshrl.u32 s18, $0x3;
	s20 =	sshrl.u32 s3, $0x3;
	s11 =	sadd.s32 $0x258, s3  }
0x10: {  	s24 =	sadd.s32 $0x1E0, s3;
	[dreg:$0x11] =	wrdreg s12;
	s5 =	sadd.s32 s0, s5  }
0x11: {  	s15 =	sadd.s32 $0x168, s3;
	s21 =	sadd.s32 s20, s8;
	[dreg:$0x13] =	wrdreg s5  }
0x12: {  	s22 =	sshrl.u32 s11, $0x3;
	[dreg:$0x4] =	wrdreg s21;
	s5 =	sadd.s32 s20, s6  }
0x13: {  	s19 =	sadd.s32 $0xF0, s3;
	s23 =	sadd.s32 s22, s8;
	[dreg:$0x5] =	wrdreg s5  }
0x14: {  	s26 =	sshrl.u32 s24, $0x3;
	s25 =	sadd.s32 s22, s6;
	[dreg:$0x6] =	wrdreg s23  }
0x15: {  	s3 =	sadd.s32 $0x78, s3;
	s11 =	sadd.s32 s26, s8;
	[dreg:$0x7] =	wrdreg s25  }
0x16: {  	s17 =	sshrl.u32 s15, $0x3;
	s16 =	sadd.s32 s26, s6;
	[dreg:$0x8] =	wrdreg s11  }
0x17: {  	s3 =	sshrl.u32 s3, $0x3;
	s18 =	sadd.s32 s17, s8;
	[dreg:$0x9] =	wrdreg s16  }
0x18: {  	s0 =	sadd.s32 s0, s7;
	s20 =	sadd.s32 s17, s6;
	[dreg:$0xa] =	wrdreg s18  }
0x19: {  	s21 =	sshrl.u32 s19, $0x3;
	s0 =	sadd.s32 $0x25080, s0;
	[dreg:$0xb] =	wrdreg s20  }
0x1a: {  	s24 =	sadd.s32 s3, s8;
	s26 =	smax.u32 s10, $0x1;
	[dreg:$0x14] =	wrdreg s0  }
0x1b: {  	s10 =	simm.s32 $0x6;
	s22 =	sadd.s32 s21, s8;
	[dreg:$0xe] =	wrdreg s24  }
0x1c: {  	s23 =	sadd.s32 s21, s6;
	s25 =	sadd.s32 s3, s6;
	[dreg:$0x15] =	wrdreg s26  }
0x1d: {  	s24 =	simm.s32 $0x1;
	s0 =	simm.s32 $0x7;
	s3 =	simm.s32 $0x8  }
0x1e: {  	s5 =	simm.s32 $0x9;
	s8 =	simm.s32 $0x4;
	[dreg:$0xc] =	wrdreg s22  }
0x1f: {  	s11 =	simm.s32 $0x0;
	s26 =	simm.s32 $0x14100;
	[dreg:$0xd] =	wrdreg s23  }
0x20: {  	[dreg:$0xf] =	wrdreg s25;
	s25 =	simm.s32 $0x78;
	s23 =	simm.s32 $0x13E00  }
.LBB2_1:
0x21: {  	[dreg:$0x16] =	wrdreg s11  }
0x22: {  	s6 =	sshrl.u32 s12, $0x3;
	s7 =	rddreg [dreg:$0x10];
	s17 =	simm.s32 $0xA  }
0x23: {  	[spmem:s6], [sflag:s14] =	dma.local [hbm:s7], $0x2780  }
0x24: {  	_ =	swait.ge [sflag:s17], $0x2780  }
0x25: {  	[sflag:s17] =	ssyncset.done $0x0  }
0x26: {  	[sflag:s17] =	ssyncadd.s32 $0xFFFFD880  }
0x27: {  	[bflag:$0x0] =	sbarrier.arrive $0xFFFF  }
0x28: {  	s18 =	rddreg [dreg:$0x5]  }
0x29: {  	s12 =	simm.s32 $0x13C00;
	s19 =	rddreg [dreg:$0x4];
	s6 =	sadd.s32 $0x0, s18  }
0x2a: {  	[tilespmem:s12], [sflag:$0x1] =	stream.linear.gather [hbm4b:s6+s4], $0x78, $0x38;
	[tilespmem:$0x1F600] =	vst v63  }
0x2b: {  	s13 =	simm.s32 $0x13F00;
	s20 =	rddreg [dreg:$0xf];
	s21 =	sadd.s32 $0x0, s19  }
0x2c: {  	[tilespmem:s13], [sflag:$0x1] =	stream.linear.gather [hbm4b:s21+s4], $0x78, $0x38;
	[tilespmem:$0x1F600] =	vst v63  }
0x2d: {  	s14 =	simm.s32 $0x13C80;
	s22 =	rddreg [dreg:$0xe];
	s15 =	sadd.s32 $0x0, s20  }
0x2e: {  	[tilespmem:s14], [sflag:$0x2] =	stream.linear.gather [hbm4b:s15+s4], $0x78, $0x38;
	[tilespmem:$0x1F600] =	vst v63  }
0x2f: {  	s16 =	rddreg [dreg:$0xd];
	s17 =	sadd.s32 $0x0, s22;
	s15 =	simm.s32 $0x13F80  }
0x30: {  	[tilespmem:s15], [sflag:$0x2] =	stream.linear.gather [hbm4b:s17+s4], $0x78, $0x38;
	[tilespmem:$0x1F600] =	vst v63  }
0x31: {  	s18 =	rddreg [dreg:$0xc];
	s19 =	sadd.s32 $0x0, s16;
	s16 =	simm.s32 $0x13D00  }
0x32: {  	[tilespmem:s16], [sflag:$0x3] =	stream.linear.gather [hbm4b:s19+s4], $0x78, $0x38;
	[tilespmem:$0x1F600] =	vst v63  }
0x33: {  	s20 =	rddreg [dreg:$0xb];
	s21 =	sadd.s32 $0x0, s18;
	s17 =	simm.s32 $0x14000  }
0x34: {  	[tilespmem:s17], [sflag:$0x3] =	stream.linear.gather [hbm4b:s21+s4], $0x78, $0x38;
	[tilespmem:$0x1F600] =	vst v63  }
0x35: {  	s22 =	rddreg [dreg:$0xa];
	s18 =	simm.s32 $0x13D80;
	s19 =	sadd.s32 $0x0, s20  }
0x36: {  	[tilespmem:s18], [sflag:$0x4] =	stream.linear.gather [hbm4b:s19+s4], $0x78, $0x38;
	[tilespmem:$0x1F600] =	vst v63  }
0x37: {  	s20 =	rddreg [dreg:$0x9];
	s21 =	sadd.s32 $0x0, s22;
	s19 =	simm.s32 $0x14080  }
0x38: {  	[tilespmem:s19], [sflag:$0x4] =	stream.linear.gather [hbm4b:s21+s4], $0x78, $0x38;
	[tilespmem:$0x1F600] =	vst v63  }
0x39: {  	s22 =	rddreg [dreg:$0x8];
	s21 =	sadd.s32 $0x0, s20;
	s20 =	simm.s32 $0x13E00  }
0x3a: {  	[tilespmem:s20], [sflag:$0x5] =	stream.linear.gather [hbm4b:s21+s4], $0x78, $0x38;
	[tilespmem:$0x1F600] =	vst v63  }
0x3b: {  	s11 =	rddreg [dreg:$0x7];
	s22 =	sadd.s32 $0x0, s22;
	s21 =	simm.s32 $0x14100  }
0x3c: {  	[tilespmem:s21], [sflag:$0x5] =	stream.linear.gather [hbm4b:s22+s4], $0x78, $0x38;
	[tilespmem:$0x1F600] =	vst v63  }
0x3d: {  	s7 =	rddreg [dreg:$0x6];
	s22 =	sadd.s32 $0x0, s11;
	s11 =	simm.s32 $0x13E80  }
0x3e: {  	[tilespmem:s11], [sflag:$0x6] =	stream.linear.gather [hbm4b:s22+s4], $0x78, $0x38;
	[tilespmem:$0x1F600] =	vst v63  }
0x3f: {  	s22 =	sadd.s32 $0x0, s7;
	s7 =	simm.s32 $0x14180  }
0x40: {  	[tilespmem:s7], [sflag:$0x6] =	stream.linear.gather [hbm4b:s22+s4], $0x78, $0x38;
	[tilespmem:$0x1F600] =	vst v63  }
0x41: {  	_ =	swait.ge [sflag:s24], $0x78  }
0x42: {  	[sflag:s24] =	ssyncset.done $0x0  }
0x43: {  	[sflag:s24] =	ssyncadd.s32 $0xFFFFFF88  }
0x44: {  	_ =	swait.ge [sflag:s24], $0x78  }
0x45: {  	[sflag:s24] =	ssyncset.done $0x0  }
0x46: {  	s22 =	simm.s32 $0x14200;
	[sflag:s24] =	ssyncadd.s32 $0xFFFFFF88  }
0x47: {  	[tilespmem:s22], [sflag:$0x7] =	stream.indirect.gather [hbm4b:s1+s25], $0x80, s12, s25, $0xb8;
	[tilespmem:$0x1F600] =	vst v63  }
0x48: {  	_ =	swait.ge [sflag:s28], $0x78  }
0x49: {  	[sflag:s28] =	ssyncset.done $0x0  }
0x4a: {  	[sflag:s28] =	ssyncadd.s32 $0xFFFFFF88  }
0x4b: {  	_ =	swait.ge [sflag:s28], $0x78  }
0x4c: {  	[sflag:s28] =	ssyncset.done $0x0  }
0x4d: {  	[sflag:s28] =	ssyncadd.s32 $0xFFFFFF88  }
0x4e: {  	[tilespmem:s29], [sflag:$0x8] =	stream.indirect.gather [hbm4b:s1+s25], $0x80, s14, s25, $0xb8;
	[tilespmem:$0x1F600] =	vst v63  }
0x4f: {  	_ =	swait.ge [sflag:s30], $0x78  }
0x50: {  	[sflag:s30] =	ssyncset.done $0x0  }
0x51: {  	[sflag:s30] =	ssyncadd.s32 $0xFFFFFF88  }
0x52: {  	_ =	swait.ge [sflag:s30], $0x78  }
0x53: {  	[sflag:s30] =	ssyncset.done $0x0  }
0x54: {  	[sflag:s30] =	ssyncadd.s32 $0xFFFFFF88  }
0x55: {  	[tilespmem:s31], [sflag:$0x9] =	stream.indirect.gather [hbm4b:s1+s25], $0x80, s16, s25, $0xb8;
	[tilespmem:$0x1F600] =	vst v63  }
0x56: {  	_ =	swait.ge [sflag:s0], $0x3C00  }
0x57: {  	[sflag:s0] =	ssyncset.done $0x0  }
0x58: {  	[sflag:s0] =	ssyncadd.s32 $0xFFFFC400  }
0x59: {  	[spmem:s2] =	stream.indirect.scatter.add.f32 [tilespmem:s22], [sflag:$0x7], $0x80, s13, s25, $0xb8;
	[tilespmem:$0x1F600] =	vst v63  }
0x5a: {  	_ =	swait.ge [sflag:s3], $0x3C00  }
0x5b: {  	[sflag:s3] =	ssyncset.done $0x0  }
0x5c: {  	[sflag:s3] =	ssyncadd.s32 $0xFFFFC400  }
0x5d: {  	[spmem:s2] =	stream.indirect.scatter.add.f32 [tilespmem:s29], [sflag:$0x8], $0x80, s15, s25, $0xb8;
	[tilespmem:$0x1F600] =	vst v63  }
0x5e: {  	_ =	swait.ge [sflag:s5], $0x3C00  }
0x5f: {  	[sflag:s5] =	ssyncset.done $0x0  }
0x60: {  	[sflag:s5] =	ssyncadd.s32 $0xFFFFC400  }
0x61: {  	[spmem:s2] =	stream.indirect.scatter.add.f32 [tilespmem:s31], [sflag:$0x9], $0x80, s17, s25, $0xb8;
	[tilespmem:$0x1F600] =	vst v63  }
0x62: {  	_ =	swait.ge [sflag:s0], $0x3C00  }
0x63: {  	[sflag:s0] =	ssyncset.done $0x0  }
0x64: {  	[sflag:s0] =	ssyncadd.s32 $0xFFFFC400  }
0x65: {  	_ =	swait.ge [sflag:s8], $0x78  }
0x66: {  	[sflag:s8] =	ssyncset.done $0x0  }
0x67: {  	[sflag:s8] =	ssyncadd.s32 $0xFFFFFF88  }
0x68: {  	_ =	swait.ge [sflag:s8], $0x78  }
0x69: {  	[sflag:s8] =	ssyncset.done $0x0  }
0x6a: {  	[sflag:s8] =	ssyncadd.s32 $0xFFFFFF88  }
0x6b: {  	[tilespmem:s22], [sflag:$0x7] =	stream.indirect.gather [hbm4b:s1+s25], $0x80, s18, s25, $0xb8;
	[tilespmem:$0x1F600] =	vst v63  }
0x6c: {  	_ =	swait.ge [sflag:s3], $0x3C00  }
0x6d: {  	[sflag:s3] =	ssyncset.done $0x0  }
0x6e: {  	[sflag:s3] =	ssyncadd.s32 $0xFFFFC400  }
0x6f: {  	_ =	swait.ge [sflag:s9], $0x78  }
0x70: {  	[sflag:s9] =	ssyncset.done $0x0  }
0x71: {  	[sflag:s9] =	ssyncadd.s32 $0xFFFFFF88  }
0x72: {  	_ =	swait.ge [sflag:s9], $0x78  }
0x73: {  	[sflag:s9] =	ssyncset.done $0x0  }
0x74: {  	[sflag:s9] =	ssyncadd.s32 $0xFFFFFF88  }
0x75: {  	[tilespmem:s29], [sflag:$0x8] =	stream.indirect.gather [hbm4b:s1+s25], $0x80, s20, s25, $0xb8;
	[tilespmem:$0x1F600] =	vst v63  }
0x76: {  	_ =	swait.ge [sflag:s5], $0x3C00  }
0x77: {  	[sflag:s5] =	ssyncset.done $0x0  }
0x78: {  	[sflag:s5] =	ssyncadd.s32 $0xFFFFC400  }
0x79: {  	_ =	swait.ge [sflag:s10], $0x78  }
0x7a: {  	[sflag:s10] =	ssyncset.done $0x0  }
0x7b: {  	[sflag:s10] =	ssyncadd.s32 $0xFFFFFF88  }
0x7c: {  	_ =	swait.ge [sflag:s10], $0x78  }
0x7d: {  	[sflag:s10] =	ssyncset.done $0x0  }
0x7e: {  	[sflag:s10] =	ssyncadd.s32 $0xFFFFFF88  }
0x7f: {  	[tilespmem:s31], [sflag:$0x9] =	stream.indirect.gather [hbm4b:s1+s25], $0x80, s11, s25, $0xb8;
	[tilespmem:$0x1F600] =	vst v63  }
0x80: {  	_ =	swait.ge [sflag:s0], $0x3C00  }
0x81: {  	[sflag:s0] =	ssyncset.done $0x0  }
0x82: {  	[sflag:s0] =	ssyncadd.s32 $0xFFFFC400  }
0x83: {  	[spmem:s2] =	stream.indirect.scatter.add.f32 [tilespmem:s22], [sflag:$0x7], $0x80, s19, s25, $0xb8;
	[tilespmem:$0x1F600] =	vst v63  }
0x84: {  	_ =	swait.ge [sflag:s3], $0x3C00  }
0x85: {  	[sflag:s3] =	ssyncset.done $0x0  }
0x86: {  	[sflag:s3] =	ssyncadd.s32 $0xFFFFC400  }
0x87: {  	[spmem:s2] =	stream.indirect.scatter.add.f32 [tilespmem:s29], [sflag:$0x8], $0x80, s21, s25, $0xb8;
	[tilespmem:$0x1F600] =	vst v63  }
0x88: {  	_ =	swait.ge [sflag:s5], $0x3C00  }
0x89: {  	[sflag:s5] =	ssyncset.done $0x0  }
0x8a: {  	[sflag:s5] =	ssyncadd.s32 $0xFFFFC400  }
0x8b: {  	[spmem:s2] =	stream.indirect.scatter.add.f32 [tilespmem:s31], [sflag:$0x9], $0x80, s7, s25, $0xb8;
	[tilespmem:$0x1F600] =	vst v63  }
0x8c: {  	_ =	swait.ge [sflag:s0], $0x3C00  }
0x8d: {  	[sflag:s0] =	ssyncset.done $0x0  }
0x8e: {  	[sflag:s0] =	ssyncadd.s32 $0xFFFFC400  }
0x8f: {  	_ =	swait.ge [sflag:s3], $0x3C00  }
0x90: {  	[sflag:s3] =	ssyncset.done $0x0  }
0x91: {  	[sflag:s3] =	ssyncadd.s32 $0xFFFFC400  }
0x92: {  	s6 =	simm.s32 $0x5A;
	_ =	swait.ge [sflag:s5], $0x3C00  }
0x93: {  	s7 =	simm.s32 $0xB4;
	s11 =	rddreg [dreg:$0x5];
	[sflag:s5] =	ssyncset.done $0x0  }
.LBB2_2:
0x94: {  	[sflag:s5] =	ssyncadd.s32 $0xFFFFC400  }
0x95: {  	s13 =	rddreg [dreg:$0x4];
	s11 =	sadd.s32 s6, s11;
	s15 =	simm.s32 $0x13C00  }
0x96: {  	[tilespmem:s15], [sflag:$0x1] =	stream.linear.gather [hbm4b:s11+s4], $0x78, $0x38;
	[tilespmem:$0x1F600] =	vst v63  }
0x97: {  	s14 =	rddreg [dreg:$0xf];
	s16 =	simm.s32 $0x13F00;
	s19 =	sadd.s32 s6, s13  }
0x98: {  	[tilespmem:s16], [sflag:$0x1] =	stream.linear.gather [hbm4b:s19+s4], $0x78, $0x38;
	[tilespmem:$0x1F600] =	vst v63  }
0x99: {  	s20 =	rddreg [dreg:$0xe];
	s17 =	simm.s32 $0x13C80;
	s21 =	sadd.s32 s6, s14  }
0x9a: {  	[tilespmem:s17], [sflag:$0x2] =	stream.linear.gather [hbm4b:s21+s4], $0x78, $0x38;
	[tilespmem:$0x1F600] =	vst v63  }
0x9b: {  	s22 =	rddreg [dreg:$0xd];
	s18 =	simm.s32 $0x13F80;
	s19 =	sadd.s32 s6, s20  }
0x9c: {  	[tilespmem:s18], [sflag:$0x2] =	stream.linear.gather [hbm4b:s19+s4], $0x78, $0x38;
	[tilespmem:$0x1F600] =	vst v63  }
0x9d: {  	s20 =	rddreg [dreg:$0xc];
	s21 =	sadd.s32 s6, s22;
	s19 =	simm.s32 $0x13D00  }
0x9e: {  	[tilespmem:s19], [sflag:$0x3] =	stream.linear.gather [hbm4b:s21+s4], $0x78, $0x38;
	[tilespmem:$0x1F600] =	vst v63  }
0x9f: {  	s22 =	rddreg [dreg:$0xb];
	s21 =	sadd.s32 s6, s20;
	s20 =	simm.s32 $0x14000  }
0xa0: {  	[tilespmem:s20], [sflag:$0x3] =	stream.linear.gather [hbm4b:s21+s4], $0x78, $0x38;
	[tilespmem:$0x1F600] =	vst v63  }
0xa1: {  	s13 =	rddreg [dreg:$0xa];
	s22 =	sadd.s32 s6, s22;
	s21 =	simm.s32 $0x13D80  }
0xa2: {  	[tilespmem:s21], [sflag:$0x4] =	stream.linear.gather [hbm4b:s22+s4], $0x78, $0x38;
	[tilespmem:$0x1F600] =	vst v63  }
0xa3: {  	s14 =	rddreg [dreg:$0x9];
	s11 =	sadd.s32 s6, s13;
	s22 =	simm.s32 $0x14080  }
0xa4: {  	[tilespmem:s22], [sflag:$0x4] =	stream.linear.gather [hbm4b:s11+s4], $0x78, $0x38;
	[tilespmem:$0x1F600] =	vst v63  }
0xa5: {  	s13 =	rddreg [dreg:$0x8];
	s11 =	sadd.s32 s6, s14  }
0xa6: {  	[tilespmem:s23], [sflag:$0x5] =	stream.linear.gather [hbm4b:s11+s4], $0x78, $0x38;
	[tilespmem:$0x1F600] =	vst v63  }
0xa7: {  	s12 =	smov.u32 s7;
	s14 =	rddreg [dreg:$0x7];
	s11 =	sadd.s32 s6, s13  }
0xa8: {  	[tilespmem:s26], [sflag:$0x5] =	stream.linear.gather [hbm4b:s11+s4], $0x78, $0x38;
	[tilespmem:$0x1F600] =	vst v63  }
0xa9: {  	s13 =	rddreg [dreg:$0x6];
	s11 =	sadd.s32 s6, s14;
	s14 =	simm.s32 $0x13E80  }
0xaa: {  	[tilespmem:s14], [sflag:$0x6] =	stream.linear.gather [hbm4b:s11+s4], $0x78, $0x38;
	[tilespmem:$0x1F600] =	vst v63  }
0xab: {  	s13 =	sadd.s32 s6, s13;
	s6 =	smov.u32 s12;
	s12 =	simm.s32 $0x14180  }
0xac: {  	[tilespmem:s12], [sflag:$0x6] =	stream.linear.gather [hbm4b:s13+s4], $0x78, $0x38;
	[tilespmem:$0x1F600] =	vst v63  }
0xad: {  	_ =	swait.ge [sflag:s24], $0x78  }
0xae: {  	[sflag:s24] =	ssyncset.done $0x0  }
0xaf: {  	[sflag:s24] =	ssyncadd.s32 $0xFFFFFF88  }
0xb0: {  	_ =	swait.ge [sflag:s24], $0x78  }
0xb1: {  	[sflag:s24] =	ssyncset.done $0x0  }
0xb2: {  	s13 =	simm.s32 $0x14200;
	[sflag:s24] =	ssyncadd.s32 $0xFFFFFF88  }
0xb3: {  	[tilespmem:s13], [sflag:$0x7] =	stream.indirect.gather [hbm4b:s1+s25], $0x80, s15, s25, $0xb8;
	[tilespmem:$0x1F600] =	vst v63  }
0xb4: {  	_ =	swait.ge [sflag:s28], $0x78  }
0xb5: {  	[sflag:s28] =	ssyncset.done $0x0  }
0xb6: {  	[sflag:s28] =	ssyncadd.s32 $0xFFFFFF88  }
0xb7: {  	_ =	swait.ge [sflag:s28], $0x78  }
0xb8: {  	[sflag:s28] =	ssyncset.done $0x0  }
0xb9: {  	[sflag:s28] =	ssyncadd.s32 $0xFFFFFF88  }
0xba: {  	[tilespmem:s29], [sflag:$0x8] =	stream.indirect.gather [hbm4b:s1+s25], $0x80, s17, s25, $0xb8;
	[tilespmem:$0x1F600] =	vst v63  }
0xbb: {  	_ =	swait.ge [sflag:s30], $0x78  }
0xbc: {  	[sflag:s30] =	ssyncset.done $0x0  }
0xbd: {  	[sflag:s30] =	ssyncadd.s32 $0xFFFFFF88  }
0xbe: {  	_ =	swait.ge [sflag:s30], $0x78  }
0xbf: {  	[sflag:s30] =	ssyncset.done $0x0  }
0xc0: {  	[sflag:s30] =	ssyncadd.s32 $0xFFFFFF88  }
0xc1: {  	[tilespmem:s31], [sflag:$0x9] =	stream.indirect.gather [hbm4b:s1+s25], $0x80, s19, s25, $0xb8;
	[tilespmem:$0x1F600] =	vst v63  }
0xc2: {  	_ =	swait.ge [sflag:s0], $0x3C00  }
0xc3: {  	[sflag:s0] =	ssyncset.done $0x0  }
0xc4: {  	[sflag:s0] =	ssyncadd.s32 $0xFFFFC400  }
0xc5: {  	[spmem:s2] =	stream.indirect.scatter.add.f32 [tilespmem:s13], [sflag:$0x7], $0x80, s16, s25, $0xb8;
	[tilespmem:$0x1F600] =	vst v63  }
0xc6: {  	_ =	swait.ge [sflag:s3], $0x3C00  }
0xc7: {  	[sflag:s3] =	ssyncset.done $0x0  }
0xc8: {  	[sflag:s3] =	ssyncadd.s32 $0xFFFFC400  }
0xc9: {  	[spmem:s2] =	stream.indirect.scatter.add.f32 [tilespmem:s29], [sflag:$0x8], $0x80, s18, s25, $0xb8;
	[tilespmem:$0x1F600] =	vst v63  }
0xca: {  	_ =	swait.ge [sflag:s5], $0x3C00  }
0xcb: {  	[sflag:s5] =	ssyncset.done $0x0  }
0xcc: {  	[sflag:s5] =	ssyncadd.s32 $0xFFFFC400  }
0xcd: {  	[spmem:s2] =	stream.indirect.scatter.add.f32 [tilespmem:s31], [sflag:$0x9], $0x80, s20, s25, $0xb8;
	[tilespmem:$0x1F600] =	vst v63  }
0xce: {  	_ =	swait.ge [sflag:s0], $0x3C00  }
0xcf: {  	[sflag:s0] =	ssyncset.done $0x0  }
0xd0: {  	[sflag:s0] =	ssyncadd.s32 $0xFFFFC400  }
0xd1: {  	_ =	swait.ge [sflag:s8], $0x78  }
0xd2: {  	[sflag:s8] =	ssyncset.done $0x0  }
0xd3: {  	[sflag:s8] =	ssyncadd.s32 $0xFFFFFF88  }
0xd4: {  	_ =	swait.ge [sflag:s8], $0x78  }
0xd5: {  	[sflag:s8] =	ssyncset.done $0x0  }
0xd6: {  	[sflag:s8] =	ssyncadd.s32 $0xFFFFFF88  }
0xd7: {  	[tilespmem:s13], [sflag:$0x7] =	stream.indirect.gather [hbm4b:s1+s25], $0x80, s21, s25, $0xb8;
	[tilespmem:$0x1F600] =	vst v63  }
0xd8: {  	_ =	swait.ge [sflag:s3], $0x3C00  }
0xd9: {  	[sflag:s3] =	ssyncset.done $0x0  }
0xda: {  	[sflag:s3] =	ssyncadd.s32 $0xFFFFC400  }
0xdb: {  	_ =	swait.ge [sflag:s9], $0x78  }
0xdc: {  	[sflag:s9] =	ssyncset.done $0x0  }
0xdd: {  	[sflag:s9] =	ssyncadd.s32 $0xFFFFFF88  }
0xde: {  	_ =	swait.ge [sflag:s9], $0x78  }
0xdf: {  	[sflag:s9] =	ssyncset.done $0x0  }
0xe0: {  	[sflag:s9] =	ssyncadd.s32 $0xFFFFFF88  }
0xe1: {  	[tilespmem:s29], [sflag:$0x8] =	stream.indirect.gather [hbm4b:s1+s25], $0x80, s23, s25, $0xb8;
	[tilespmem:$0x1F600] =	vst v63  }
0xe2: {  	_ =	swait.ge [sflag:s5], $0x3C00  }
0xe3: {  	[sflag:s5] =	ssyncset.done $0x0  }
0xe4: {  	[sflag:s5] =	ssyncadd.s32 $0xFFFFC400  }
0xe5: {  	_ =	swait.ge [sflag:s10], $0x78  }
0xe6: {  	[sflag:s10] =	ssyncset.done $0x0  }
0xe7: {  	[sflag:s10] =	ssyncadd.s32 $0xFFFFFF88  }
0xe8: {  	_ =	swait.ge [sflag:s10], $0x78  }
0xe9: {  	[sflag:s10] =	ssyncset.done $0x0  }
0xea: {  	[sflag:s10] =	ssyncadd.s32 $0xFFFFFF88  }
0xeb: {  	[tilespmem:s31], [sflag:$0x9] =	stream.indirect.gather [hbm4b:s1+s25], $0x80, s14, s25, $0xb8;
	[tilespmem:$0x1F600] =	vst v63  }
0xec: {  	_ =	swait.ge [sflag:s0], $0x3C00  }
0xed: {  	[sflag:s0] =	ssyncset.done $0x0  }
0xee: {  	[sflag:s0] =	ssyncadd.s32 $0xFFFFC400  }
0xef: {  	[spmem:s2] =	stream.indirect.scatter.add.f32 [tilespmem:s13], [sflag:$0x7], $0x80, s22, s25, $0xb8;
	[tilespmem:$0x1F600] =	vst v63  }
0xf0: {  	_ =	swait.ge [sflag:s3], $0x3C00  }
0xf1: {  	[sflag:s3] =	ssyncset.done $0x0  }
0xf2: {  	[sflag:s3] =	ssyncadd.s32 $0xFFFFC400  }
0xf3: {  	[spmem:s2] =	stream.indirect.scatter.add.f32 [tilespmem:s29], [sflag:$0x8], $0x80, s26, s25, $0xb8;
	[tilespmem:$0x1F600] =	vst v63  }
0xf4: {  	_ =	swait.ge [sflag:s5], $0x3C00  }
0xf5: {  	[sflag:s5] =	ssyncset.done $0x0  }
0xf6: {  	[sflag:s5] =	ssyncadd.s32 $0xFFFFC400  }
0xf7: {  	[spmem:s2] =	stream.indirect.scatter.add.f32 [tilespmem:s31], [sflag:$0x9], $0x80, s12, s25, $0xb8;
	[tilespmem:$0x1F600] =	vst v63  }
0xf8: {  	_ =	swait.ge [sflag:s0], $0x3C00  }
0xf9: {  	[sflag:s0] =	ssyncset.done $0x0  }
0xfa: {  	p1 =	sne.s32 s7, $0x492;
	[sflag:s0] =	ssyncadd.s32 $0xFFFFC400  }
.Ltmp0:
0xfb: {  	_ =	swait.ge [sflag:s3], $0x3C00;
	(pc) =	sbr.rel @p1 .LBB2_2-.Ltmp0, $4  }
0xfc: {  	[sflag:s3] =	ssyncset.done $0x0  }
0xfd: {  	[sflag:s3] =	ssyncadd.s32 $0xFFFFC400  }
0xfe: {  	_ =	swait.ge [sflag:s5], $0x3C00  }
0xff: {  	s7 =	sadd.s32 $0x5A, s7;
	s11 =	rddreg [dreg:$0x5];
	[sflag:s5] =	ssyncset.done $0x0  }
0x100: {  	s7 =	rddreg [dreg:$0x4]  }
0x101: {  	[sflag:s5] =	ssyncadd.s32 $0xFFFFC400;
	s11 =	sadd.s32 s6, s11;
	s12 =	simm.s32 $0x13C00  }
0x102: {  	[tilespmem:s12], [sflag:$0x1] =	stream.linear.gather [hbm4b:s11+s4], $0x78, $0x38;
	[tilespmem:$0x1F600] =	vst v63  }
0x103: {  	s14 =	rddreg [dreg:$0xf];
	s13 =	simm.s32 $0x13F00;
	s7 =	sadd.s32 s6, s7  }
0x104: {  	[tilespmem:s13], [sflag:$0x1] =	stream.linear.gather [hbm4b:s7+s4], $0x78, $0x38;
	[tilespmem:$0x1F600] =	vst v63  }
0x105: {  	s15 =	rddreg [dreg:$0xe];
	s11 =	sadd.s32 s6, s14;
	s14 =	simm.s32 $0x13C80  }
0x106: {  	[tilespmem:s14], [sflag:$0x2] =	stream.linear.gather [hbm4b:s11+s4], $0x78, $0x38;
	[tilespmem:$0x1F600] =	vst v63  }
0x107: {  	s16 =	rddreg [dreg:$0xd];
	s7 =	sadd.s32 s6, s15;
	s15 =	simm.s32 $0x13F80  }
0x108: {  	[tilespmem:s15], [sflag:$0x2] =	stream.linear.gather [hbm4b:s7+s4], $0x78, $0x38;
	[tilespmem:$0x1F600] =	vst v63  }
0x109: {  	s17 =	rddreg [dreg:$0xc];
	s11 =	sadd.s32 s6, s16;
	s16 =	simm.s32 $0x13D00  }
0x10a: {  	[tilespmem:s16], [sflag:$0x3] =	stream.linear.gather [hbm4b:s11+s4], $0x78, $0x38;
	[tilespmem:$0x1F600] =	vst v63  }
0x10b: {  	s18 =	rddreg [dreg:$0xb];
	s7 =	sadd.s32 s6, s17;
	s17 =	simm.s32 $0x14000  }
0x10c: {  	[tilespmem:s17], [sflag:$0x3] =	stream.linear.gather [hbm4b:s7+s4], $0x78, $0x38;
	[tilespmem:$0x1F600] =	vst v63  }
0x10d: {  	s19 =	rddreg [dreg:$0xa];
	s11 =	sadd.s32 s6, s18;
	s18 =	simm.s32 $0x13D80  }
0x10e: {  	[tilespmem:s18], [sflag:$0x4] =	stream.linear.gather [hbm4b:s11+s4], $0x78, $0x38;
	[tilespmem:$0x1F600] =	vst v63  }
0x10f: {  	s20 =	rddreg [dreg:$0x9];
	s7 =	sadd.s32 s6, s19;
	s19 =	simm.s32 $0x14080  }
0x110: {  	[tilespmem:s19], [sflag:$0x4] =	stream.linear.gather [hbm4b:s7+s4], $0x78, $0x38;
	[tilespmem:$0x1F600] =	vst v63  }
0x111: {  	s21 =	rddreg [dreg:$0x8];
	s11 =	sadd.s32 s6, s20;
	s20 =	simm.s32 $0x13E00  }
0x112: {  	[tilespmem:s20], [sflag:$0x5] =	stream.linear.gather [hbm4b:s11+s4], $0x78, $0x38;
	[tilespmem:$0x1F600] =	vst v63  }
0x113: {  	s22 =	rddreg [dreg:$0x7];
	s7 =	sadd.s32 s6, s21;
	s21 =	simm.s32 $0x14100  }
0x114: {  	[tilespmem:s21], [sflag:$0x5] =	stream.linear.gather [hbm4b:s7+s4], $0x78, $0x38;
	[tilespmem:$0x1F600] =	vst v63  }
0x115: {  	s11 =	sadd.s32 s6, s22;
	s22 =	simm.s32 $0x13E80;
	s7 =	rddreg [dreg:$0x6]  }
0x116: {  	[tilespmem:s22], [sflag:$0x6] =	stream.linear.gather [hbm4b:s11+s4], $0x78, $0x38;
	[tilespmem:$0x1F600] =	vst v63  }
0x117: {  	s11 =	sadd.s32 s6, s7;
	s7 =	simm.s32 $0x14180  }
0x118: {  	[tilespmem:s7], [sflag:$0x6] =	stream.linear.gather [hbm4b:s11+s4], $0x78, $0x38;
	[tilespmem:$0x1F600] =	vst v63  }
0x119: {  	_ =	swait.ge [sflag:s24], $0x78  }
0x11a: {  	[sflag:s24] =	ssyncset.done $0x0  }
0x11b: {  	[sflag:s24] =	ssyncadd.s32 $0xFFFFFF88  }
0x11c: {  	_ =	swait.ge [sflag:s24], $0x78  }
0x11d: {  	[sflag:s24] =	ssyncset.done $0x0  }
0x11e: {  	s11 =	simm.s32 $0x14200;
	[sflag:s24] =	ssyncadd.s32 $0xFFFFFF88  }
0x11f: {  	[tilespmem:s11], [sflag:$0x7] =	stream.indirect.gather [hbm4b:s1+s25], $0x80, s12, s25, $0xb8;
	[tilespmem:$0x1F600] =	vst v63  }
0x120: {  	_ =	swait.ge [sflag:s28], $0x78  }
0x121: {  	[sflag:s28] =	ssyncset.done $0x0  }
0x122: {  	[sflag:s28] =	ssyncadd.s32 $0xFFFFFF88  }
0x123: {  	_ =	swait.ge [sflag:s28], $0x78  }
0x124: {  	[sflag:s28] =	ssyncset.done $0x0  }
0x125: {  	[sflag:s28] =	ssyncadd.s32 $0xFFFFFF88  }
0x126: {  	[tilespmem:s29], [sflag:$0x8] =	stream.indirect.gather [hbm4b:s1+s25], $0x80, s14, s25, $0xb8;
	[tilespmem:$0x1F600] =	vst v63  }
0x127: {  	_ =	swait.ge [sflag:s30], $0x78  }
0x128: {  	[sflag:s30] =	ssyncset.done $0x0  }
0x129: {  	[sflag:s30] =	ssyncadd.s32 $0xFFFFFF88  }
0x12a: {  	_ =	swait.ge [sflag:s30], $0x78  }
0x12b: {  	[sflag:s30] =	ssyncset.done $0x0  }
0x12c: {  	[sflag:s30] =	ssyncadd.s32 $0xFFFFFF88  }
0x12d: {  	[tilespmem:s31], [sflag:$0x9] =	stream.indirect.gather [hbm4b:s1+s25], $0x80, s16, s25, $0xb8;
	[tilespmem:$0x1F600] =	vst v63  }
0x12e: {  	_ =	swait.ge [sflag:s0], $0x3C00  }
0x12f: {  	[sflag:s0] =	ssyncset.done $0x0  }
0x130: {  	[sflag:s0] =	ssyncadd.s32 $0xFFFFC400  }
0x131: {  	[spmem:s2] =	stream.indirect.scatter.add.f32 [tilespmem:s11], [sflag:$0x7], $0x80, s13, s25, $0xb8;
	[tilespmem:$0x1F600] =	vst v63  }
0x132: {  	_ =	swait.ge [sflag:s3], $0x3C00  }
0x133: {  	[sflag:s3] =	ssyncset.done $0x0  }
0x134: {  	[sflag:s3] =	ssyncadd.s32 $0xFFFFC400  }
0x135: {  	[spmem:s2] =	stream.indirect.scatter.add.f32 [tilespmem:s29], [sflag:$0x8], $0x80, s15, s25, $0xb8;
	[tilespmem:$0x1F600] =	vst v63  }
0x136: {  	_ =	swait.ge [sflag:s5], $0x3C00  }
0x137: {  	[sflag:s5] =	ssyncset.done $0x0  }
0x138: {  	[sflag:s5] =	ssyncadd.s32 $0xFFFFC400  }
0x139: {  	[spmem:s2] =	stream.indirect.scatter.add.f32 [tilespmem:s31], [sflag:$0x9], $0x80, s17, s25, $0xb8;
	[tilespmem:$0x1F600] =	vst v63  }
0x13a: {  	_ =	swait.ge [sflag:s0], $0x3C00  }
0x13b: {  	[sflag:s0] =	ssyncset.done $0x0  }
0x13c: {  	[sflag:s0] =	ssyncadd.s32 $0xFFFFC400  }
0x13d: {  	_ =	swait.ge [sflag:s8], $0x78  }
0x13e: {  	[sflag:s8] =	ssyncset.done $0x0  }
0x13f: {  	[sflag:s8] =	ssyncadd.s32 $0xFFFFFF88  }
0x140: {  	_ =	swait.ge [sflag:s8], $0x78  }
0x141: {  	[sflag:s8] =	ssyncset.done $0x0  }
0x142: {  	[sflag:s8] =	ssyncadd.s32 $0xFFFFFF88  }
0x143: {  	[tilespmem:s11], [sflag:$0x7] =	stream.indirect.gather [hbm4b:s1+s25], $0x80, s18, s25, $0xb8;
	[tilespmem:$0x1F600] =	vst v63  }
0x144: {  	_ =	swait.ge [sflag:s3], $0x3C00  }
0x145: {  	[sflag:s3] =	ssyncset.done $0x0  }
0x146: {  	[sflag:s3] =	ssyncadd.s32 $0xFFFFC400  }
0x147: {  	_ =	swait.ge [sflag:s9], $0x78  }
0x148: {  	[sflag:s9] =	ssyncset.done $0x0  }
0x149: {  	[sflag:s9] =	ssyncadd.s32 $0xFFFFFF88  }
0x14a: {  	_ =	swait.ge [sflag:s9], $0x78  }
0x14b: {  	[sflag:s9] =	ssyncset.done $0x0  }
0x14c: {  	[sflag:s9] =	ssyncadd.s32 $0xFFFFFF88  }
0x14d: {  	[tilespmem:s29], [sflag:$0x8] =	stream.indirect.gather [hbm4b:s1+s25], $0x80, s20, s25, $0xb8;
	[tilespmem:$0x1F600] =	vst v63  }
0x14e: {  	_ =	swait.ge [sflag:s5], $0x3C00  }
0x14f: {  	[sflag:s5] =	ssyncset.done $0x0  }
0x150: {  	[sflag:s5] =	ssyncadd.s32 $0xFFFFC400  }
0x151: {  	_ =	swait.ge [sflag:s10], $0x78  }
0x152: {  	[sflag:s10] =	ssyncset.done $0x0  }
0x153: {  	[sflag:s10] =	ssyncadd.s32 $0xFFFFFF88  }
0x154: {  	_ =	swait.ge [sflag:s10], $0x78  }
0x155: {  	[sflag:s10] =	ssyncset.done $0x0  }
0x156: {  	[sflag:s10] =	ssyncadd.s32 $0xFFFFFF88  }
0x157: {  	[tilespmem:s31], [sflag:$0x9] =	stream.indirect.gather [hbm4b:s1+s25], $0x80, s22, s25, $0xb8;
	[tilespmem:$0x1F600] =	vst v63  }
0x158: {  	_ =	swait.ge [sflag:s0], $0x3C00  }
0x159: {  	[sflag:s0] =	ssyncset.done $0x0  }
0x15a: {  	[sflag:s0] =	ssyncadd.s32 $0xFFFFC400  }
0x15b: {  	[spmem:s2] =	stream.indirect.scatter.add.f32 [tilespmem:s11], [sflag:$0x7], $0x80, s19, s25, $0xb8;
	[tilespmem:$0x1F600] =	vst v63  }
0x15c: {  	_ =	swait.ge [sflag:s3], $0x3C00  }
0x15d: {  	[sflag:s3] =	ssyncset.done $0x0  }
0x15e: {  	[sflag:s3] =	ssyncadd.s32 $0xFFFFC400  }
0x15f: {  	[spmem:s2] =	stream.indirect.scatter.add.f32 [tilespmem:s29], [sflag:$0x8], $0x80, s21, s25, $0xb8;
	[tilespmem:$0x1F600] =	vst v63  }
0x160: {  	_ =	swait.ge [sflag:s5], $0x3C00  }
0x161: {  	[sflag:s5] =	ssyncset.done $0x0  }
0x162: {  	[sflag:s5] =	ssyncadd.s32 $0xFFFFC400  }
0x163: {  	[spmem:s2] =	stream.indirect.scatter.add.f32 [tilespmem:s31], [sflag:$0x9], $0x80, s7, s25, $0xb8;
	[tilespmem:$0x1F600] =	vst v63  }
0x164: {  	_ =	swait.ge [sflag:s0], $0x3C00  }
0x165: {  	[sflag:s0] =	ssyncset.done $0x0  }
0x166: {  	[sflag:s0] =	ssyncadd.s32 $0xFFFFC400  }
0x167: {  	_ =	swait.ge [sflag:s3], $0x3C00  }
0x168: {  	[sflag:s3] =	ssyncset.done $0x0  }
0x169: {  	[sflag:s3] =	ssyncadd.s32 $0xFFFFC400  }
0x16a: {  	_ =	swait.ge [sflag:s5], $0x3C00  }
0x16b: {  	[sflag:s5] =	ssyncset.done $0x0  }
0x16c: {  	[sflag:s5] =	ssyncadd.s32 $0xFFFFC400  }
0x16d: {  	[bflag:$0x0] =	sbarrier.arrive $0xFFFF  }
0x16e: {  	s12 =	rddreg [dreg:$0x11]  }
0x16f: {  	s14 =	rddreg [dreg:$0x12]  }
0x170: {  	s7 =	rddreg [dreg:$0x14];
	s6 =	sshrl.u32 @p0 s12, $0x3  }
0x171: {  	[hbm:s7], [sflag:s14] =	dma.local @p0 [spmem:s6], $0x2080  }
0x172: {  	s6 =	simm.s32 @p0 $0xA  }
0x173: {  	_ =	swait.ge @p0 [sflag:s6], $0x2080  }
0x174: {  	[sflag:s6] =	ssyncset.done @p0 $0x0  }
0x175: {  	s7 =	rddreg [dreg:$0x13];
	[sflag:s6] =	ssyncadd.s32 @p0 $0xFFFFDF80;
	s6 =	sshrl.u32 @!p0 s12, $0x3  }
0x176: {  	[hbm:s7], [sflag:s14] =	dma.local @!p0 [spmem:s6], $0x2780  }
0x177: {  	s6 =	simm.s32 @!p0 $0xA  }
0x178: {  	_ =	swait.ge @!p0 [sflag:s6], $0x2780  }
0x179: {  	s21 =	rddreg [dreg:$0x16]  }
0x17a: {  	s22 =	rddreg [dreg:$0x15];
	s11 =	sadd.s32 $0x1, s21  }
0x17b: {  	p1 =	sne.s32 s11, s22  }
.Ltmp1:
0x17c: {  	_ = 	snop;
	(pc) =	sbr.rel @p1 .LBB2_1-.Ltmp1, $3  }
0x17d: {  	_ =	sdelay $0x1  }
0x17e: {  	[sflag:s6] =	ssyncset.done @!p0 $0x0  }
0x17f: {  	[sflag:s6] =	ssyncadd.s32 @!p0 $0xFFFFD880  }
0x180: {  	_ =	sfence.sel $0x180000  }
0x181: {  	[bflag:$0x0] =	sbarrier.arrive $0xFFFF  }
0x182: {  	_ =	strace $0x90000047  }
0x183: {  	s0 =	stileid.u32;
	[bflag:$0x2] =	sbarrier.arrive $0xFFFF  }
0x184: {  	p0 =	sne.s32 s0, $0x0;
	s0 =	rddreg [dreg:$0x3]  }
0x185: {  	s0 =	sadd.s32 @!p0 $0x100000, s0  }
0x186: {  	[sflag:s0] =	ssyncadd.tile.s32 @!p0 $0x1;
	_ =	shalt  }
.Lfunc_end2:
_tile_overlayer_lowered:
.L_overlay_start_2:
0x187: {  	(tag) =	ssettag $0x2  }
0x188: {  	s0 =	rddreg [dreg:$0x0];
	s2 =	stileid.u32  }
0x189: {  	s1 =	rddreg [dreg:$0x1];
	p0 =	sne.s32 s2, $0x0  }
0x18a: {  	s3 =	rddreg [dreg:$0x2];
	[bflag:$0x3] =	sbarrier.arrive $0xFFFF;
	s2 =	simm.s32 @!p0 $0x1C0A  }
0x18b: {  	[timem:s3], [sflag:s2] =	dma.local @!p0 [hbm:s0], s1  }
0x18c: {  	s0 =	simm.s32 @!p0 $0xA  }
0x18d: {  	_ =	swait.ge @!p0 [sflag:s0], s1  }
0x18e: {  	s1 =	ssub.s32 @!p0 $0x0, s1;
	[sflag:s0] =	ssyncset.done @!p0 $0x0  }
0x18f: {  	[sflag:s0] =	ssyncadd.s32 @!p0 s1  }
0x190: {  	[bflag:$0x3] =	sbarrier.arrive $0xFFFF  }
0x191: {  	_ =	shalt  }

</sc_bundles>
